<compile_context>
chip_gen: v7x
topology: tpu7x:2x2x1
jax: 0.10.2.dev20260603
libtpu: 0.0.44.dev20260713+nightly
codegen_flags: <defaults>
</compile_context>

<pallas_src>
import functools

import jax
import jax.numpy as jnp
from jax import lax
from jax.experimental import pallas as pl
from jax.experimental.pallas import tpu as pltpu
from jax.experimental.pallas import tpu_sc as plsc

N = 10000
NPAD = 10240
E = 160000
EPAD = 163840
D = 256
H = 128
K = 128
G = 8
ROWS_PER_TILE = NPAD // 16
F32 = jnp.float32

@functools.cache
def _mesh():
    return plsc.VectorSubcoreMesh(
        core_axis_name="c", subcore_axis_name="s", num_cores=2,
        num_subcores=16)


def _tc1_body(x_ref, w_ref, sa_ref, sb_ref):
    xb = x_ref[...]
    w = w_ref[...]
    sa_ref[...] = jnp.dot(xb, w[:, :H], preferred_element_type=F32)
    sb_ref[...] = jnp.dot(xb, w[:, H:], preferred_element_type=F32)


def _tc1(x, w1):
    return pl.pallas_call(
        _tc1_body,
        grid=(10,),
        in_specs=[
            pl.BlockSpec((1000, D), lambda i: (i, 0)),
            pl.BlockSpec((D, D), lambda i: (0, 0)),
        ],
        out_specs=[
            pl.BlockSpec((1000, H), lambda i: (i, 0)),
            pl.BlockSpec((1000, H), lambda i: (i, 0)),
        ],
        out_shape=[
            jax.ShapeDtypeStruct((NPAD, H), F32),
            jax.ShapeDtypeStruct((NPAD, H), F32),
        ],
    )(x, w1)


def _spmm_body(n_chunks, core_chunk_stride, two_tables, g, *refs):
    if two_tables:
        (ta, tb, srcp, dstp, o0, o1,
         acc, rb0, rb1, sA0, sA1, dA0, dA1, s0, s1, sp) = refs
    else:
        (ta, srcp, dstp, o0, o1,
         acc, rb0, rb1, sA0, sA1, dA0, dA1, s0, s1, sp) = refs
        tb = ta
    cid = lax.axis_index("c")
    tid = lax.axis_index("s")

    def _zrow(i, carry):
        def _zcol(j, c2):
            rb0[i, pl.ds(j * 16, 16)] = jnp.zeros((16,), F32)
            return c2
        return lax.fori_loop(0, 8, _zcol, carry)
    lax.fori_loop(0, 128, _zrow, 0)

    base = tid * ROWS_PER_TILE
    for j in range(ROWS_PER_TILE // K):
        pltpu.sync_copy(rb0, acc.at[pl.ds(base + j * K, K)])

    n_stages = n_chunks // g
    crow = cid * core_chunk_stride + tid * n_chunks
    pltpu.sync_copy(srcp.at[pl.ds(crow, g)], sA0)
    pltpu.sync_copy(dstp.at[pl.ds(crow, g)], dA0)
    plsc.subcore_barrier()

    def _gather(idx, rb, sem):
        @pl.when(cid == 0)
        def _():
            pltpu.make_async_copy(ta.at[idx], rb, sem).start()

        @pl.when(cid == 1)
        def _():
            pltpu.make_async_copy(tb.at[idx], rb, sem).start()

    def _gwait(rb, sem):
        pltpu.make_async_copy(ta.at[sA0.at[0]], rb, sem).wait()

    def _run_stage(sA, dA):
        _gather(sA.at[0], rb0, s0)
        _gather(sA.at[1], rb1, s1)

        def _pair(i, carry):
            k0 = 2 * i
            _gwait(rb0, s0)
            pltpu.sync_copy(rb0, acc.at[dA.at[k0]], add=True)

            @pl.when(k0 + 2 < g)
            def _():
                _gather(sA.at[k0 + 2], rb0, s0)
            _gwait(rb1, s1)
            pltpu.sync_copy(rb1, acc.at[dA.at[k0 + 1]], add=True)

            @pl.when(k0 + 3 < g)
            def _():
                _gather(sA.at[k0 + 3], rb1, s1)
            return carry
        lax.fori_loop(0, g // 2, _pair, 0)

    def _prefetch(stage, sA, dA):
        row = crow + stage * g
        pltpu.make_async_copy(srcp.at[pl.ds(row, g)], sA, sp).start()
        pltpu.make_async_copy(dstp.at[pl.ds(row, g)], dA, sp).start()

    def _pwait(sA, dA):
        pltpu.make_async_copy(srcp.at[pl.ds(crow, g)], sA, sp).wait()
        pltpu.make_async_copy(dstp.at[pl.ds(crow, g)], dA, sp).wait()

    def _outer(t, carry):
        s_even = 2 * t
        _prefetch(s_even + 1, sA1, dA1)
        _run_stage(sA0, dA0)
        _pwait(sA1, dA1)

        @pl.when(s_even + 2 < n_stages)
        def _():
            _prefetch(s_even + 2, sA0, dA0)
        _run_stage(sA1, dA1)

        @pl.when(s_even + 2 < n_stages)
        def _():
            _pwait(sA0, dA0)
        return carry
    lax.fori_loop(0, n_stages // 2, _outer, 0)
    if n_stages % 2:
        _run_stage(sA0, dA0)
    plsc.subcore_barrier()

    @pl.when(cid == 0)
    def _():
        pltpu.sync_copy(acc.at[pl.ds(base, ROWS_PER_TILE)],
                        o0.at[pl.ds(base, ROWS_PER_TILE)])

    @pl.when(cid == 1)
    def _():
        pltpu.sync_copy(acc.at[pl.ds(base, ROWS_PER_TILE)],
                        o1.at[pl.ds(base, ROWS_PER_TILE)])


def _make_spmm(n_chunks, core_chunk_stride, two_tables, g=G):
    body = functools.partial(_spmm_body, n_chunks, core_chunk_stride,
                             two_tables, g)
    g2 = g if n_chunks // g > 1 else 1
    return pl.kernel(
        body,
        out_type=[
            jax.ShapeDtypeStruct((NPAD, H), F32),
            jax.ShapeDtypeStruct((NPAD, H), F32),
        ],
        mesh=_mesh(),
        scratch_types=[
            pltpu.VMEM_SHARED((NPAD, H), F32),
            pltpu.VMEM((K, H), F32),
            pltpu.VMEM((K, H), F32),
            pltpu.VMEM((g, K), jnp.int32),
            pltpu.VMEM((g2, K), jnp.int32),
            pltpu.VMEM((g, K), jnp.int32),
            pltpu.VMEM((g2, K), jnp.int32),
            pltpu.SemaphoreType.DMA,
            pltpu.SemaphoreType.DMA,
            pltpu.SemaphoreType.DMA,
        ],
    )


def _tc2_body(h0_ref, h1_ref, b1_ref, w2_ref, s2_ref):
    a0 = jnp.maximum(h0_ref[...] + b1_ref[0:1, :], 0.0)
    a1 = jnp.maximum(h1_ref[...] + b1_ref[1:2, :], 0.0)
    s2_ref[...] = (jnp.dot(a0, w2_ref[:H, :], preferred_element_type=F32)
                   + jnp.dot(a1, w2_ref[H:, :], preferred_element_type=F32))


def _tc2(h0, h1, b1r, w2p):
    return pl.pallas_call(
        _tc2_body,
        grid=(10,),
        in_specs=[
            pl.BlockSpec((1000, H), lambda i: (i, 0)),
            pl.BlockSpec((1000, H), lambda i: (i, 0)),
            pl.BlockSpec((2, H), lambda i: (0, 0)),
            pl.BlockSpec((D, H), lambda i: (0, 0)),
        ],
        out_specs=pl.BlockSpec((1000, H), lambda i: (i, 0)),
        out_shape=jax.ShapeDtypeStruct((NPAD, H), F32),
    )(h0, h1, b1r, w2p)


def _tc3_body(p0_ref, p1_ref, b2_ref, out_ref):
    v = p0_ref[...] + p1_ref[...] + b2_ref[...]
    mask = lax.broadcasted_iota(jnp.int32, v.shape, 1) < 40
    vm = jnp.where(mask, v, jnp.float32(-1e30))
    mx = jnp.max(vm, axis=1, keepdims=True)
    ex = jnp.where(mask, jnp.exp(v - mx), 0.0)
    lse = jnp.log(jnp.sum(ex, axis=1, keepdims=True))
    res = v - mx - lse
    out_ref[...] = res[:, :40]


def _tc3(p0, p1, b2p):
    return pl.pallas_call(
        _tc3_body,
        grid=(10,),
        in_specs=[
            pl.BlockSpec((1000, H), lambda i: (i, 0)),
            pl.BlockSpec((1000, H), lambda i: (i, 0)),
            pl.BlockSpec((1, H), lambda i: (0, 0)),
        ],
        out_specs=pl.BlockSpec((1000, 40), lambda i: (i, 0)),
        out_shape=jax.ShapeDtypeStruct((N, 40), F32),
    )(p0, p1, b2p)


def kernel(x, edge_index, W1, b1, W2, b2):
    src = edge_index[0]
    dst = edge_index[1]
    pad = EPAD - E
    src_p = jnp.concatenate(
        [src, (jnp.arange(pad, dtype=jnp.int32) * 13) % N])
    dst_p = jnp.concatenate(
        [dst, N + (jnp.arange(pad, dtype=jnp.int32) % (NPAD - N))])
    src_p = src_p.reshape(EPAD // K, K)
    dst_p = dst_p.reshape(EPAD // K, K)
    w2p = jnp.zeros((D, H), F32).at[:, :40].set(W2)
    b1r = b1.reshape(2, H)
    b2p = jnp.zeros((1, H), F32).at[0, :40].set(b2)

    sa, sb = _tc1(x, W1)
    h0, h1 = _make_spmm(EPAD // 16 // K, 0, True, g=16)(sa, sb, src_p, dst_p)
    s2 = _tc2(h0, h1, b1r, w2p)
    p0, p1 = _make_spmm(EPAD // 2 // 16 // K, EPAD // 2 // K,
                        False, g=40)(s2, src_p, dst_p)
    return _tc3(p0, p1, b2p)

# --- scband reference (transcript-rebuilt; emitter-appended) ---
"""Pipeline reference for scband-gcnmodule-38371237822612 (READ-ONLY COPY).

The authoritative reference and input builder live on the scoring server;
editing this copy changes nothing except your own understanding.
"""

import jax, jax.numpy as jnp
import numpy as np

N_NODES = 10000
N_EDGES = 160000
D_FEAT = 256
D_LATENT = 256
N_CLASS = 40


def _glorot(key, shape):
    # mimics common torch weights_init (uniform glorot)
    limit = np.sqrt(6.0 / (shape[0] + shape[1]))
    return jax.random.uniform(key, shape, dtype=jnp.float32, minval=-limit, maxval=limit)


def setup_inputs(seed: int = 0) -> dict:
    key = jax.random.key(seed)
    k_x, k_e, k_w1, k_b1, k_w2, k_b2 = jax.random.split(key, 6)
    x = jax.random.normal(k_x, (N_NODES, D_FEAT), dtype=jnp.float32)
    edge_index = jax.random.randint(k_e, (2, N_EDGES), 0, N_NODES, dtype=jnp.int64 if jax.config.jax_enable_x64 else jnp.int32).astype(jnp.int32)
    W1 = _glorot(k_w1, (D_FEAT, D_LATENT))
    b1 = jax.random.uniform(k_b1, (D_LATENT,), dtype=jnp.float32, minval=-0.01, maxval=0.01)
    W2 = _glorot(k_w2, (D_LATENT, N_CLASS))
    b2 = jax.random.uniform(k_b2, (N_CLASS,), dtype=jnp.float32, minval=-0.01, maxval=0.01)
    return {"x": x, "edge_index": edge_index, "W1": W1, "b1": b1, "W2": W2, "b2": b2}


def _spmm_adj(edge_index, support, n_nodes):
    # adj is sparse COO adjacency with value 1.0: out[dst] += support[src]
    src = edge_index[0]
    dst = edge_index[1]
    gathered = jnp.take(support, src, axis=0)
    return jax.ops.segment_sum(gathered, dst, num_segments=n_nodes)


def reference(x, edge_index, W1, b1, W2, b2):
    n = x.shape[0]
    # gc1: support = x @ W1 ; output = spmm(adj, support) + b1
    support = x @ W1
    h = _spmm_adj(edge_index, support, n) + b1
    h = jax.nn.relu(h)
    # dropout in eval mode -> identity
    support2 = h @ W2
    out = _spmm_adj(edge_index, support2, n) + b2
    logits = jax.nn.log_softmax(out, axis=1)
    return logits

if __name__ == "__main__":
    import jax
    _d = setup_inputs()
    print(jax.jit(kernel)(*tuple(_d.values())))

</pallas_src>

<mosaic_0001>
#map = affine_map<(d0, d1) -> (0, 0)>
module attributes {stable_mosaic.version = 14 : i64} {
  func.func @_spmm_body(%arg0: i32, %arg1: i32, %arg2: memref<10240x128xf32, #tpu.memory_space<hbm>>, %arg3: memref<10240x128xf32, #tpu.memory_space<hbm>>, %arg4: memref<1280x128xi32, #tpu.memory_space<hbm>>, %arg5: memref<1280x128xi32, #tpu.memory_space<hbm>>, %arg6: memref<10240x128xf32, #tpu.memory_space<hbm>>, %arg7: memref<10240x128xf32, #tpu.memory_space<hbm>>, %arg8: memref<10240x128xf32, #tpu.memory_space<vmem_shared>>, %arg9: memref<128x128xf32, #tpu.memory_space<vmem>>, %arg10: memref<128x128xf32, #tpu.memory_space<vmem>>, %arg11: memref<16x128xi32, #tpu.memory_space<vmem>>, %arg12: memref<16x128xi32, #tpu.memory_space<vmem>>, %arg13: memref<16x128xi32, #tpu.memory_space<vmem>>, %arg14: memref<16x128xi32, #tpu.memory_space<vmem>>, %arg15: memref<!tpu.dma_semaphore, #tpu.memory_space<semaphore_mem>>, %arg16: memref<!tpu.dma_semaphore, #tpu.memory_space<semaphore_mem>>, %arg17: memref<!tpu.dma_semaphore, #tpu.memory_space<semaphore_mem>>) attributes {dimension_semantics = [#tpu.dimension_semantics<core_parallel>, #tpu.dimension_semantics<subcore_parallel>], iteration_bounds = array<i64: 2, 16>, scalar_prefetch = 0 : i64, scratch_operands = 10 : i64, tpu.core_type = #tpu.core_type<sc_vector_subcore>, window_params = [{transform_indices = #map}, {transform_indices = #map}, {transform_indices = #map}, {transform_indices = #map}, {transform_indices = #map}, {transform_indices = #map}]} {
    %scan3A = arith.constant 0 : i32
    %scan3A_0 = arith.constant 0 : i32
    %scan3A_1 = arith.constant 128 : i32
    %scan3A_2 = arith.addi %scan3A_0, %scan3A_1 : i32
    %scan3A_3 = arith.constant 1 : i32
    scf.for %scan3A_64 = %scan3A_0 to %scan3A_2 step %scan3A_3  : i32 {
      %scan3A_65 = arith.constant 0 : i32
      %scan3A_66 = arith.constant 8 : i32
      %scan3A_67 = arith.addi %scan3A_65, %scan3A_66 : i32
      %scan3A_68 = arith.constant 1 : i32
      scf.for %scan3A_70 = %scan3A_65 to %scan3A_67 step %scan3A_68  : i32 {
        %broadcast_in_dim3A = arith.constant 0.000000e+00 : f32
        %broadcast_in_dim3A_71 = vector.broadcast %broadcast_in_dim3A : f32 to vector<16xf32>
        %mul3A_72 = arith.constant 16 : i32
        %mul3A_73 = arith.muli %scan3A_70, %mul3A_72 : i32
        %swap3A = arith.index_cast %scan3A_64 : i32 to index
        %swap3A_74 = arith.index_cast %mul3A_73 : i32 to index
        %swap3A_75 = tpu.vector_load %arg9[%swap3A, %swap3A_74] {strides = array<i32>} : memref<128x128xf32, #tpu.memory_space<vmem>>, vector<1x16xf32>,
        %swap3A_76 = vector.shape_cast %swap3A_75 : vector<1x16xf32> to vector<16xf32>
        %swap3A_77 = vector.shape_cast %broadcast_in_dim3A_71 : vector<16xf32> to vector<1x16xf32>
        tpu.vector_store %arg9[%swap3A, %swap3A_74], %swap3A_77 {strides = array<i32>} : memref<128x128xf32, #tpu.memory_space<vmem>>, vector<1x16xf32>,
      }
      %scan3A_69 = arith.constant 8 : i32
    }
    %scan3A_4 = arith.constant 128 : i32
    %mul3A = arith.constant 640 : i32
    %mul3A_5 = arith.muli %arg1, %mul3A : i32
    %add3A = arith.constant 0 : i32
    %add3A_6 = arith.addi %mul3A_5, %add3A : i32
    "tpu.region"() ({
      %run_scoped3A = tpu.sem_alloc : memref<!tpu.dma_semaphore, #tpu.memory_space<semaphore_mem>>
      %dma_start3A = arith.constant 0 : i32
      %dma_start3A_64 = tpu.memref_slice %arg8[%add3A_6, %dma_start3A] : memref<10240x128xf32, #tpu.memory_space<vmem_shared>> -> memref<128x128xf32, #tpu.memory_space<vmem_shared>>
      %dma_start3A_65 = arith.constant 0 : i32
      %dma_start3A_66 = tpu.memref_slice %arg8[%add3A_6, %dma_start3A_65] : memref<10240x128xf32, #tpu.memory_space<vmem_shared>> -> memref<128x128xf32, #tpu.memory_space<vmem_shared>>
      tpu.enqueue_dma source(%arg9 : memref<128x128xf32, #tpu.memory_space<vmem>>) target(%dma_start3A_66 : memref<128x128xf32, #tpu.memory_space<vmem_shared>>) target_semaphore(%run_scoped3A : memref<!tpu.dma_semaphore, #tpu.memory_space<semaphore_mem>>)
      %dma_wait3A = arith.constant 0 : i32
      %dma_wait3A_67 = tpu.memref_slice %arg8[%add3A_6, %dma_wait3A] : memref<10240x128xf32, #tpu.memory_space<vmem_shared>> -> memref<128x128xf32, #tpu.memory_space<vmem_shared>>
      %dma_wait3A_68 = arith.constant 0 : i32
      %dma_wait3A_69 = tpu.memref_slice %arg8[%add3A_6, %dma_wait3A_68] : memref<10240x128xf32, #tpu.memory_space<vmem_shared>> -> memref<128x128xf32, #tpu.memory_space<vmem_shared>>
      tpu.wait_dma2 semaphore(%run_scoped3A : memref<!tpu.dma_semaphore, #tpu.memory_space<semaphore_mem>>) src(%arg9 : memref<128x128xf32, #tpu.memory_space<vmem>>) dst(%dma_wait3A_69 : memref<128x128xf32, #tpu.memory_space<vmem_shared>>)
      tpu.yield
    }) : () -> ()
    %add3A_7 = arith.constant 128 : i32
    %add3A_8 = arith.addi %mul3A_5, %add3A_7 : i32
    "tpu.region"() ({
      %run_scoped3A = tpu.sem_alloc : memref<!tpu.dma_semaphore, #tpu.memory_space<semaphore_mem>>
      %dma_start3A = arith.constant 0 : i32
      %dma_start3A_64 = tpu.memref_slice %arg8[%add3A_8, %dma_start3A] : memref<10240x128xf32, #tpu.memory_space<vmem_shared>> -> memref<128x128xf32, #tpu.memory_space<vmem_shared>>
      %dma_start3A_65 = arith.constant 0 : i32
      %dma_start3A_66 = tpu.memref_slice %arg8[%add3A_8, %dma_start3A_65] : memref<10240x128xf32, #tpu.memory_space<vmem_shared>> -> memref<128x128xf32, #tpu.memory_space<vmem_shared>>
      tpu.enqueue_dma source(%arg9 : memref<128x128xf32, #tpu.memory_space<vmem>>) target(%dma_start3A_66 : memref<128x128xf32, #tpu.memory_space<vmem_shared>>) target_semaphore(%run_scoped3A : memref<!tpu.dma_semaphore, #tpu.memory_space<semaphore_mem>>)
      %dma_wait3A = arith.constant 0 : i32
      %dma_wait3A_67 = tpu.memref_slice %arg8[%add3A_8, %dma_wait3A] : memref<10240x128xf32, #tpu.memory_space<vmem_shared>> -> memref<128x128xf32, #tpu.memory_space<vmem_shared>>
      %dma_wait3A_68 = arith.constant 0 : i32
      %dma_wait3A_69 = tpu.memref_slice %arg8[%add3A_8, %dma_wait3A_68] : memref<10240x128xf32, #tpu.memory_space<vmem_shared>> -> memref<128x128xf32, #tpu.memory_space<vmem_shared>>
      tpu.wait_dma2 semaphore(%run_scoped3A : memref<!tpu.dma_semaphore, #tpu.memory_space<semaphore_mem>>) src(%arg9 : memref<128x128xf32, #tpu.memory_space<vmem>>) dst(%dma_wait3A_69 : memref<128x128xf32, #tpu.memory_space<vmem_shared>>)
      tpu.yield
    }) : () -> ()
    %add3A_9 = arith.constant 256 : i32
    %add3A_10 = arith.addi %mul3A_5, %add3A_9 : i32
    "tpu.region"() ({
      %run_scoped3A = tpu.sem_alloc : memref<!tpu.dma_semaphore, #tpu.memory_space<semaphore_mem>>
      %dma_start3A = arith.constant 0 : i32
      %dma_start3A_64 = tpu.memref_slice %arg8[%add3A_10, %dma_start3A] : memref<10240x128xf32, #tpu.memory_space<vmem_shared>> -> memref<128x128xf32, #tpu.memory_space<vmem_shared>>
      %dma_start3A_65 = arith.constant 0 : i32
      %dma_start3A_66 = tpu.memref_slice %arg8[%add3A_10, %dma_start3A_65] : memref<10240x128xf32, #tpu.memory_space<vmem_shared>> -> memref<128x128xf32, #tpu.memory_space<vmem_shared>>
      tpu.enqueue_dma source(%arg9 : memref<128x128xf32, #tpu.memory_space<vmem>>) target(%dma_start3A_66 : memref<128x128xf32, #tpu.memory_space<vmem_shared>>) target_semaphore(%run_scoped3A : memref<!tpu.dma_semaphore, #tpu.memory_space<semaphore_mem>>)
      %dma_wait3A = arith.constant 0 : i32
      %dma_wait3A_67 = tpu.memref_slice %arg8[%add3A_10, %dma_wait3A] : memref<10240x128xf32, #tpu.memory_space<vmem_shared>> -> memref<128x128xf32, #tpu.memory_space<vmem_shared>>
      %dma_wait3A_68 = arith.constant 0 : i32
      %dma_wait3A_69 = tpu.memref_slice %arg8[%add3A_10, %dma_wait3A_68] : memref<10240x128xf32, #tpu.memory_space<vmem_shared>> -> memref<128x128xf32, #tpu.memory_space<vmem_shared>>
      tpu.wait_dma2 semaphore(%run_scoped3A : memref<!tpu.dma_semaphore, #tpu.memory_space<semaphore_mem>>) src(%arg9 : memref<128x128xf32, #tpu.memory_space<vmem>>) dst(%dma_wait3A_69 : memref<128x128xf32, #tpu.memory_space<vmem_shared>>)
      tpu.yield
    }) : () -> ()
    %add3A_11 = arith.constant 384 : i32
    %add3A_12 = arith.addi %mul3A_5, %add3A_11 : i32
    "tpu.region"() ({
      %run_scoped3A = tpu.sem_alloc : memref<!tpu.dma_semaphore, #tpu.memory_space<semaphore_mem>>
      %dma_start3A = arith.constant 0 : i32
      %dma_start3A_64 = tpu.memref_slice %arg8[%add3A_12, %dma_start3A] : memref<10240x128xf32, #tpu.memory_space<vmem_shared>> -> memref<128x128xf32, #tpu.memory_space<vmem_shared>>
      %dma_start3A_65 = arith.constant 0 : i32
      %dma_start3A_66 = tpu.memref_slice %arg8[%add3A_12, %dma_start3A_65] : memref<10240x128xf32, #tpu.memory_space<vmem_shared>> -> memref<128x128xf32, #tpu.memory_space<vmem_shared>>
      tpu.enqueue_dma source(%arg9 : memref<128x128xf32, #tpu.memory_space<vmem>>) target(%dma_start3A_66 : memref<128x128xf32, #tpu.memory_space<vmem_shared>>) target_semaphore(%run_scoped3A : memref<!tpu.dma_semaphore, #tpu.memory_space<semaphore_mem>>)
      %dma_wait3A = arith.constant 0 : i32
      %dma_wait3A_67 = tpu.memref_slice %arg8[%add3A_12, %dma_wait3A] : memref<10240x128xf32, #tpu.memory_space<vmem_shared>> -> memref<128x128xf32, #tpu.memory_space<vmem_shared>>
      %dma_wait3A_68 = arith.constant 0 : i32
      %dma_wait3A_69 = tpu.memref_slice %arg8[%add3A_12, %dma_wait3A_68] : memref<10240x128xf32, #tpu.memory_space<vmem_shared>> -> memref<128x128xf32, #tpu.memory_space<vmem_shared>>
      tpu.wait_dma2 semaphore(%run_scoped3A : memref<!tpu.dma_semaphore, #tpu.memory_space<semaphore_mem>>) src(%arg9 : memref<128x128xf32, #tpu.memory_space<vmem>>) dst(%dma_wait3A_69 : memref<128x128xf32, #tpu.memory_space<vmem_shared>>)
      tpu.yield
    }) : () -> ()
    %add3A_13 = arith.constant 512 : i32
    %add3A_14 = arith.addi %mul3A_5, %add3A_13 : i32
    "tpu.region"() ({
      %run_scoped3A = tpu.sem_alloc : memref<!tpu.dma_semaphore, #tpu.memory_space<semaphore_mem>>
      %dma_start3A = arith.constant 0 : i32
      %dma_start3A_64 = tpu.memref_slice %arg8[%add3A_14, %dma_start3A] : memref<10240x128xf32, #tpu.memory_space<vmem_shared>> -> memref<128x128xf32, #tpu.memory_space<vmem_shared>>
      %dma_start3A_65 = arith.constant 0 : i32
      %dma_start3A_66 = tpu.memref_slice %arg8[%add3A_14, %dma_start3A_65] : memref<10240x128xf32, #tpu.memory_space<vmem_shared>> -> memref<128x128xf32, #tpu.memory_space<vmem_shared>>
      tpu.enqueue_dma source(%arg9 : memref<128x128xf32, #tpu.memory_space<vmem>>) target(%dma_start3A_66 : memref<128x128xf32, #tpu.memory_space<vmem_shared>>) target_semaphore(%run_scoped3A : memref<!tpu.dma_semaphore, #tpu.memory_space<semaphore_mem>>)
      %dma_wait3A = arith.constant 0 : i32
      %dma_wait3A_67 = tpu.memref_slice %arg8[%add3A_14, %dma_wait3A] : memref<10240x128xf32, #tpu.memory_space<vmem_shared>> -> memref<128x128xf32, #tpu.memory_space<vmem_shared>>
      %dma_wait3A_68 = arith.constant 0 : i32
      %dma_wait3A_69 = tpu.memref_slice %arg8[%add3A_14, %dma_wait3A_68] : memref<10240x128xf32, #tpu.memory_space<vmem_shared>> -> memref<128x128xf32, #tpu.memory_space<vmem_shared>>
      tpu.wait_dma2 semaphore(%run_scoped3A : memref<!tpu.dma_semaphore, #tpu.memory_space<semaphore_mem>>) src(%arg9 : memref<128x128xf32, #tpu.memory_space<vmem>>) dst(%dma_wait3A_69 : memref<128x128xf32, #tpu.memory_space<vmem_shared>>)
      tpu.yield
    }) : () -> ()
    %mul3A_15 = arith.constant 0 : i32
    %mul3A_16 = arith.muli %arg0, %mul3A_15 : i32
    %mul3A_17 = arith.constant 80 : i32
    %mul3A_18 = arith.muli %arg1, %mul3A_17 : i32
    %add3A_19 = arith.addi %mul3A_16, %mul3A_18 : i32
    "tpu.region"() ({
      %run_scoped3A = tpu.sem_alloc : memref<!tpu.dma_semaphore, #tpu.memory_space<semaphore_mem>>
      %dma_start3A = arith.constant 0 : i32
      %dma_start3A_64 = tpu.memref_slice %arg4[%add3A_19, %dma_start3A] : memref<1280x128xi32, #tpu.memory_space<hbm>> -> memref<16x128xi32, #tpu.memory_space<hbm>>
      %dma_start3A_65 = arith.constant 0 : i32
      %dma_start3A_66 = tpu.memref_slice %arg4[%add3A_19, %dma_start3A_65] : memref<1280x128xi32, #tpu.memory_space<hbm>> -> memref<16x128xi32, #tpu.memory_space<hbm>>
      tpu.enqueue_dma source(%dma_start3A_66 : memref<16x128xi32, #tpu.memory_space<hbm>>) target(%arg11 : memref<16x128xi32, #tpu.memory_space<vmem>>) target_semaphore(%run_scoped3A : memref<!tpu.dma_semaphore, #tpu.memory_space<semaphore_mem>>)
      %dma_wait3A = arith.constant 0 : i32
      %dma_wait3A_67 = tpu.memref_slice %arg4[%add3A_19, %dma_wait3A] : memref<1280x128xi32, #tpu.memory_space<hbm>> -> memref<16x128xi32, #tpu.memory_space<hbm>>
      %dma_wait3A_68 = arith.constant 0 : i32
      %dma_wait3A_69 = tpu.memref_slice %arg4[%add3A_19, %dma_wait3A_68] : memref<1280x128xi32, #tpu.memory_space<hbm>> -> memref<16x128xi32, #tpu.memory_space<hbm>>
      tpu.wait_dma2 semaphore(%run_scoped3A : memref<!tpu.dma_semaphore, #tpu.memory_space<semaphore_mem>>) src(%dma_wait3A_69 : memref<16x128xi32, #tpu.memory_space<hbm>>) dst(%arg11 : memref<16x128xi32, #tpu.memory_space<vmem>>)
      tpu.yield
    }) : () -> ()
    "tpu.region"() ({
      %run_scoped3A = tpu.sem_alloc : memref<!tpu.dma_semaphore, #tpu.memory_space<semaphore_mem>>
      %dma_start3A = arith.constant 0 : i32
      %dma_start3A_64 = tpu.memref_slice %arg5[%add3A_19, %dma_start3A] : memref<1280x128xi32, #tpu.memory_space<hbm>> -> memref<16x128xi32, #tpu.memory_space<hbm>>
      %dma_start3A_65 = arith.constant 0 : i32
      %dma_start3A_66 = tpu.memref_slice %arg5[%add3A_19, %dma_start3A_65] : memref<1280x128xi32, #tpu.memory_space<hbm>> -> memref<16x128xi32, #tpu.memory_space<hbm>>
      tpu.enqueue_dma source(%dma_start3A_66 : memref<16x128xi32, #tpu.memory_space<hbm>>) target(%arg13 : memref<16x128xi32, #tpu.memory_space<vmem>>) target_semaphore(%run_scoped3A : memref<!tpu.dma_semaphore, #tpu.memory_space<semaphore_mem>>)
      %dma_wait3A = arith.constant 0 : i32
      %dma_wait3A_67 = tpu.memref_slice %arg5[%add3A_19, %dma_wait3A] : memref<1280x128xi32, #tpu.memory_space<hbm>> -> memref<16x128xi32, #tpu.memory_space<hbm>>
      %dma_wait3A_68 = arith.constant 0 : i32
      %dma_wait3A_69 = tpu.memref_slice %arg5[%add3A_19, %dma_wait3A_68] : memref<1280x128xi32, #tpu.memory_space<hbm>> -> memref<16x128xi32, #tpu.memory_space<hbm>>
      tpu.wait_dma2 semaphore(%run_scoped3A : memref<!tpu.dma_semaphore, #tpu.memory_space<semaphore_mem>>) src(%dma_wait3A_69 : memref<16x128xi32, #tpu.memory_space<hbm>>) dst(%arg13 : memref<16x128xi32, #tpu.memory_space<vmem>>)
      tpu.yield
    }) : () -> ()
    %barrier3A = arith.constant 0 : index
    tpu.barrier barrier_id(%barrier3A)
    %scan3A_20 = arith.constant 0 : i32
    %scan3A_21 = arith.constant 0 : i32
    %scan3A_22 = arith.constant 2 : i32
    %scan3A_23 = arith.addi %scan3A_21, %scan3A_22 : i32
    %scan3A_24 = arith.constant 1 : i32
    scf.for %scan3A_64 = %scan3A_21 to %scan3A_23 step %scan3A_24  : i32 {
      %mul3A_65 = arith.constant 2 : i32
      %mul3A_66 = arith.muli %mul3A_65, %scan3A_64 : i32
      %add3A_67 = arith.constant 1 : i32
      %add3A_68 = arith.addi %mul3A_66, %add3A_67 : i32
      %mul3A_69 = arith.constant 16 : i32
      %mul3A_70 = arith.muli %add3A_68, %mul3A_69 : i32
      %add3A_71 = arith.addi %add3A_19, %mul3A_70 : i32
      %dma_start3A = arith.constant 0 : i32
      %dma_start3A_72 = tpu.memref_slice %arg4[%add3A_71, %dma_start3A] : memref<1280x128xi32, #tpu.memory_space<hbm>> -> memref<16x128xi32, #tpu.memory_space<hbm>>
      %dma_start3A_73 = arith.constant 0 : i32
      %dma_start3A_74 = tpu.memref_slice %arg4[%add3A_71, %dma_start3A_73] : memref<1280x128xi32, #tpu.memory_space<hbm>> -> memref<16x128xi32, #tpu.memory_space<hbm>>
      tpu.enqueue_dma source(%dma_start3A_74 : memref<16x128xi32, #tpu.memory_space<hbm>>) target(%arg12 : memref<16x128xi32, #tpu.memory_space<vmem>>) target_semaphore(%arg17 : memref<!tpu.dma_semaphore, #tpu.memory_space<semaphore_mem>>)
      %dma_start3A_75 = arith.constant 0 : i32
      %dma_start3A_76 = tpu.memref_slice %arg5[%add3A_71, %dma_start3A_75] : memref<1280x128xi32, #tpu.memory_space<hbm>> -> memref<16x128xi32, #tpu.memory_space<hbm>>
      %dma_start3A_77 = arith.constant 0 : i32
      %dma_start3A_78 = tpu.memref_slice %arg5[%add3A_71, %dma_start3A_77] : memref<1280x128xi32, #tpu.memory_space<hbm>> -> memref<16x128xi32, #tpu.memory_space<hbm>>
      tpu.enqueue_dma source(%dma_start3A_78 : memref<16x128xi32, #tpu.memory_space<hbm>>) target(%arg14 : memref<16x128xi32, #tpu.memory_space<vmem>>) target_semaphore(%arg17 : memref<!tpu.dma_semaphore, #tpu.memory_space<semaphore_mem>>)
      %eq3A_79 = arith.constant 0 : i32
      %eq3A_80 = arith.cmpi eq, %arg0, %eq3A_79 : i32
      %convert_element_type3A_81 = arith.extui %eq3A_80 : i1 to i32
      %cond3A_82 = arith.constant 0 : i32
      %cond3A_83 = arith.constant 0 : i32
      %cond3A_84 = arith.cmpi ne, %convert_element_type3A_81, %cond3A_83 : i32
      scf.if %cond3A_84 {
        %dma_start3A_159 = arith.constant 0 : i32
        %dma_start3A_160 = tpu.memref_slice %arg11[%cond3A_82, %dma_start3A_159] : memref<16x128xi32, #tpu.memory_space<vmem>> -> memref<1x128xi32, #tpu.memory_space<vmem>>
        %dma_start3A_161 = tpu.memref_squeeze %dma_start3A_160 : memref<1x128xi32, #tpu.memory_space<vmem>> -> memref<128xi32, #tpu.memory_space<vmem>>
        %dma_start3A_162 = arith.constant 0 : i32
        %dma_start3A_163 = arith.constant 0 : i32
        %dma_start3A_164 = tpu.memref_slice %arg2[%dma_start3A_162, %dma_start3A_163] : memref<10240x128xf32, #tpu.memory_space<hbm>> -> memref<10240x128xf32, #tpu.memory_space<hbm>>
        tpu.enqueue_indirect_dma source(%dma_start3A_164 : memref<10240x128xf32, #tpu.memory_space<hbm>>) target(%arg9 : memref<128x128xf32, #tpu.memory_space<vmem>>) offsets(%dma_start3A_161 : memref<128xi32, #tpu.memory_space<vmem>>) semaphore(%arg15 : memref<!tpu.dma_semaphore, #tpu.memory_space<semaphore_mem>>)
      } else {
      }
      %eq3A_85 = arith.constant 1 : i32
      %eq3A_86 = arith.cmpi eq, %arg0, %eq3A_85 : i32
      %convert_element_type3A_87 = arith.extui %eq3A_86 : i1 to i32
      %cond3A_88 = arith.constant 0 : i32
      %cond3A_89 = arith.constant 0 : i32
      %cond3A_90 = arith.cmpi ne, %convert_element_type3A_87, %cond3A_89 : i32
      scf.if %cond3A_90 {
        %dma_start3A_159 = arith.constant 0 : i32
        %dma_start3A_160 = tpu.memref_slice %arg11[%cond3A_88, %dma_start3A_159] : memref<16x128xi32, #tpu.memory_space<vmem>> -> memref<1x128xi32, #tpu.memory_space<vmem>>
        %dma_start3A_161 = tpu.memref_squeeze %dma_start3A_160 : memref<1x128xi32, #tpu.memory_space<vmem>> -> memref<128xi32, #tpu.memory_space<vmem>>
        %dma_start3A_162 = arith.constant 0 : i32
        %dma_start3A_163 = arith.constant 0 : i32
        %dma_start3A_164 = tpu.memref_slice %arg3[%dma_start3A_162, %dma_start3A_163] : memref<10240x128xf32, #tpu.memory_space<hbm>> -> memref<10240x128xf32, #tpu.memory_space<hbm>>
        tpu.enqueue_indirect_dma source(%dma_start3A_164 : memref<10240x128xf32, #tpu.memory_space<hbm>>) target(%arg9 : memref<128x128xf32, #tpu.memory_space<vmem>>) offsets(%dma_start3A_161 : memref<128xi32, #tpu.memory_space<vmem>>) semaphore(%arg15 : memref<!tpu.dma_semaphore, #tpu.memory_space<semaphore_mem>>)
      } else {
      }
      %eq3A_91 = arith.constant 0 : i32
      %eq3A_92 = arith.cmpi eq, %arg0, %eq3A_91 : i32
      %convert_element_type3A_93 = arith.extui %eq3A_92 : i1 to i32
      %cond3A_94 = arith.constant 1 : i32
      %cond3A_95 = arith.constant 0 : i32
      %cond3A_96 = arith.cmpi ne, %convert_element_type3A_93, %cond3A_95 : i32
      scf.if %cond3A_96 {
        %dma_start3A_159 = arith.constant 0 : i32
        %dma_start3A_160 = tpu.memref_slice %arg11[%cond3A_94, %dma_start3A_159] : memref<16x128xi32, #tpu.memory_space<vmem>> -> memref<1x128xi32, #tpu.memory_space<vmem>>
        %dma_start3A_161 = tpu.memref_squeeze %dma_start3A_160 : memref<1x128xi32, #tpu.memory_space<vmem>> -> memref<128xi32, #tpu.memory_space<vmem>>
        %dma_start3A_162 = arith.constant 0 : i32
        %dma_start3A_163 = arith.constant 0 : i32
        %dma_start3A_164 = tpu.memref_slice %arg2[%dma_start3A_162, %dma_start3A_163] : memref<10240x128xf32, #tpu.memory_space<hbm>> -> memref<10240x128xf32, #tpu.memory_space<hbm>>
        tpu.enqueue_indirect_dma source(%dma_start3A_164 : memref<10240x128xf32, #tpu.memory_space<hbm>>) target(%arg10 : memref<128x128xf32, #tpu.memory_space<vmem>>) offsets(%dma_start3A_161 : memref<128xi32, #tpu.memory_space<vmem>>) semaphore(%arg16 : memref<!tpu.dma_semaphore, #tpu.memory_space<semaphore_mem>>)
      } else {
      }
      %eq3A_97 = arith.constant 1 : i32
      %eq3A_98 = arith.cmpi eq, %arg0, %eq3A_97 : i32
      %convert_element_type3A_99 = arith.extui %eq3A_98 : i1 to i32
      %cond3A_100 = arith.constant 1 : i32
      %cond3A_101 = arith.constant 0 : i32
      %cond3A_102 = arith.cmpi ne, %convert_element_type3A_99, %cond3A_101 : i32
      scf.if %cond3A_102 {
        %dma_start3A_159 = arith.constant 0 : i32
        %dma_start3A_160 = tpu.memref_slice %arg11[%cond3A_100, %dma_start3A_159] : memref<16x128xi32, #tpu.memory_space<vmem>> -> memref<1x128xi32, #tpu.memory_space<vmem>>
        %dma_start3A_161 = tpu.memref_squeeze %dma_start3A_160 : memref<1x128xi32, #tpu.memory_space<vmem>> -> memref<128xi32, #tpu.memory_space<vmem>>
        %dma_start3A_162 = arith.constant 0 : i32
        %dma_start3A_163 = arith.constant 0 : i32
        %dma_start3A_164 = tpu.memref_slice %arg3[%dma_start3A_162, %dma_start3A_163] : memref<10240x128xf32, #tpu.memory_space<hbm>> -> memref<10240x128xf32, #tpu.memory_space<hbm>>
        tpu.enqueue_indirect_dma source(%dma_start3A_164 : memref<10240x128xf32, #tpu.memory_space<hbm>>) target(%arg10 : memref<128x128xf32, #tpu.memory_space<vmem>>) offsets(%dma_start3A_161 : memref<128xi32, #tpu.memory_space<vmem>>) semaphore(%arg16 : memref<!tpu.dma_semaphore, #tpu.memory_space<semaphore_mem>>)
      } else {
      }
      %scan3A_103 = arith.constant 0 : i32
      %scan3A_104 = arith.constant 0 : i32
      %scan3A_105 = arith.constant 8 : i32
      %scan3A_106 = arith.addi %scan3A_104, %scan3A_105 : i32
      %scan3A_107 = arith.constant 1 : i32
      scf.for %scan3A_159 = %scan3A_104 to %scan3A_106 step %scan3A_107  : i32 {
        %mul3A_160 = arith.constant 2 : i32
        %mul3A_161 = arith.muli %mul3A_160, %scan3A_159 : i32
        %dma_wait3A_162 = arith.constant 0 : i32
        %dma_wait3A_163 = arith.constant 0 : i32
        %dma_wait3A_164 = tpu.memref_slice %arg11[%dma_wait3A_162, %dma_wait3A_163] : memref<16x128xi32, #tpu.memory_space<vmem>> -> memref<1x128xi32, #tpu.memory_space<vmem>>
        %dma_wait3A_165 = tpu.memref_squeeze %dma_wait3A_164 : memref<1x128xi32, #tpu.memory_space<vmem>> -> memref<128xi32, #tpu.memory_space<vmem>>
        %dma_wait3A_166 = arith.constant 0 : i32
        %dma_wait3A_167 = arith.constant 0 : i32
        %dma_wait3A_168 = tpu.memref_slice %arg2[%dma_wait3A_166, %dma_wait3A_167] : memref<10240x128xf32, #tpu.memory_space<hbm>> -> memref<10240x128xf32, #tpu.memory_space<hbm>>
        tpu.wait_indirect_dma semaphore(%arg15 : memref<!tpu.dma_semaphore, #tpu.memory_space<semaphore_mem>>) src(%dma_wait3A_168 : memref<10240x128xf32, #tpu.memory_space<hbm>>) dst(%arg9 : memref<128x128xf32, #tpu.memory_space<vmem>>)
        "tpu.region"() ({
          %run_scoped3A = tpu.sem_alloc : memref<!tpu.dma_semaphore, #tpu.memory_space<semaphore_mem>>
          %dma_start3A_192 = arith.constant 0 : i32
          %dma_start3A_193 = tpu.memref_slice %arg13[%mul3A_161, %dma_start3A_192] : memref<16x128xi32, #tpu.memory_space<vmem>> -> memref<1x128xi32, #tpu.memory_space<vmem>>
          %dma_start3A_194 = tpu.memref_squeeze %dma_start3A_193 : memref<1x128xi32, #tpu.memory_space<vmem>> -> memref<128xi32, #tpu.memory_space<vmem>>
          %dma_start3A_195 = arith.constant 0 : i32
          %dma_start3A_196 = arith.constant 0 : i32
          %dma_start3A_197 = tpu.memref_slice %arg8[%dma_start3A_195, %dma_start3A_196] : memref<10240x128xf32, #tpu.memory_space<vmem_shared>> -> memref<10240x128xf32, #tpu.memory_space<vmem_shared>>
          tpu.enqueue_indirect_dma source(%arg9 : memref<128x128xf32, #tpu.memory_space<vmem>>) target(%dma_start3A_197 : memref<10240x128xf32, #tpu.memory_space<vmem_shared>>) offsets(%dma_start3A_194 : memref<128xi32, #tpu.memory_space<vmem>>) semaphore(%run_scoped3A : memref<!tpu.dma_semaphore, #tpu.memory_space<semaphore_mem>>) {add = true}
          %dma_wait3A_198 = arith.constant 0 : i32
          %dma_wait3A_199 = tpu.memref_slice %arg13[%mul3A_161, %dma_wait3A_198] : memref<16x128xi32, #tpu.memory_space<vmem>> -> memref<1x128xi32, #tpu.memory_space<vmem>>
          %dma_wait3A_200 = tpu.memref_squeeze %dma_wait3A_199 : memref<1x128xi32, #tpu.memory_space<vmem>> -> memref<128xi32, #tpu.memory_space<vmem>>
          %dma_wait3A_201 = arith.constant 0 : i32
          %dma_wait3A_202 = arith.constant 0 : i32
          %dma_wait3A_203 = tpu.memref_slice %arg8[%dma_wait3A_201, %dma_wait3A_202] : memref<10240x128xf32, #tpu.memory_space<vmem_shared>> -> memref<10240x128xf32, #tpu.memory_space<vmem_shared>>
          tpu.wait_indirect_dma semaphore(%run_scoped3A : memref<!tpu.dma_semaphore, #tpu.memory_space<semaphore_mem>>) src(%arg9 : memref<128x128xf32, #tpu.memory_space<vmem>>) dst(%dma_wait3A_203 : memref<10240x128xf32, #tpu.memory_space<vmem_shared>>)
          tpu.yield
        }) : () -> ()
        %add3A_169 = arith.constant 2 : i32
        %add3A_170 = arith.addi %mul3A_161, %add3A_169 : i32
        %lt3A_171 = arith.constant 16 : i32
        %lt3A_172 = arith.cmpi slt, %add3A_170, %lt3A_171 : i32
        %convert_element_type3A_173 = arith.extui %lt3A_172 : i1 to i32
        %cond3A_174 = arith.constant 0 : i32
        %cond3A_175 = arith.cmpi ne, %convert_element_type3A_173, %cond3A_174 : i32
        scf.if %cond3A_175 {
          %add3A_192 = arith.constant 2 : i32
          %add3A_193 = arith.addi %mul3A_161, %add3A_192 : i32
          %eq3A_194 = arith.constant 0 : i32
          %eq3A_195 = arith.cmpi eq, %arg0, %eq3A_194 : i32
          %convert_element_type3A_196 = arith.extui %eq3A_195 : i1 to i32
          %cond3A_197 = arith.constant 0 : i32
          %cond3A_198 = arith.cmpi ne, %convert_element_type3A_196, %cond3A_197 : i32
          scf.if %cond3A_198 {
            %dma_start3A_204 = arith.constant 0 : i32
            %dma_start3A_205 = tpu.memref_slice %arg11[%add3A_193, %dma_start3A_204] : memref<16x128xi32, #tpu.memory_space<vmem>> -> memref<1x128xi32, #tpu.memory_space<vmem>>
            %dma_start3A_206 = tpu.memref_squeeze %dma_start3A_205 : memref<1x128xi32, #tpu.memory_space<vmem>> -> memref<128xi32, #tpu.memory_space<vmem>>
            %dma_start3A_207 = arith.constant 0 : i32
            %dma_start3A_208 = arith.constant 0 : i32
            %dma_start3A_209 = tpu.memref_slice %arg2[%dma_start3A_207, %dma_start3A_208] : memref<10240x128xf32, #tpu.memory_space<hbm>> -> memref<10240x128xf32, #tpu.memory_space<hbm>>
            tpu.enqueue_indirect_dma source(%dma_start3A_209 : memref<10240x128xf32, #tpu.memory_space<hbm>>) target(%arg9 : memref<128x128xf32, #tpu.memory_space<vmem>>) offsets(%dma_start3A_206 : memref<128xi32, #tpu.memory_space<vmem>>) semaphore(%arg15 : memref<!tpu.dma_semaphore, #tpu.memory_space<semaphore_mem>>)
          } else {
          }
          %eq3A_199 = arith.constant 1 : i32
          %eq3A_200 = arith.cmpi eq, %arg0, %eq3A_199 : i32
          %convert_element_type3A_201 = arith.extui %eq3A_200 : i1 to i32
          %cond3A_202 = arith.constant 0 : i32
          %cond3A_203 = arith.cmpi ne, %convert_element_type3A_201, %cond3A_202 : i32
          scf.if %cond3A_203 {
            %dma_start3A_204 = arith.constant 0 : i32
            %dma_start3A_205 = tpu.memref_slice %arg11[%add3A_193, %dma_start3A_204] : memref<16x128xi32, #tpu.memory_space<vmem>> -> memref<1x128xi32, #tpu.memory_space<vmem>>
            %dma_start3A_206 = tpu.memref_squeeze %dma_start3A_205 : memref<1x128xi32, #tpu.memory_space<vmem>> -> memref<128xi32, #tpu.memory_space<vmem>>
            %dma_start3A_207 = arith.constant 0 : i32
            %dma_start3A_208 = arith.constant 0 : i32
            %dma_start3A_209 = tpu.memref_slice %arg3[%dma_start3A_207, %dma_start3A_208] : memref<10240x128xf32, #tpu.memory_space<hbm>> -> memref<10240x128xf32, #tpu.memory_space<hbm>>
            tpu.enqueue_indirect_dma source(%dma_start3A_209 : memref<10240x128xf32, #tpu.memory_space<hbm>>) target(%arg9 : memref<128x128xf32, #tpu.memory_space<vmem>>) offsets(%dma_start3A_206 : memref<128xi32, #tpu.memory_space<vmem>>) semaphore(%arg15 : memref<!tpu.dma_semaphore, #tpu.memory_space<semaphore_mem>>)
          } else {
          }
        } else {
        }
        %dma_wait3A_176 = arith.constant 0 : i32
        %dma_wait3A_177 = arith.constant 0 : i32
        %dma_wait3A_178 = tpu.memref_slice %arg11[%dma_wait3A_176, %dma_wait3A_177] : memref<16x128xi32, #tpu.memory_space<vmem>> -> memref<1x128xi32, #tpu.memory_space<vmem>>
        %dma_wait3A_179 = tpu.memref_squeeze %dma_wait3A_178 : memref<1x128xi32, #tpu.memory_space<vmem>> -> memref<128xi32, #tpu.memory_space<vmem>>
        %dma_wait3A_180 = arith.constant 0 : i32
        %dma_wait3A_181 = arith.constant 0 : i32
        %dma_wait3A_182 = tpu.memref_slice %arg2[%dma_wait3A_180, %dma_wait3A_181] : memref<10240x128xf32, #tpu.memory_space<hbm>> -> memref<10240x128xf32, #tpu.memory_space<hbm>>
        tpu.wait_indirect_dma semaphore(%arg16 : memref<!tpu.dma_semaphore, #tpu.memory_space<semaphore_mem>>) src(%dma_wait3A_182 : memref<10240x128xf32, #tpu.memory_space<hbm>>) dst(%arg10 : memref<128x128xf32, #tpu.memory_space<vmem>>)
        %add3A_183 = arith.constant 1 : i32
        %add3A_184 = arith.addi %mul3A_161, %add3A_183 : i32
        "tpu.region"() ({
          %run_scoped3A = tpu.sem_alloc : memref<!tpu.dma_semaphore, #tpu.memory_space<semaphore_mem>>
          %dma_start3A_192 = arith.constant 0 : i32
          %dma_start3A_193 = tpu.memref_slice %arg13[%add3A_184, %dma_start3A_192] : memref<16x128xi32, #tpu.memory_space<vmem>> -> memref<1x128xi32, #tpu.memory_space<vmem>>
          %dma_start3A_194 = tpu.memref_squeeze %dma_start3A_193 : memref<1x128xi32, #tpu.memory_space<vmem>> -> memref<128xi32, #tpu.memory_space<vmem>>
          %dma_start3A_195 = arith.constant 0 : i32
          %dma_start3A_196 = arith.constant 0 : i32
          %dma_start3A_197 = tpu.memref_slice %arg8[%dma_start3A_195, %dma_start3A_196] : memref<10240x128xf32, #tpu.memory_space<vmem_shared>> -> memref<10240x128xf32, #tpu.memory_space<vmem_shared>>
          tpu.enqueue_indirect_dma source(%arg10 : memref<128x128xf32, #tpu.memory_space<vmem>>) target(%dma_start3A_197 : memref<10240x128xf32, #tpu.memory_space<vmem_shared>>) offsets(%dma_start3A_194 : memref<128xi32, #tpu.memory_space<vmem>>) semaphore(%run_scoped3A : memref<!tpu.dma_semaphore, #tpu.memory_space<semaphore_mem>>) {add = true}
          %dma_wait3A_198 = arith.constant 0 : i32
          %dma_wait3A_199 = tpu.memref_slice %arg13[%add3A_184, %dma_wait3A_198] : memref<16x128xi32, #tpu.memory_space<vmem>> -> memref<1x128xi32, #tpu.memory_space<vmem>>
          %dma_wait3A_200 = tpu.memref_squeeze %dma_wait3A_199 : memref<1x128xi32, #tpu.memory_space<vmem>> -> memref<128xi32, #tpu.memory_space<vmem>>
          %dma_wait3A_201 = arith.constant 0 : i32
          %dma_wait3A_202 = arith.constant 0 : i32
          %dma_wait3A_203 = tpu.memref_slice %arg8[%dma_wait3A_201, %dma_wait3A_202] : memref<10240x128xf32, #tpu.memory_space<vmem_shared>> -> memref<10240x128xf32, #tpu.memory_space<vmem_shared>>
          tpu.wait_indirect_dma semaphore(%run_scoped3A : memref<!tpu.dma_semaphore, #tpu.memory_space<semaphore_mem>>) src(%arg10 : memref<128x128xf32, #tpu.memory_space<vmem>>) dst(%dma_wait3A_203 : memref<10240x128xf32, #tpu.memory_space<vmem_shared>>)
          tpu.yield
        }) : () -> ()
        %add3A_185 = arith.constant 3 : i32
        %add3A_186 = arith.addi %mul3A_161, %add3A_185 : i32
        %lt3A_187 = arith.constant 16 : i32
        %lt3A_188 = arith.cmpi slt, %add3A_186, %lt3A_187 : i32
        %convert_element_type3A_189 = arith.extui %lt3A_188 : i1 to i32
        %cond3A_190 = arith.constant 0 : i32
        %cond3A_191 = arith.cmpi ne, %convert_element_type3A_189, %cond3A_190 : i32
        scf.if %cond3A_191 {
          %add3A_192 = arith.constant 3 : i32
          %add3A_193 = arith.addi %mul3A_161, %add3A_192 : i32
          %eq3A_194 = arith.constant 0 : i32
          %eq3A_195 = arith.cmpi eq, %arg0, %eq3A_194 : i32
          %convert_element_type3A_196 = arith.extui %eq3A_195 : i1 to i32
          %cond3A_197 = arith.constant 0 : i32
          %cond3A_198 = arith.cmpi ne, %convert_element_type3A_196, %cond3A_197 : i32
          scf.if %cond3A_198 {
            %dma_start3A_204 = arith.constant 0 : i32
            %dma_start3A_205 = tpu.memref_slice %arg11[%add3A_193, %dma_start3A_204] : memref<16x128xi32, #tpu.memory_space<vmem>> -> memref<1x128xi32, #tpu.memory_space<vmem>>
            %dma_start3A_206 = tpu.memref_squeeze %dma_start3A_205 : memref<1x128xi32, #tpu.memory_space<vmem>> -> memref<128xi32, #tpu.memory_space<vmem>>
            %dma_start3A_207 = arith.constant 0 : i32
            %dma_start3A_208 = arith.constant 0 : i32
            %dma_start3A_209 = tpu.memref_slice %arg2[%dma_start3A_207, %dma_start3A_208] : memref<10240x128xf32, #tpu.memory_space<hbm>> -> memref<10240x128xf32, #tpu.memory_space<hbm>>
            tpu.enqueue_indirect_dma source(%dma_start3A_209 : memref<10240x128xf32, #tpu.memory_space<hbm>>) target(%arg10 : memref<128x128xf32, #tpu.memory_space<vmem>>) offsets(%dma_start3A_206 : memref<128xi32, #tpu.memory_space<vmem>>) semaphore(%arg16 : memref<!tpu.dma_semaphore, #tpu.memory_space<semaphore_mem>>)
          } else {
          }
          %eq3A_199 = arith.constant 1 : i32
          %eq3A_200 = arith.cmpi eq, %arg0, %eq3A_199 : i32
          %convert_element_type3A_201 = arith.extui %eq3A_200 : i1 to i32
          %cond3A_202 = arith.constant 0 : i32
          %cond3A_203 = arith.cmpi ne, %convert_element_type3A_201, %cond3A_202 : i32
          scf.if %cond3A_203 {
            %dma_start3A_204 = arith.constant 0 : i32
            %dma_start3A_205 = tpu.memref_slice %arg11[%add3A_193, %dma_start3A_204] : memref<16x128xi32, #tpu.memory_space<vmem>> -> memref<1x128xi32, #tpu.memory_space<vmem>>
            %dma_start3A_206 = tpu.memref_squeeze %dma_start3A_205 : memref<1x128xi32, #tpu.memory_space<vmem>> -> memref<128xi32, #tpu.memory_space<vmem>>
            %dma_start3A_207 = arith.constant 0 : i32
            %dma_start3A_208 = arith.constant 0 : i32
            %dma_start3A_209 = tpu.memref_slice %arg3[%dma_start3A_207, %dma_start3A_208] : memref<10240x128xf32, #tpu.memory_space<hbm>> -> memref<10240x128xf32, #tpu.memory_space<hbm>>
            tpu.enqueue_indirect_dma source(%dma_start3A_209 : memref<10240x128xf32, #tpu.memory_space<hbm>>) target(%arg10 : memref<128x128xf32, #tpu.memory_space<vmem>>) offsets(%dma_start3A_206 : memref<128xi32, #tpu.memory_space<vmem>>) semaphore(%arg16 : memref<!tpu.dma_semaphore, #tpu.memory_space<semaphore_mem>>)
          } else {
          }
        } else {
        }
      }
      %scan3A_108 = arith.constant 8 : i32
      %dma_wait3A = arith.constant 0 : i32
      %dma_wait3A_109 = tpu.memref_slice %arg4[%add3A_19, %dma_wait3A] : memref<1280x128xi32, #tpu.memory_space<hbm>> -> memref<16x128xi32, #tpu.memory_space<hbm>>
      %dma_wait3A_110 = arith.constant 0 : i32
      %dma_wait3A_111 = tpu.memref_slice %arg4[%add3A_19, %dma_wait3A_110] : memref<1280x128xi32, #tpu.memory_space<hbm>> -> memref<16x128xi32, #tpu.memory_space<hbm>>
      tpu.wait_dma2 semaphore(%arg17 : memref<!tpu.dma_semaphore, #tpu.memory_space<semaphore_mem>>) src(%dma_wait3A_111 : memref<16x128xi32, #tpu.memory_space<hbm>>) dst(%arg12 : memref<16x128xi32, #tpu.memory_space<vmem>>)
      %dma_wait3A_112 = arith.constant 0 : i32
      %dma_wait3A_113 = tpu.memref_slice %arg5[%add3A_19, %dma_wait3A_112] : memref<1280x128xi32, #tpu.memory_space<hbm>> -> memref<16x128xi32, #tpu.memory_space<hbm>>
      %dma_wait3A_114 = arith.constant 0 : i32
      %dma_wait3A_115 = tpu.memref_slice %arg5[%add3A_19, %dma_wait3A_114] : memref<1280x128xi32, #tpu.memory_space<hbm>> -> memref<16x128xi32, #tpu.memory_space<hbm>>
      tpu.wait_dma2 semaphore(%arg17 : memref<!tpu.dma_semaphore, #tpu.memory_space<semaphore_mem>>) src(%dma_wait3A_115 : memref<16x128xi32, #tpu.memory_space<hbm>>) dst(%arg14 : memref<16x128xi32, #tpu.memory_space<vmem>>)
      %add3A_116 = arith.constant 2 : i32
      %add3A_117 = arith.addi %mul3A_66, %add3A_116 : i32
      %lt3A = arith.constant 5 : i32
      %lt3A_118 = arith.cmpi slt, %add3A_117, %lt3A : i32
      %convert_element_type3A_119 = arith.extui %lt3A_118 : i1 to i32
      %cond3A_120 = arith.constant 0 : i32
      %cond3A_121 = arith.cmpi ne, %convert_element_type3A_119, %cond3A_120 : i32
      scf.if %cond3A_121 {
        %add3A_159 = arith.constant 2 : i32
        %add3A_160 = arith.addi %mul3A_66, %add3A_159 : i32
        %mul3A_161 = arith.constant 16 : i32
        %mul3A_162 = arith.muli %add3A_160, %mul3A_161 : i32
        %add3A_163 = arith.addi %add3A_19, %mul3A_162 : i32
        %dma_start3A_164 = arith.constant 0 : i32
        %dma_start3A_165 = tpu.memref_slice %arg4[%add3A_163, %dma_start3A_164] : memref<1280x128xi32, #tpu.memory_space<hbm>> -> memref<16x128xi32, #tpu.memory_space<hbm>>
        %dma_start3A_166 = arith.constant 0 : i32
        %dma_start3A_167 = tpu.memref_slice %arg4[%add3A_163, %dma_start3A_166] : memref<1280x128xi32, #tpu.memory_space<hbm>> -> memref<16x128xi32, #tpu.memory_space<hbm>>
        tpu.enqueue_dma source(%dma_start3A_167 : memref<16x128xi32, #tpu.memory_space<hbm>>) target(%arg11 : memref<16x128xi32, #tpu.memory_space<vmem>>) target_semaphore(%arg17 : memref<!tpu.dma_semaphore, #tpu.memory_space<semaphore_mem>>)
        %dma_start3A_168 = arith.constant 0 : i32
        %dma_start3A_169 = tpu.memref_slice %arg5[%add3A_163, %dma_start3A_168] : memref<1280x128xi32, #tpu.memory_space<hbm>> -> memref<16x128xi32, #tpu.memory_space<hbm>>
        %dma_start3A_170 = arith.constant 0 : i32
        %dma_start3A_171 = tpu.memref_slice %arg5[%add3A_163, %dma_start3A_170] : memref<1280x128xi32, #tpu.memory_space<hbm>> -> memref<16x128xi32, #tpu.memory_space<hbm>>
        tpu.enqueue_dma source(%dma_start3A_171 : memref<16x128xi32, #tpu.memory_space<hbm>>) target(%arg13 : memref<16x128xi32, #tpu.memory_space<vmem>>) target_semaphore(%arg17 : memref<!tpu.dma_semaphore, #tpu.memory_space<semaphore_mem>>)
      } else {
      }
      %eq3A_122 = arith.constant 0 : i32
      %eq3A_123 = arith.cmpi eq, %arg0, %eq3A_122 : i32
      %convert_element_type3A_124 = arith.extui %eq3A_123 : i1 to i32
      %cond3A_125 = arith.constant 0 : i32
      %cond3A_126 = arith.constant 0 : i32
      %cond3A_127 = arith.cmpi ne, %convert_element_type3A_124, %cond3A_126 : i32
      scf.if %cond3A_127 {
        %dma_start3A_159 = arith.constant 0 : i32
        %dma_start3A_160 = tpu.memref_slice %arg12[%cond3A_125, %dma_start3A_159] : memref<16x128xi32, #tpu.memory_space<vmem>> -> memref<1x128xi32, #tpu.memory_space<vmem>>
        %dma_start3A_161 = tpu.memref_squeeze %dma_start3A_160 : memref<1x128xi32, #tpu.memory_space<vmem>> -> memref<128xi32, #tpu.memory_space<vmem>>
        %dma_start3A_162 = arith.constant 0 : i32
        %dma_start3A_163 = arith.constant 0 : i32
        %dma_start3A_164 = tpu.memref_slice %arg2[%dma_start3A_162, %dma_start3A_163] : memref<10240x128xf32, #tpu.memory_space<hbm>> -> memref<10240x128xf32, #tpu.memory_space<hbm>>
        tpu.enqueue_indirect_dma source(%dma_start3A_164 : memref<10240x128xf32, #tpu.memory_space<hbm>>) target(%arg9 : memref<128x128xf32, #tpu.memory_space<vmem>>) offsets(%dma_start3A_161 : memref<128xi32, #tpu.memory_space<vmem>>) semaphore(%arg15 : memref<!tpu.dma_semaphore, #tpu.memory_space<semaphore_mem>>)
      } else {
      }
      %eq3A_128 = arith.constant 1 : i32
      %eq3A_129 = arith.cmpi eq, %arg0, %eq3A_128 : i32
      %convert_element_type3A_130 = arith.extui %eq3A_129 : i1 to i32
      %cond3A_131 = arith.constant 0 : i32
      %cond3A_132 = arith.constant 0 : i32
      %cond3A_133 = arith.cmpi ne, %convert_element_type3A_130, %cond3A_132 : i32
      scf.if %cond3A_133 {
        %dma_start3A_159 = arith.constant 0 : i32
        %dma_start3A_160 = tpu.memref_slice %arg12[%cond3A_131, %dma_start3A_159] : memref<16x128xi32, #tpu.memory_space<vmem>> -> memref<1x128xi32, #tpu.memory_space<vmem>>
        %dma_start3A_161 = tpu.memref_squeeze %dma_start3A_160 : memref<1x128xi32, #tpu.memory_space<vmem>> -> memref<128xi32, #tpu.memory_space<vmem>>
        %dma_start3A_162 = arith.constant 0 : i32
        %dma_start3A_163 = arith.constant 0 : i32
        %dma_start3A_164 = tpu.memref_slice %arg3[%dma_start3A_162, %dma_start3A_163] : memref<10240x128xf32, #tpu.memory_space<hbm>> -> memref<10240x128xf32, #tpu.memory_space<hbm>>
        tpu.enqueue_indirect_dma source(%dma_start3A_164 : memref<10240x128xf32, #tpu.memory_space<hbm>>) target(%arg9 : memref<128x128xf32, #tpu.memory_space<vmem>>) offsets(%dma_start3A_161 : memref<128xi32, #tpu.memory_space<vmem>>) semaphore(%arg15 : memref<!tpu.dma_semaphore, #tpu.memory_space<semaphore_mem>>)
      } else {
      }
      %eq3A_134 = arith.constant 0 : i32
      %eq3A_135 = arith.cmpi eq, %arg0, %eq3A_134 : i32
      %convert_element_type3A_136 = arith.extui %eq3A_135 : i1 to i32
      %cond3A_137 = arith.constant 1 : i32
      %cond3A_138 = arith.constant 0 : i32
      %cond3A_139 = arith.cmpi ne, %convert_element_type3A_136, %cond3A_138 : i32
      scf.if %cond3A_139 {
        %dma_start3A_159 = arith.constant 0 : i32
        %dma_start3A_160 = tpu.memref_slice %arg12[%cond3A_137, %dma_start3A_159] : memref<16x128xi32, #tpu.memory_space<vmem>> -> memref<1x128xi32, #tpu.memory_space<vmem>>
        %dma_start3A_161 = tpu.memref_squeeze %dma_start3A_160 : memref<1x128xi32, #tpu.memory_space<vmem>> -> memref<128xi32, #tpu.memory_space<vmem>>
        %dma_start3A_162 = arith.constant 0 : i32
        %dma_start3A_163 = arith.constant 0 : i32
        %dma_start3A_164 = tpu.memref_slice %arg2[%dma_start3A_162, %dma_start3A_163] : memref<10240x128xf32, #tpu.memory_space<hbm>> -> memref<10240x128xf32, #tpu.memory_space<hbm>>
        tpu.enqueue_indirect_dma source(%dma_start3A_164 : memref<10240x128xf32, #tpu.memory_space<hbm>>) target(%arg10 : memref<128x128xf32, #tpu.memory_space<vmem>>) offsets(%dma_start3A_161 : memref<128xi32, #tpu.memory_space<vmem>>) semaphore(%arg16 : memref<!tpu.dma_semaphore, #tpu.memory_space<semaphore_mem>>)
      } else {
      }
      %eq3A_140 = arith.constant 1 : i32
      %eq3A_141 = arith.cmpi eq, %arg0, %eq3A_140 : i32
      %convert_element_type3A_142 = arith.extui %eq3A_141 : i1 to i32
      %cond3A_143 = arith.constant 1 : i32
      %cond3A_144 = arith.constant 0 : i32
      %cond3A_145 = arith.cmpi ne, %convert_element_type3A_142, %cond3A_144 : i32
      scf.if %cond3A_145 {
        %dma_start3A_159 = arith.constant 0 : i32
        %dma_start3A_160 = tpu.memref_slice %arg12[%cond3A_143, %dma_start3A_159] : memref<16x128xi32, #tpu.memory_space<vmem>> -> memref<1x128xi32, #tpu.memory_space<vmem>>
        %dma_start3A_161 = tpu.memref_squeeze %dma_start3A_160 : memref<1x128xi32, #tpu.memory_space<vmem>> -> memref<128xi32, #tpu.memory_space<vmem>>
        %dma_start3A_162 = arith.constant 0 : i32
        %dma_start3A_163 = arith.constant 0 : i32
        %dma_start3A_164 = tpu.memref_slice %arg3[%dma_start3A_162, %dma_start3A_163] : memref<10240x128xf32, #tpu.memory_space<hbm>> -> memref<10240x128xf32, #tpu.memory_space<hbm>>
        tpu.enqueue_indirect_dma source(%dma_start3A_164 : memref<10240x128xf32, #tpu.memory_space<hbm>>) target(%arg10 : memref<128x128xf32, #tpu.memory_space<vmem>>) offsets(%dma_start3A_161 : memref<128xi32, #tpu.memory_space<vmem>>) semaphore(%arg16 : memref<!tpu.dma_semaphore, #tpu.memory_space<semaphore_mem>>)
      } else {
      }
      %scan3A_146 = arith.constant 0 : i32
      %scan3A_147 = arith.constant 0 : i32
      %scan3A_148 = arith.constant 8 : i32
      %scan3A_149 = arith.addi %scan3A_147, %scan3A_148 : i32
      %scan3A_150 = arith.constant 1 : i32
      scf.for %scan3A_159 = %scan3A_147 to %scan3A_149 step %scan3A_150  : i32 {
        %mul3A_160 = arith.constant 2 : i32
        %mul3A_161 = arith.muli %mul3A_160, %scan3A_159 : i32
        %dma_wait3A_162 = arith.constant 0 : i32
        %dma_wait3A_163 = arith.constant 0 : i32
        %dma_wait3A_164 = tpu.memref_slice %arg11[%dma_wait3A_162, %dma_wait3A_163] : memref<16x128xi32, #tpu.memory_space<vmem>> -> memref<1x128xi32, #tpu.memory_space<vmem>>
        %dma_wait3A_165 = tpu.memref_squeeze %dma_wait3A_164 : memref<1x128xi32, #tpu.memory_space<vmem>> -> memref<128xi32, #tpu.memory_space<vmem>>
        %dma_wait3A_166 = arith.constant 0 : i32
        %dma_wait3A_167 = arith.constant 0 : i32
        %dma_wait3A_168 = tpu.memref_slice %arg2[%dma_wait3A_166, %dma_wait3A_167] : memref<10240x128xf32, #tpu.memory_space<hbm>> -> memref<10240x128xf32, #tpu.memory_space<hbm>>
        tpu.wait_indirect_dma semaphore(%arg15 : memref<!tpu.dma_semaphore, #tpu.memory_space<semaphore_mem>>) src(%dma_wait3A_168 : memref<10240x128xf32, #tpu.memory_space<hbm>>) dst(%arg9 : memref<128x128xf32, #tpu.memory_space<vmem>>)
        "tpu.region"() ({
          %run_scoped3A = tpu.sem_alloc : memref<!tpu.dma_semaphore, #tpu.memory_space<semaphore_mem>>
          %dma_start3A_192 = arith.constant 0 : i32
          %dma_start3A_193 = tpu.memref_slice %arg14[%mul3A_161, %dma_start3A_192] : memref<16x128xi32, #tpu.memory_space<vmem>> -> memref<1x128xi32, #tpu.memory_space<vmem>>
          %dma_start3A_194 = tpu.memref_squeeze %dma_start3A_193 : memref<1x128xi32, #tpu.memory_space<vmem>> -> memref<128xi32, #tpu.memory_space<vmem>>
          %dma_start3A_195 = arith.constant 0 : i32
          %dma_start3A_196 = arith.constant 0 : i32
          %dma_start3A_197 = tpu.memref_slice %arg8[%dma_start3A_195, %dma_start3A_196] : memref<10240x128xf32, #tpu.memory_space<vmem_shared>> -> memref<10240x128xf32, #tpu.memory_space<vmem_shared>>
          tpu.enqueue_indirect_dma source(%arg9 : memref<128x128xf32, #tpu.memory_space<vmem>>) target(%dma_start3A_197 : memref<10240x128xf32, #tpu.memory_space<vmem_shared>>) offsets(%dma_start3A_194 : memref<128xi32, #tpu.memory_space<vmem>>) semaphore(%run_scoped3A : memref<!tpu.dma_semaphore, #tpu.memory_space<semaphore_mem>>) {add = true}
          %dma_wait3A_198 = arith.constant 0 : i32
          %dma_wait3A_199 = tpu.memref_slice %arg14[%mul3A_161, %dma_wait3A_198] : memref<16x128xi32, #tpu.memory_space<vmem>> -> memref<1x128xi32, #tpu.memory_space<vmem>>
          %dma_wait3A_200 = tpu.memref_squeeze %dma_wait3A_199 : memref<1x128xi32, #tpu.memory_space<vmem>> -> memref<128xi32, #tpu.memory_space<vmem>>
          %dma_wait3A_201 = arith.constant 0 : i32
          %dma_wait3A_202 = arith.constant 0 : i32
          %dma_wait3A_203 = tpu.memref_slice %arg8[%dma_wait3A_201, %dma_wait3A_202] : memref<10240x128xf32, #tpu.memory_space<vmem_shared>> -> memref<10240x128xf32, #tpu.memory_space<vmem_shared>>
          tpu.wait_indirect_dma semaphore(%run_scoped3A : memref<!tpu.dma_semaphore, #tpu.memory_space<semaphore_mem>>) src(%arg9 : memref<128x128xf32, #tpu.memory_space<vmem>>) dst(%dma_wait3A_203 : memref<10240x128xf32, #tpu.memory_space<vmem_shared>>)
          tpu.yield
        }) : () -> ()
        %add3A_169 = arith.constant 2 : i32
        %add3A_170 = arith.addi %mul3A_161, %add3A_169 : i32
        %lt3A_171 = arith.constant 16 : i32
        %lt3A_172 = arith.cmpi slt, %add3A_170, %lt3A_171 : i32
        %convert_element_type3A_173 = arith.extui %lt3A_172 : i1 to i32
        %cond3A_174 = arith.constant 0 : i32
        %cond3A_175 = arith.cmpi ne, %convert_element_type3A_173, %cond3A_174 : i32
        scf.if %cond3A_175 {
          %add3A_192 = arith.constant 2 : i32
          %add3A_193 = arith.addi %mul3A_161, %add3A_192 : i32
          %eq3A_194 = arith.constant 0 : i32
          %eq3A_195 = arith.cmpi eq, %arg0, %eq3A_194 : i32
          %convert_element_type3A_196 = arith.extui %eq3A_195 : i1 to i32
          %cond3A_197 = arith.constant 0 : i32
          %cond3A_198 = arith.cmpi ne, %convert_element_type3A_196, %cond3A_197 : i32
          scf.if %cond3A_198 {
            %dma_start3A_204 = arith.constant 0 : i32
            %dma_start3A_205 = tpu.memref_slice %arg12[%add3A_193, %dma_start3A_204] : memref<16x128xi32, #tpu.memory_space<vmem>> -> memref<1x128xi32, #tpu.memory_space<vmem>>
            %dma_start3A_206 = tpu.memref_squeeze %dma_start3A_205 : memref<1x128xi32, #tpu.memory_space<vmem>> -> memref<128xi32, #tpu.memory_space<vmem>>
            %dma_start3A_207 = arith.constant 0 : i32
            %dma_start3A_208 = arith.constant 0 : i32
            %dma_start3A_209 = tpu.memref_slice %arg2[%dma_start3A_207, %dma_start3A_208] : memref<10240x128xf32, #tpu.memory_space<hbm>> -> memref<10240x128xf32, #tpu.memory_space<hbm>>
            tpu.enqueue_indirect_dma source(%dma_start3A_209 : memref<10240x128xf32, #tpu.memory_space<hbm>>) target(%arg9 : memref<128x128xf32, #tpu.memory_space<vmem>>) offsets(%dma_start3A_206 : memref<128xi32, #tpu.memory_space<vmem>>) semaphore(%arg15 : memref<!tpu.dma_semaphore, #tpu.memory_space<semaphore_mem>>)
          } else {
          }
          %eq3A_199 = arith.constant 1 : i32
          %eq3A_200 = arith.cmpi eq, %arg0, %eq3A_199 : i32
          %convert_element_type3A_201 = arith.extui %eq3A_200 : i1 to i32
          %cond3A_202 = arith.constant 0 : i32
          %cond3A_203 = arith.cmpi ne, %convert_element_type3A_201, %cond3A_202 : i32
          scf.if %cond3A_203 {
            %dma_start3A_204 = arith.constant 0 : i32
            %dma_start3A_205 = tpu.memref_slice %arg12[%add3A_193, %dma_start3A_204] : memref<16x128xi32, #tpu.memory_space<vmem>> -> memref<1x128xi32, #tpu.memory_space<vmem>>
            %dma_start3A_206 = tpu.memref_squeeze %dma_start3A_205 : memref<1x128xi32, #tpu.memory_space<vmem>> -> memref<128xi32, #tpu.memory_space<vmem>>
            %dma_start3A_207 = arith.constant 0 : i32
            %dma_start3A_208 = arith.constant 0 : i32
            %dma_start3A_209 = tpu.memref_slice %arg3[%dma_start3A_207, %dma_start3A_208] : memref<10240x128xf32, #tpu.memory_space<hbm>> -> memref<10240x128xf32, #tpu.memory_space<hbm>>
            tpu.enqueue_indirect_dma source(%dma_start3A_209 : memref<10240x128xf32, #tpu.memory_space<hbm>>) target(%arg9 : memref<128x128xf32, #tpu.memory_space<vmem>>) offsets(%dma_start3A_206 : memref<128xi32, #tpu.memory_space<vmem>>) semaphore(%arg15 : memref<!tpu.dma_semaphore, #tpu.memory_space<semaphore_mem>>)
          } else {
          }
        } else {
        }
        %dma_wait3A_176 = arith.constant 0 : i32
        %dma_wait3A_177 = arith.constant 0 : i32
        %dma_wait3A_178 = tpu.memref_slice %arg11[%dma_wait3A_176, %dma_wait3A_177] : memref<16x128xi32, #tpu.memory_space<vmem>> -> memref<1x128xi32, #tpu.memory_space<vmem>>
        %dma_wait3A_179 = tpu.memref_squeeze %dma_wait3A_178 : memref<1x128xi32, #tpu.memory_space<vmem>> -> memref<128xi32, #tpu.memory_space<vmem>>
        %dma_wait3A_180 = arith.constant 0 : i32
        %dma_wait3A_181 = arith.constant 0 : i32
        %dma_wait3A_182 = tpu.memref_slice %arg2[%dma_wait3A_180, %dma_wait3A_181] : memref<10240x128xf32, #tpu.memory_space<hbm>> -> memref<10240x128xf32, #tpu.memory_space<hbm>>
        tpu.wait_indirect_dma semaphore(%arg16 : memref<!tpu.dma_semaphore, #tpu.memory_space<semaphore_mem>>) src(%dma_wait3A_182 : memref<10240x128xf32, #tpu.memory_space<hbm>>) dst(%arg10 : memref<128x128xf32, #tpu.memory_space<vmem>>)
        %add3A_183 = arith.constant 1 : i32
        %add3A_184 = arith.addi %mul3A_161, %add3A_183 : i32
        "tpu.region"() ({
          %run_scoped3A = tpu.sem_alloc : memref<!tpu.dma_semaphore, #tpu.memory_space<semaphore_mem>>
          %dma_start3A_192 = arith.constant 0 : i32
          %dma_start3A_193 = tpu.memref_slice %arg14[%add3A_184, %dma_start3A_192] : memref<16x128xi32, #tpu.memory_space<vmem>> -> memref<1x128xi32, #tpu.memory_space<vmem>>
          %dma_start3A_194 = tpu.memref_squeeze %dma_start3A_193 : memref<1x128xi32, #tpu.memory_space<vmem>> -> memref<128xi32, #tpu.memory_space<vmem>>
          %dma_start3A_195 = arith.constant 0 : i32
          %dma_start3A_196 = arith.constant 0 : i32
          %dma_start3A_197 = tpu.memref_slice %arg8[%dma_start3A_195, %dma_start3A_196] : memref<10240x128xf32, #tpu.memory_space<vmem_shared>> -> memref<10240x128xf32, #tpu.memory_space<vmem_shared>>
          tpu.enqueue_indirect_dma source(%arg10 : memref<128x128xf32, #tpu.memory_space<vmem>>) target(%dma_start3A_197 : memref<10240x128xf32, #tpu.memory_space<vmem_shared>>) offsets(%dma_start3A_194 : memref<128xi32, #tpu.memory_space<vmem>>) semaphore(%run_scoped3A : memref<!tpu.dma_semaphore, #tpu.memory_space<semaphore_mem>>) {add = true}
          %dma_wait3A_198 = arith.constant 0 : i32
          %dma_wait3A_199 = tpu.memref_slice %arg14[%add3A_184, %dma_wait3A_198] : memref<16x128xi32, #tpu.memory_space<vmem>> -> memref<1x128xi32, #tpu.memory_space<vmem>>
          %dma_wait3A_200 = tpu.memref_squeeze %dma_wait3A_199 : memref<1x128xi32, #tpu.memory_space<vmem>> -> memref<128xi32, #tpu.memory_space<vmem>>
          %dma_wait3A_201 = arith.constant 0 : i32
          %dma_wait3A_202 = arith.constant 0 : i32
          %dma_wait3A_203 = tpu.memref_slice %arg8[%dma_wait3A_201, %dma_wait3A_202] : memref<10240x128xf32, #tpu.memory_space<vmem_shared>> -> memref<10240x128xf32, #tpu.memory_space<vmem_shared>>
          tpu.wait_indirect_dma semaphore(%run_scoped3A : memref<!tpu.dma_semaphore, #tpu.memory_space<semaphore_mem>>) src(%arg10 : memref<128x128xf32, #tpu.memory_space<vmem>>) dst(%dma_wait3A_203 : memref<10240x128xf32, #tpu.memory_space<vmem_shared>>)
          tpu.yield
        }) : () -> ()
        %add3A_185 = arith.constant 3 : i32
        %add3A_186 = arith.addi %mul3A_161, %add3A_185 : i32
        %lt3A_187 = arith.constant 16 : i32
        %lt3A_188 = arith.cmpi slt, %add3A_186, %lt3A_187 : i32
        %convert_element_type3A_189 = arith.extui %lt3A_188 : i1 to i32
        %cond3A_190 = arith.constant 0 : i32
        %cond3A_191 = arith.cmpi ne, %convert_element_type3A_189, %cond3A_190 : i32
        scf.if %cond3A_191 {
          %add3A_192 = arith.constant 3 : i32
          %add3A_193 = arith.addi %mul3A_161, %add3A_192 : i32
          %eq3A_194 = arith.constant 0 : i32
          %eq3A_195 = arith.cmpi eq, %arg0, %eq3A_194 : i32
          %convert_element_type3A_196 = arith.extui %eq3A_195 : i1 to i32
          %cond3A_197 = arith.constant 0 : i32
          %cond3A_198 = arith.cmpi ne, %convert_element_type3A_196, %cond3A_197 : i32
          scf.if %cond3A_198 {
            %dma_start3A_204 = arith.constant 0 : i32
            %dma_start3A_205 = tpu.memref_slice %arg12[%add3A_193, %dma_start3A_204] : memref<16x128xi32, #tpu.memory_space<vmem>> -> memref<1x128xi32, #tpu.memory_space<vmem>>
            %dma_start3A_206 = tpu.memref_squeeze %dma_start3A_205 : memref<1x128xi32, #tpu.memory_space<vmem>> -> memref<128xi32, #tpu.memory_space<vmem>>
            %dma_start3A_207 = arith.constant 0 : i32
            %dma_start3A_208 = arith.constant 0 : i32
            %dma_start3A_209 = tpu.memref_slice %arg2[%dma_start3A_207, %dma_start3A_208] : memref<10240x128xf32, #tpu.memory_space<hbm>> -> memref<10240x128xf32, #tpu.memory_space<hbm>>
            tpu.enqueue_indirect_dma source(%dma_start3A_209 : memref<10240x128xf32, #tpu.memory_space<hbm>>) target(%arg10 : memref<128x128xf32, #tpu.memory_space<vmem>>) offsets(%dma_start3A_206 : memref<128xi32, #tpu.memory_space<vmem>>) semaphore(%arg16 : memref<!tpu.dma_semaphore, #tpu.memory_space<semaphore_mem>>)
          } else {
          }
          %eq3A_199 = arith.constant 1 : i32
          %eq3A_200 = arith.cmpi eq, %arg0, %eq3A_199 : i32
          %convert_element_type3A_201 = arith.extui %eq3A_200 : i1 to i32
          %cond3A_202 = arith.constant 0 : i32
          %cond3A_203 = arith.cmpi ne, %convert_element_type3A_201, %cond3A_202 : i32
          scf.if %cond3A_203 {
            %dma_start3A_204 = arith.constant 0 : i32
            %dma_start3A_205 = tpu.memref_slice %arg12[%add3A_193, %dma_start3A_204] : memref<16x128xi32, #tpu.memory_space<vmem>> -> memref<1x128xi32, #tpu.memory_space<vmem>>
            %dma_start3A_206 = tpu.memref_squeeze %dma_start3A_205 : memref<1x128xi32, #tpu.memory_space<vmem>> -> memref<128xi32, #tpu.memory_space<vmem>>
            %dma_start3A_207 = arith.constant 0 : i32
            %dma_start3A_208 = arith.constant 0 : i32
            %dma_start3A_209 = tpu.memref_slice %arg3[%dma_start3A_207, %dma_start3A_208] : memref<10240x128xf32, #tpu.memory_space<hbm>> -> memref<10240x128xf32, #tpu.memory_space<hbm>>
            tpu.enqueue_indirect_dma source(%dma_start3A_209 : memref<10240x128xf32, #tpu.memory_space<hbm>>) target(%arg10 : memref<128x128xf32, #tpu.memory_space<vmem>>) offsets(%dma_start3A_206 : memref<128xi32, #tpu.memory_space<vmem>>) semaphore(%arg16 : memref<!tpu.dma_semaphore, #tpu.memory_space<semaphore_mem>>)
          } else {
          }
        } else {
        }
      }
      %scan3A_151 = arith.constant 8 : i32
      %add3A_152 = arith.constant 2 : i32
      %add3A_153 = arith.addi %mul3A_66, %add3A_152 : i32
      %lt3A_154 = arith.constant 5 : i32
      %lt3A_155 = arith.cmpi slt, %add3A_153, %lt3A_154 : i32
      %convert_element_type3A_156 = arith.extui %lt3A_155 : i1 to i32
      %cond3A_157 = arith.constant 0 : i32
      %cond3A_158 = arith.cmpi ne, %convert_element_type3A_156, %cond3A_157 : i32
      scf.if %cond3A_158 {
        %dma_wait3A_159 = arith.constant 0 : i32
        %dma_wait3A_160 = tpu.memref_slice %arg4[%add3A_19, %dma_wait3A_159] : memref<1280x128xi32, #tpu.memory_space<hbm>> -> memref<16x128xi32, #tpu.memory_space<hbm>>
        %dma_wait3A_161 = arith.constant 0 : i32
        %dma_wait3A_162 = tpu.memref_slice %arg4[%add3A_19, %dma_wait3A_161] : memref<1280x128xi32, #tpu.memory_space<hbm>> -> memref<16x128xi32, #tpu.memory_space<hbm>>
        tpu.wait_dma2 semaphore(%arg17 : memref<!tpu.dma_semaphore, #tpu.memory_space<semaphore_mem>>) src(%dma_wait3A_162 : memref<16x128xi32, #tpu.memory_space<hbm>>) dst(%arg11 : memref<16x128xi32, #tpu.memory_space<vmem>>)
        %dma_wait3A_163 = arith.constant 0 : i32
        %dma_wait3A_164 = tpu.memref_slice %arg5[%add3A_19, %dma_wait3A_163] : memref<1280x128xi32, #tpu.memory_space<hbm>> -> memref<16x128xi32, #tpu.memory_space<hbm>>
        %dma_wait3A_165 = arith.constant 0 : i32
        %dma_wait3A_166 = tpu.memref_slice %arg5[%add3A_19, %dma_wait3A_165] : memref<1280x128xi32, #tpu.memory_space<hbm>> -> memref<16x128xi32, #tpu.memory_space<hbm>>
        tpu.wait_dma2 semaphore(%arg17 : memref<!tpu.dma_semaphore, #tpu.memory_space<semaphore_mem>>) src(%dma_wait3A_166 : memref<16x128xi32, #tpu.memory_space<hbm>>) dst(%arg13 : memref<16x128xi32, #tpu.memory_space<vmem>>)
      } else {
      }
    }
    %scan3A_25 = arith.constant 2 : i32
    %eq3A = arith.constant 0 : i32
    %eq3A_26 = arith.cmpi eq, %arg0, %eq3A : i32
    %convert_element_type3A = arith.extui %eq3A_26 : i1 to i32
    %cond3A = arith.constant 0 : i32
    %cond3A_27 = arith.constant 0 : i32
    %cond3A_28 = arith.cmpi ne, %convert_element_type3A, %cond3A_27 : i32
    scf.if %cond3A_28 {
      %dma_start3A = arith.constant 0 : i32
      %dma_start3A_64 = tpu.memref_slice %arg11[%cond3A, %dma_start3A] : memref<16x128xi32, #tpu.memory_space<vmem>> -> memref<1x128xi32, #tpu.memory_space<vmem>>
      %dma_start3A_65 = tpu.memref_squeeze %dma_start3A_64 : memref<1x128xi32, #tpu.memory_space<vmem>> -> memref<128xi32, #tpu.memory_space<vmem>>
      %dma_start3A_66 = arith.constant 0 : i32
      %dma_start3A_67 = arith.constant 0 : i32
      %dma_start3A_68 = tpu.memref_slice %arg2[%dma_start3A_66, %dma_start3A_67] : memref<10240x128xf32, #tpu.memory_space<hbm>> -> memref<10240x128xf32, #tpu.memory_space<hbm>>
      tpu.enqueue_indirect_dma source(%dma_start3A_68 : memref<10240x128xf32, #tpu.memory_space<hbm>>) target(%arg9 : memref<128x128xf32, #tpu.memory_space<vmem>>) offsets(%dma_start3A_65 : memref<128xi32, #tpu.memory_space<vmem>>) semaphore(%arg15 : memref<!tpu.dma_semaphore, #tpu.memory_space<semaphore_mem>>)
    } else {
    }
    %eq3A_29 = arith.constant 1 : i32
    %eq3A_30 = arith.cmpi eq, %arg0, %eq3A_29 : i32
    %convert_element_type3A_31 = arith.extui %eq3A_30 : i1 to i32
    %cond3A_32 = arith.constant 0 : i32
    %cond3A_33 = arith.constant 0 : i32
    %cond3A_34 = arith.cmpi ne, %convert_element_type3A_31, %cond3A_33 : i32
    scf.if %cond3A_34 {
      %dma_start3A = arith.constant 0 : i32
      %dma_start3A_64 = tpu.memref_slice %arg11[%cond3A_32, %dma_start3A] : memref<16x128xi32, #tpu.memory_space<vmem>> -> memref<1x128xi32, #tpu.memory_space<vmem>>
      %dma_start3A_65 = tpu.memref_squeeze %dma_start3A_64 : memref<1x128xi32, #tpu.memory_space<vmem>> -> memref<128xi32, #tpu.memory_space<vmem>>
      %dma_start3A_66 = arith.constant 0 : i32
      %dma_start3A_67 = arith.constant 0 : i32
      %dma_start3A_68 = tpu.memref_slice %arg3[%dma_start3A_66, %dma_start3A_67] : memref<10240x128xf32, #tpu.memory_space<hbm>> -> memref<10240x128xf32, #tpu.memory_space<hbm>>
      tpu.enqueue_indirect_dma source(%dma_start3A_68 : memref<10240x128xf32, #tpu.memory_space<hbm>>) target(%arg9 : memref<128x128xf32, #tpu.memory_space<vmem>>) offsets(%dma_start3A_65 : memref<128xi32, #tpu.memory_space<vmem>>) semaphore(%arg15 : memref<!tpu.dma_semaphore, #tpu.memory_space<semaphore_mem>>)
    } else {
    }
    %eq3A_35 = arith.constant 0 : i32
    %eq3A_36 = arith.cmpi eq, %arg0, %eq3A_35 : i32
    %convert_element_type3A_37 = arith.extui %eq3A_36 : i1 to i32
    %cond3A_38 = arith.constant 1 : i32
    %cond3A_39 = arith.constant 0 : i32
    %cond3A_40 = arith.cmpi ne, %convert_element_type3A_37, %cond3A_39 : i32
    scf.if %cond3A_40 {
      %dma_start3A = arith.constant 0 : i32
      %dma_start3A_64 = tpu.memref_slice %arg11[%cond3A_38, %dma_start3A] : memref<16x128xi32, #tpu.memory_space<vmem>> -> memref<1x128xi32, #tpu.memory_space<vmem>>
      %dma_start3A_65 = tpu.memref_squeeze %dma_start3A_64 : memref<1x128xi32, #tpu.memory_space<vmem>> -> memref<128xi32, #tpu.memory_space<vmem>>
      %dma_start3A_66 = arith.constant 0 : i32
      %dma_start3A_67 = arith.constant 0 : i32
      %dma_start3A_68 = tpu.memref_slice %arg2[%dma_start3A_66, %dma_start3A_67] : memref<10240x128xf32, #tpu.memory_space<hbm>> -> memref<10240x128xf32, #tpu.memory_space<hbm>>
      tpu.enqueue_indirect_dma source(%dma_start3A_68 : memref<10240x128xf32, #tpu.memory_space<hbm>>) target(%arg10 : memref<128x128xf32, #tpu.memory_space<vmem>>) offsets(%dma_start3A_65 : memref<128xi32, #tpu.memory_space<vmem>>) semaphore(%arg16 : memref<!tpu.dma_semaphore, #tpu.memory_space<semaphore_mem>>)
    } else {
    }
    %eq3A_41 = arith.constant 1 : i32
    %eq3A_42 = arith.cmpi eq, %arg0, %eq3A_41 : i32
    %convert_element_type3A_43 = arith.extui %eq3A_42 : i1 to i32
    %cond3A_44 = arith.constant 1 : i32
    %cond3A_45 = arith.constant 0 : i32
    %cond3A_46 = arith.cmpi ne, %convert_element_type3A_43, %cond3A_45 : i32
    scf.if %cond3A_46 {
      %dma_start3A = arith.constant 0 : i32
      %dma_start3A_64 = tpu.memref_slice %arg11[%cond3A_44, %dma_start3A] : memref<16x128xi32, #tpu.memory_space<vmem>> -> memref<1x128xi32, #tpu.memory_space<vmem>>
      %dma_start3A_65 = tpu.memref_squeeze %dma_start3A_64 : memref<1x128xi32, #tpu.memory_space<vmem>> -> memref<128xi32, #tpu.memory_space<vmem>>
      %dma_start3A_66 = arith.constant 0 : i32
      %dma_start3A_67 = arith.constant 0 : i32
      %dma_start3A_68 = tpu.memref_slice %arg3[%dma_start3A_66, %dma_start3A_67] : memref<10240x128xf32, #tpu.memory_space<hbm>> -> memref<10240x128xf32, #tpu.memory_space<hbm>>
      tpu.enqueue_indirect_dma source(%dma_start3A_68 : memref<10240x128xf32, #tpu.memory_space<hbm>>) target(%arg10 : memref<128x128xf32, #tpu.memory_space<vmem>>) offsets(%dma_start3A_65 : memref<128xi32, #tpu.memory_space<vmem>>) semaphore(%arg16 : memref<!tpu.dma_semaphore, #tpu.memory_space<semaphore_mem>>)
    } else {
    }
    %scan3A_47 = arith.constant 0 : i32
    %scan3A_48 = arith.constant 0 : i32
    %scan3A_49 = arith.constant 8 : i32
    %scan3A_50 = arith.addi %scan3A_48, %scan3A_49 : i32
    %scan3A_51 = arith.constant 1 : i32
    scf.for %scan3A_64 = %scan3A_48 to %scan3A_50 step %scan3A_51  : i32 {
      %mul3A_65 = arith.constant 2 : i32
      %mul3A_66 = arith.muli %mul3A_65, %scan3A_64 : i32
      %dma_wait3A = arith.constant 0 : i32
      %dma_wait3A_67 = arith.constant 0 : i32
      %dma_wait3A_68 = tpu.memref_slice %arg11[%dma_wait3A, %dma_wait3A_67] : memref<16x128xi32, #tpu.memory_space<vmem>> -> memref<1x128xi32, #tpu.memory_space<vmem>>
      %dma_wait3A_69 = tpu.memref_squeeze %dma_wait3A_68 : memref<1x128xi32, #tpu.memory_space<vmem>> -> memref<128xi32, #tpu.memory_space<vmem>>
      %dma_wait3A_70 = arith.constant 0 : i32
      %dma_wait3A_71 = arith.constant 0 : i32
      %dma_wait3A_72 = tpu.memref_slice %arg2[%dma_wait3A_70, %dma_wait3A_71] : memref<10240x128xf32, #tpu.memory_space<hbm>> -> memref<10240x128xf32, #tpu.memory_space<hbm>>
      tpu.wait_indirect_dma semaphore(%arg15 : memref<!tpu.dma_semaphore, #tpu.memory_space<semaphore_mem>>) src(%dma_wait3A_72 : memref<10240x128xf32, #tpu.memory_space<hbm>>) dst(%arg9 : memref<128x128xf32, #tpu.memory_space<vmem>>)
      "tpu.region"() ({
        %run_scoped3A = tpu.sem_alloc : memref<!tpu.dma_semaphore, #tpu.memory_space<semaphore_mem>>
        %dma_start3A = arith.constant 0 : i32
        %dma_start3A_95 = tpu.memref_slice %arg13[%mul3A_66, %dma_start3A] : memref<16x128xi32, #tpu.memory_space<vmem>> -> memref<1x128xi32, #tpu.memory_space<vmem>>
        %dma_start3A_96 = tpu.memref_squeeze %dma_start3A_95 : memref<1x128xi32, #tpu.memory_space<vmem>> -> memref<128xi32, #tpu.memory_space<vmem>>
        %dma_start3A_97 = arith.constant 0 : i32
        %dma_start3A_98 = arith.constant 0 : i32
        %dma_start3A_99 = tpu.memref_slice %arg8[%dma_start3A_97, %dma_start3A_98] : memref<10240x128xf32, #tpu.memory_space<vmem_shared>> -> memref<10240x128xf32, #tpu.memory_space<vmem_shared>>
        tpu.enqueue_indirect_dma source(%arg9 : memref<128x128xf32, #tpu.memory_space<vmem>>) target(%dma_start3A_99 : memref<10240x128xf32, #tpu.memory_space<vmem_shared>>) offsets(%dma_start3A_96 : memref<128xi32, #tpu.memory_space<vmem>>) semaphore(%run_scoped3A : memref<!tpu.dma_semaphore, #tpu.memory_space<semaphore_mem>>) {add = true}
        %dma_wait3A_100 = arith.constant 0 : i32
        %dma_wait3A_101 = tpu.memref_slice %arg13[%mul3A_66, %dma_wait3A_100] : memref<16x128xi32, #tpu.memory_space<vmem>> -> memref<1x128xi32, #tpu.memory_space<vmem>>
        %dma_wait3A_102 = tpu.memref_squeeze %dma_wait3A_101 : memref<1x128xi32, #tpu.memory_space<vmem>> -> memref<128xi32, #tpu.memory_space<vmem>>
        %dma_wait3A_103 = arith.constant 0 : i32
        %dma_wait3A_104 = arith.constant 0 : i32
        %dma_wait3A_105 = tpu.memref_slice %arg8[%dma_wait3A_103, %dma_wait3A_104] : memref<10240x128xf32, #tpu.memory_space<vmem_shared>> -> memref<10240x128xf32, #tpu.memory_space<vmem_shared>>
        tpu.wait_indirect_dma semaphore(%run_scoped3A : memref<!tpu.dma_semaphore, #tpu.memory_space<semaphore_mem>>) src(%arg9 : memref<128x128xf32, #tpu.memory_space<vmem>>) dst(%dma_wait3A_105 : memref<10240x128xf32, #tpu.memory_space<vmem_shared>>)
        tpu.yield
      }) : () -> ()
      %add3A_73 = arith.constant 2 : i32
      %add3A_74 = arith.addi %mul3A_66, %add3A_73 : i32
      %lt3A = arith.constant 16 : i32
      %lt3A_75 = arith.cmpi slt, %add3A_74, %lt3A : i32
      %convert_element_type3A_76 = arith.extui %lt3A_75 : i1 to i32
      %cond3A_77 = arith.constant 0 : i32
      %cond3A_78 = arith.cmpi ne, %convert_element_type3A_76, %cond3A_77 : i32
      scf.if %cond3A_78 {
        %add3A_95 = arith.constant 2 : i32
        %add3A_96 = arith.addi %mul3A_66, %add3A_95 : i32
        %eq3A_97 = arith.constant 0 : i32
        %eq3A_98 = arith.cmpi eq, %arg0, %eq3A_97 : i32
        %convert_element_type3A_99 = arith.extui %eq3A_98 : i1 to i32
        %cond3A_100 = arith.constant 0 : i32
        %cond3A_101 = arith.cmpi ne, %convert_element_type3A_99, %cond3A_100 : i32
        scf.if %cond3A_101 {
          %dma_start3A = arith.constant 0 : i32
          %dma_start3A_107 = tpu.memref_slice %arg11[%add3A_96, %dma_start3A] : memref<16x128xi32, #tpu.memory_space<vmem>> -> memref<1x128xi32, #tpu.memory_space<vmem>>
          %dma_start3A_108 = tpu.memref_squeeze %dma_start3A_107 : memref<1x128xi32, #tpu.memory_space<vmem>> -> memref<128xi32, #tpu.memory_space<vmem>>
          %dma_start3A_109 = arith.constant 0 : i32
          %dma_start3A_110 = arith.constant 0 : i32
          %dma_start3A_111 = tpu.memref_slice %arg2[%dma_start3A_109, %dma_start3A_110] : memref<10240x128xf32, #tpu.memory_space<hbm>> -> memref<10240x128xf32, #tpu.memory_space<hbm>>
          tpu.enqueue_indirect_dma source(%dma_start3A_111 : memref<10240x128xf32, #tpu.memory_space<hbm>>) target(%arg9 : memref<128x128xf32, #tpu.memory_space<vmem>>) offsets(%dma_start3A_108 : memref<128xi32, #tpu.memory_space<vmem>>) semaphore(%arg15 : memref<!tpu.dma_semaphore, #tpu.memory_space<semaphore_mem>>)
        } else {
        }
        %eq3A_102 = arith.constant 1 : i32
        %eq3A_103 = arith.cmpi eq, %arg0, %eq3A_102 : i32
        %convert_element_type3A_104 = arith.extui %eq3A_103 : i1 to i32
        %cond3A_105 = arith.constant 0 : i32
        %cond3A_106 = arith.cmpi ne, %convert_element_type3A_104, %cond3A_105 : i32
        scf.if %cond3A_106 {
          %dma_start3A = arith.constant 0 : i32
          %dma_start3A_107 = tpu.memref_slice %arg11[%add3A_96, %dma_start3A] : memref<16x128xi32, #tpu.memory_space<vmem>> -> memref<1x128xi32, #tpu.memory_space<vmem>>
          %dma_start3A_108 = tpu.memref_squeeze %dma_start3A_107 : memref<1x128xi32, #tpu.memory_space<vmem>> -> memref<128xi32, #tpu.memory_space<vmem>>
          %dma_start3A_109 = arith.constant 0 : i32
          %dma_start3A_110 = arith.constant 0 : i32
          %dma_start3A_111 = tpu.memref_slice %arg3[%dma_start3A_109, %dma_start3A_110] : memref<10240x128xf32, #tpu.memory_space<hbm>> -> memref<10240x128xf32, #tpu.memory_space<hbm>>
          tpu.enqueue_indirect_dma source(%dma_start3A_111 : memref<10240x128xf32, #tpu.memory_space<hbm>>) target(%arg9 : memref<128x128xf32, #tpu.memory_space<vmem>>) offsets(%dma_start3A_108 : memref<128xi32, #tpu.memory_space<vmem>>) semaphore(%arg15 : memref<!tpu.dma_semaphore, #tpu.memory_space<semaphore_mem>>)
        } else {
        }
      } else {
      }
      %dma_wait3A_79 = arith.constant 0 : i32
      %dma_wait3A_80 = arith.constant 0 : i32
      %dma_wait3A_81 = tpu.memref_slice %arg11[%dma_wait3A_79, %dma_wait3A_80] : memref<16x128xi32, #tpu.memory_space<vmem>> -> memref<1x128xi32, #tpu.memory_space<vmem>>
      %dma_wait3A_82 = tpu.memref_squeeze %dma_wait3A_81 : memref<1x128xi32, #tpu.memory_space<vmem>> -> memref<128xi32, #tpu.memory_space<vmem>>
      %dma_wait3A_83 = arith.constant 0 : i32
      %dma_wait3A_84 = arith.constant 0 : i32
      %dma_wait3A_85 = tpu.memref_slice %arg2[%dma_wait3A_83, %dma_wait3A_84] : memref<10240x128xf32, #tpu.memory_space<hbm>> -> memref<10240x128xf32, #tpu.memory_space<hbm>>
      tpu.wait_indirect_dma semaphore(%arg16 : memref<!tpu.dma_semaphore, #tpu.memory_space<semaphore_mem>>) src(%dma_wait3A_85 : memref<10240x128xf32, #tpu.memory_space<hbm>>) dst(%arg10 : memref<128x128xf32, #tpu.memory_space<vmem>>)
      %add3A_86 = arith.constant 1 : i32
      %add3A_87 = arith.addi %mul3A_66, %add3A_86 : i32
      "tpu.region"() ({
        %run_scoped3A = tpu.sem_alloc : memref<!tpu.dma_semaphore, #tpu.memory_space<semaphore_mem>>
        %dma_start3A = arith.constant 0 : i32
        %dma_start3A_95 = tpu.memref_slice %arg13[%add3A_87, %dma_start3A] : memref<16x128xi32, #tpu.memory_space<vmem>> -> memref<1x128xi32, #tpu.memory_space<vmem>>
        %dma_start3A_96 = tpu.memref_squeeze %dma_start3A_95 : memref<1x128xi32, #tpu.memory_space<vmem>> -> memref<128xi32, #tpu.memory_space<vmem>>
        %dma_start3A_97 = arith.constant 0 : i32
        %dma_start3A_98 = arith.constant 0 : i32
        %dma_start3A_99 = tpu.memref_slice %arg8[%dma_start3A_97, %dma_start3A_98] : memref<10240x128xf32, #tpu.memory_space<vmem_shared>> -> memref<10240x128xf32, #tpu.memory_space<vmem_shared>>
        tpu.enqueue_indirect_dma source(%arg10 : memref<128x128xf32, #tpu.memory_space<vmem>>) target(%dma_start3A_99 : memref<10240x128xf32, #tpu.memory_space<vmem_shared>>) offsets(%dma_start3A_96 : memref<128xi32, #tpu.memory_space<vmem>>) semaphore(%run_scoped3A : memref<!tpu.dma_semaphore, #tpu.memory_space<semaphore_mem>>) {add = true}
        %dma_wait3A_100 = arith.constant 0 : i32
        %dma_wait3A_101 = tpu.memref_slice %arg13[%add3A_87, %dma_wait3A_100] : memref<16x128xi32, #tpu.memory_space<vmem>> -> memref<1x128xi32, #tpu.memory_space<vmem>>
        %dma_wait3A_102 = tpu.memref_squeeze %dma_wait3A_101 : memref<1x128xi32, #tpu.memory_space<vmem>> -> memref<128xi32, #tpu.memory_space<vmem>>
        %dma_wait3A_103 = arith.constant 0 : i32
        %dma_wait3A_104 = arith.constant 0 : i32
        %dma_wait3A_105 = tpu.memref_slice %arg8[%dma_wait3A_103, %dma_wait3A_104] : memref<10240x128xf32, #tpu.memory_space<vmem_shared>> -> memref<10240x128xf32, #tpu.memory_space<vmem_shared>>
        tpu.wait_indirect_dma semaphore(%run_scoped3A : memref<!tpu.dma_semaphore, #tpu.memory_space<semaphore_mem>>) src(%arg10 : memref<128x128xf32, #tpu.memory_space<vmem>>) dst(%dma_wait3A_105 : memref<10240x128xf32, #tpu.memory_space<vmem_shared>>)
        tpu.yield
      }) : () -> ()
      %add3A_88 = arith.constant 3 : i32
      %add3A_89 = arith.addi %mul3A_66, %add3A_88 : i32
      %lt3A_90 = arith.constant 16 : i32
      %lt3A_91 = arith.cmpi slt, %add3A_89, %lt3A_90 : i32
      %convert_element_type3A_92 = arith.extui %lt3A_91 : i1 to i32
      %cond3A_93 = arith.constant 0 : i32
      %cond3A_94 = arith.cmpi ne, %convert_element_type3A_92, %cond3A_93 : i32
      scf.if %cond3A_94 {
        %add3A_95 = arith.constant 3 : i32
        %add3A_96 = arith.addi %mul3A_66, %add3A_95 : i32
        %eq3A_97 = arith.constant 0 : i32
        %eq3A_98 = arith.cmpi eq, %arg0, %eq3A_97 : i32
        %convert_element_type3A_99 = arith.extui %eq3A_98 : i1 to i32
        %cond3A_100 = arith.constant 0 : i32
        %cond3A_101 = arith.cmpi ne, %convert_element_type3A_99, %cond3A_100 : i32
        scf.if %cond3A_101 {
          %dma_start3A = arith.constant 0 : i32
          %dma_start3A_107 = tpu.memref_slice %arg11[%add3A_96, %dma_start3A] : memref<16x128xi32, #tpu.memory_space<vmem>> -> memref<1x128xi32, #tpu.memory_space<vmem>>
          %dma_start3A_108 = tpu.memref_squeeze %dma_start3A_107 : memref<1x128xi32, #tpu.memory_space<vmem>> -> memref<128xi32, #tpu.memory_space<vmem>>
          %dma_start3A_109 = arith.constant 0 : i32
          %dma_start3A_110 = arith.constant 0 : i32
          %dma_start3A_111 = tpu.memref_slice %arg2[%dma_start3A_109, %dma_start3A_110] : memref<10240x128xf32, #tpu.memory_space<hbm>> -> memref<10240x128xf32, #tpu.memory_space<hbm>>
          tpu.enqueue_indirect_dma source(%dma_start3A_111 : memref<10240x128xf32, #tpu.memory_space<hbm>>) target(%arg10 : memref<128x128xf32, #tpu.memory_space<vmem>>) offsets(%dma_start3A_108 : memref<128xi32, #tpu.memory_space<vmem>>) semaphore(%arg16 : memref<!tpu.dma_semaphore, #tpu.memory_space<semaphore_mem>>)
        } else {
        }
        %eq3A_102 = arith.constant 1 : i32
        %eq3A_103 = arith.cmpi eq, %arg0, %eq3A_102 : i32
        %convert_element_type3A_104 = arith.extui %eq3A_103 : i1 to i32
        %cond3A_105 = arith.constant 0 : i32
        %cond3A_106 = arith.cmpi ne, %convert_element_type3A_104, %cond3A_105 : i32
        scf.if %cond3A_106 {
          %dma_start3A = arith.constant 0 : i32
          %dma_start3A_107 = tpu.memref_slice %arg11[%add3A_96, %dma_start3A] : memref<16x128xi32, #tpu.memory_space<vmem>> -> memref<1x128xi32, #tpu.memory_space<vmem>>
          %dma_start3A_108 = tpu.memref_squeeze %dma_start3A_107 : memref<1x128xi32, #tpu.memory_space<vmem>> -> memref<128xi32, #tpu.memory_space<vmem>>
          %dma_start3A_109 = arith.constant 0 : i32
          %dma_start3A_110 = arith.constant 0 : i32
          %dma_start3A_111 = tpu.memref_slice %arg3[%dma_start3A_109, %dma_start3A_110] : memref<10240x128xf32, #tpu.memory_space<hbm>> -> memref<10240x128xf32, #tpu.memory_space<hbm>>
          tpu.enqueue_indirect_dma source(%dma_start3A_111 : memref<10240x128xf32, #tpu.memory_space<hbm>>) target(%arg10 : memref<128x128xf32, #tpu.memory_space<vmem>>) offsets(%dma_start3A_108 : memref<128xi32, #tpu.memory_space<vmem>>) semaphore(%arg16 : memref<!tpu.dma_semaphore, #tpu.memory_space<semaphore_mem>>)
        } else {
        }
      } else {
      }
    }
    %scan3A_52 = arith.constant 8 : i32
    %barrier3A_53 = arith.constant 0 : index
    tpu.barrier barrier_id(%barrier3A_53)
    %eq3A_54 = arith.constant 0 : i32
    %eq3A_55 = arith.cmpi eq, %arg0, %eq3A_54 : i32
    %convert_element_type3A_56 = arith.extui %eq3A_55 : i1 to i32
    %cond3A_57 = arith.constant 0 : i32
    %cond3A_58 = arith.cmpi ne, %convert_element_type3A_56, %cond3A_57 : i32
    scf.if %cond3A_58 {
      "tpu.region"() ({
        %run_scoped3A = tpu.sem_alloc : memref<!tpu.dma_semaphore, #tpu.memory_space<semaphore_mem>>
        %dma_start3A = arith.constant 0 : i32
        %dma_start3A_64 = tpu.memref_slice %arg6[%mul3A_5, %dma_start3A] : memref<10240x128xf32, #tpu.memory_space<hbm>> -> memref<640x128xf32, #tpu.memory_space<hbm>>
        %dma_start3A_65 = arith.constant 0 : i32
        %dma_start3A_66 = tpu.memref_slice %arg8[%mul3A_5, %dma_start3A_65] : memref<10240x128xf32, #tpu.memory_space<vmem_shared>> -> memref<640x128xf32, #tpu.memory_space<vmem_shared>>
        tpu.enqueue_dma source(%dma_start3A_66 : memref<640x128xf32, #tpu.memory_space<vmem_shared>>) target(%dma_start3A_64 : memref<640x128xf32, #tpu.memory_space<hbm>>) target_semaphore(%run_scoped3A : memref<!tpu.dma_semaphore, #tpu.memory_space<semaphore_mem>>)
        %dma_wait3A = arith.constant 0 : i32
        %dma_wait3A_67 = tpu.memref_slice %arg6[%mul3A_5, %dma_wait3A] : memref<10240x128xf32, #tpu.memory_space<hbm>> -> memref<640x128xf32, #tpu.memory_space<hbm>>
        %dma_wait3A_68 = arith.constant 0 : i32
        %dma_wait3A_69 = tpu.memref_slice %arg8[%mul3A_5, %dma_wait3A_68] : memref<10240x128xf32, #tpu.memory_space<vmem_shared>> -> memref<640x128xf32, #tpu.memory_space<vmem_shared>>
        tpu.wait_dma2 semaphore(%run_scoped3A : memref<!tpu.dma_semaphore, #tpu.memory_space<semaphore_mem>>) src(%dma_wait3A_69 : memref<640x128xf32, #tpu.memory_space<vmem_shared>>) dst(%dma_wait3A_67 : memref<640x128xf32, #tpu.memory_space<hbm>>)
        tpu.yield
      }) : () -> ()
    } else {
    }
    %eq3A_59 = arith.constant 1 : i32
    %eq3A_60 = arith.cmpi eq, %arg0, %eq3A_59 : i32
    %convert_element_type3A_61 = arith.extui %eq3A_60 : i1 to i32
    %cond3A_62 = arith.constant 0 : i32
    %cond3A_63 = arith.cmpi ne, %convert_element_type3A_61, %cond3A_62 : i32
    scf.if %cond3A_63 {
      "tpu.region"() ({
        %run_scoped3A = tpu.sem_alloc : memref<!tpu.dma_semaphore, #tpu.memory_space<semaphore_mem>>
        %dma_start3A = arith.constant 0 : i32
        %dma_start3A_64 = tpu.memref_slice %arg7[%mul3A_5, %dma_start3A] : memref<10240x128xf32, #tpu.memory_space<hbm>> -> memref<640x128xf32, #tpu.memory_space<hbm>>
        %dma_start3A_65 = arith.constant 0 : i32
        %dma_start3A_66 = tpu.memref_slice %arg8[%mul3A_5, %dma_start3A_65] : memref<10240x128xf32, #tpu.memory_space<vmem_shared>> -> memref<640x128xf32, #tpu.memory_space<vmem_shared>>
        tpu.enqueue_dma source(%dma_start3A_66 : memref<640x128xf32, #tpu.memory_space<vmem_shared>>) target(%dma_start3A_64 : memref<640x128xf32, #tpu.memory_space<hbm>>) target_semaphore(%run_scoped3A : memref<!tpu.dma_semaphore, #tpu.memory_space<semaphore_mem>>)
        %dma_wait3A = arith.constant 0 : i32
        %dma_wait3A_67 = tpu.memref_slice %arg7[%mul3A_5, %dma_wait3A] : memref<10240x128xf32, #tpu.memory_space<hbm>> -> memref<640x128xf32, #tpu.memory_space<hbm>>
        %dma_wait3A_68 = arith.constant 0 : i32
        %dma_wait3A_69 = tpu.memref_slice %arg8[%mul3A_5, %dma_wait3A_68] : memref<10240x128xf32, #tpu.memory_space<vmem_shared>> -> memref<640x128xf32, #tpu.memory_space<vmem_shared>>
        tpu.wait_dma2 semaphore(%run_scoped3A : memref<!tpu.dma_semaphore, #tpu.memory_space<semaphore_mem>>) src(%dma_wait3A_69 : memref<640x128xf32, #tpu.memory_space<vmem_shared>>) dst(%dma_wait3A_67 : memref<640x128xf32, #tpu.memory_space<hbm>>)
        tpu.yield
      }) : () -> ()
    } else {
    }
    return
  }
}

#map = affine_map<(d0, d1) -> (0, 0)>
module attributes {stable_mosaic.version = 14 : i64} {
  func.func @_spmm_body(%arg0: i32, %arg1: i32, %arg2: memref<10240x128xf32, #tpu.memory_space<hbm>>, %arg3: memref<1280x128xi32, #tpu.memory_space<hbm>>, %arg4: memref<1280x128xi32, #tpu.memory_space<hbm>>, %arg5: memref<10240x128xf32, #tpu.memory_space<hbm>>, %arg6: memref<10240x128xf32, #tpu.memory_space<hbm>>, %arg7: memref<10240x128xf32, #tpu.memory_space<vmem_shared>>, %arg8: memref<128x128xf32, #tpu.memory_space<vmem>>, %arg9: memref<128x128xf32, #tpu.memory_space<vmem>>, %arg10: memref<40x128xi32, #tpu.memory_space<vmem>>, %arg11: memref<1x128xi32, #tpu.memory_space<vmem>>, %arg12: memref<40x128xi32, #tpu.memory_space<vmem>>, %arg13: memref<1x128xi32, #tpu.memory_space<vmem>>, %arg14: memref<!tpu.dma_semaphore, #tpu.memory_space<semaphore_mem>>, %arg15: memref<!tpu.dma_semaphore, #tpu.memory_space<semaphore_mem>>, %arg16: memref<!tpu.dma_semaphore, #tpu.memory_space<semaphore_mem>>) attributes {dimension_semantics = [#tpu.dimension_semantics<core_parallel>, #tpu.dimension_semantics<subcore_parallel>], iteration_bounds = array<i64: 2, 16>, scalar_prefetch = 0 : i64, scratch_operands = 10 : i64, tpu.core_type = #tpu.core_type<sc_vector_subcore>, window_params = [{transform_indices = #map}, {transform_indices = #map}, {transform_indices = #map}, {transform_indices = #map}, {transform_indices = #map}]} {
    %scan3A = arith.constant 0 : i32
    %scan3A_0 = arith.constant 0 : i32
    %scan3A_1 = arith.constant 128 : i32
    %scan3A_2 = arith.addi %scan3A_0, %scan3A_1 : i32
    %scan3A_3 = arith.constant 1 : i32
    scf.for %scan3A_63 = %scan3A_0 to %scan3A_2 step %scan3A_3  : i32 {
      %scan3A_64 = arith.constant 0 : i32
      %scan3A_65 = arith.constant 8 : i32
      %scan3A_66 = arith.addi %scan3A_64, %scan3A_65 : i32
      %scan3A_67 = arith.constant 1 : i32
      scf.for %scan3A_69 = %scan3A_64 to %scan3A_66 step %scan3A_67  : i32 {
        %broadcast_in_dim3A = arith.constant 0.000000e+00 : f32
        %broadcast_in_dim3A_70 = vector.broadcast %broadcast_in_dim3A : f32 to vector<16xf32>
        %mul3A_71 = arith.constant 16 : i32
        %mul3A_72 = arith.muli %scan3A_69, %mul3A_71 : i32
        %swap3A = arith.index_cast %scan3A_63 : i32 to index
        %swap3A_73 = arith.index_cast %mul3A_72 : i32 to index
        %swap3A_74 = tpu.vector_load %arg8[%swap3A, %swap3A_73] {strides = array<i32>} : memref<128x128xf32, #tpu.memory_space<vmem>>, vector<1x16xf32>,
        %swap3A_75 = vector.shape_cast %swap3A_74 : vector<1x16xf32> to vector<16xf32>
        %swap3A_76 = vector.shape_cast %broadcast_in_dim3A_70 : vector<16xf32> to vector<1x16xf32>
        tpu.vector_store %arg8[%swap3A, %swap3A_73], %swap3A_76 {strides = array<i32>} : memref<128x128xf32, #tpu.memory_space<vmem>>, vector<1x16xf32>,
      }
      %scan3A_68 = arith.constant 8 : i32
    }
    %scan3A_4 = arith.constant 128 : i32
    %mul3A = arith.constant 640 : i32
    %mul3A_5 = arith.muli %arg1, %mul3A : i32
    %add3A = arith.constant 0 : i32
    %add3A_6 = arith.addi %mul3A_5, %add3A : i32
    "tpu.region"() ({
      %run_scoped3A = tpu.sem_alloc : memref<!tpu.dma_semaphore, #tpu.memory_space<semaphore_mem>>
      %dma_start3A = arith.constant 0 : i32
      %dma_start3A_63 = tpu.memref_slice %arg7[%add3A_6, %dma_start3A] : memref<10240x128xf32, #tpu.memory_space<vmem_shared>> -> memref<128x128xf32, #tpu.memory_space<vmem_shared>>
      %dma_start3A_64 = arith.constant 0 : i32
      %dma_start3A_65 = tpu.memref_slice %arg7[%add3A_6, %dma_start3A_64] : memref<10240x128xf32, #tpu.memory_space<vmem_shared>> -> memref<128x128xf32, #tpu.memory_space<vmem_shared>>
      tpu.enqueue_dma source(%arg8 : memref<128x128xf32, #tpu.memory_space<vmem>>) target(%dma_start3A_65 : memref<128x128xf32, #tpu.memory_space<vmem_shared>>) target_semaphore(%run_scoped3A : memref<!tpu.dma_semaphore, #tpu.memory_space<semaphore_mem>>)
      %dma_wait3A = arith.constant 0 : i32
      %dma_wait3A_66 = tpu.memref_slice %arg7[%add3A_6, %dma_wait3A] : memref<10240x128xf32, #tpu.memory_space<vmem_shared>> -> memref<128x128xf32, #tpu.memory_space<vmem_shared>>
      %dma_wait3A_67 = arith.constant 0 : i32
      %dma_wait3A_68 = tpu.memref_slice %arg7[%add3A_6, %dma_wait3A_67] : memref<10240x128xf32, #tpu.memory_space<vmem_shared>> -> memref<128x128xf32, #tpu.memory_space<vmem_shared>>
      tpu.wait_dma2 semaphore(%run_scoped3A : memref<!tpu.dma_semaphore, #tpu.memory_space<semaphore_mem>>) src(%arg8 : memref<128x128xf32, #tpu.memory_space<vmem>>) dst(%dma_wait3A_68 : memref<128x128xf32, #tpu.memory_space<vmem_shared>>)
      tpu.yield
    }) : () -> ()
    %add3A_7 = arith.constant 128 : i32
    %add3A_8 = arith.addi %mul3A_5, %add3A_7 : i32
    "tpu.region"() ({
      %run_scoped3A = tpu.sem_alloc : memref<!tpu.dma_semaphore, #tpu.memory_space<semaphore_mem>>
      %dma_start3A = arith.constant 0 : i32
      %dma_start3A_63 = tpu.memref_slice %arg7[%add3A_8, %dma_start3A] : memref<10240x128xf32, #tpu.memory_space<vmem_shared>> -> memref<128x128xf32, #tpu.memory_space<vmem_shared>>
      %dma_start3A_64 = arith.constant 0 : i32
      %dma_start3A_65 = tpu.memref_slice %arg7[%add3A_8, %dma_start3A_64] : memref<10240x128xf32, #tpu.memory_space<vmem_shared>> -> memref<128x128xf32, #tpu.memory_space<vmem_shared>>
      tpu.enqueue_dma source(%arg8 : memref<128x128xf32, #tpu.memory_space<vmem>>) target(%dma_start3A_65 : memref<128x128xf32, #tpu.memory_space<vmem_shared>>) target_semaphore(%run_scoped3A : memref<!tpu.dma_semaphore, #tpu.memory_space<semaphore_mem>>)
      %dma_wait3A = arith.constant 0 : i32
      %dma_wait3A_66 = tpu.memref_slice %arg7[%add3A_8, %dma_wait3A] : memref<10240x128xf32, #tpu.memory_space<vmem_shared>> -> memref<128x128xf32, #tpu.memory_space<vmem_shared>>
      %dma_wait3A_67 = arith.constant 0 : i32
      %dma_wait3A_68 = tpu.memref_slice %arg7[%add3A_8, %dma_wait3A_67] : memref<10240x128xf32, #tpu.memory_space<vmem_shared>> -> memref<128x128xf32, #tpu.memory_space<vmem_shared>>
      tpu.wait_dma2 semaphore(%run_scoped3A : memref<!tpu.dma_semaphore, #tpu.memory_space<semaphore_mem>>) src(%arg8 : memref<128x128xf32, #tpu.memory_space<vmem>>) dst(%dma_wait3A_68 : memref<128x128xf32, #tpu.memory_space<vmem_shared>>)
      tpu.yield
    }) : () -> ()
    %add3A_9 = arith.constant 256 : i32
    %add3A_10 = arith.addi %mul3A_5, %add3A_9 : i32
    "tpu.region"() ({
      %run_scoped3A = tpu.sem_alloc : memref<!tpu.dma_semaphore, #tpu.memory_space<semaphore_mem>>
      %dma_start3A = arith.constant 0 : i32
      %dma_start3A_63 = tpu.memref_slice %arg7[%add3A_10, %dma_start3A] : memref<10240x128xf32, #tpu.memory_space<vmem_shared>> -> memref<128x128xf32, #tpu.memory_space<vmem_shared>>
      %dma_start3A_64 = arith.constant 0 : i32
      %dma_start3A_65 = tpu.memref_slice %arg7[%add3A_10, %dma_start3A_64] : memref<10240x128xf32, #tpu.memory_space<vmem_shared>> -> memref<128x128xf32, #tpu.memory_space<vmem_shared>>
      tpu.enqueue_dma source(%arg8 : memref<128x128xf32, #tpu.memory_space<vmem>>) target(%dma_start3A_65 : memref<128x128xf32, #tpu.memory_space<vmem_shared>>) target_semaphore(%run_scoped3A : memref<!tpu.dma_semaphore, #tpu.memory_space<semaphore_mem>>)
      %dma_wait3A = arith.constant 0 : i32
      %dma_wait3A_66 = tpu.memref_slice %arg7[%add3A_10, %dma_wait3A] : memref<10240x128xf32, #tpu.memory_space<vmem_shared>> -> memref<128x128xf32, #tpu.memory_space<vmem_shared>>
      %dma_wait3A_67 = arith.constant 0 : i32
      %dma_wait3A_68 = tpu.memref_slice %arg7[%add3A_10, %dma_wait3A_67] : memref<10240x128xf32, #tpu.memory_space<vmem_shared>> -> memref<128x128xf32, #tpu.memory_space<vmem_shared>>
      tpu.wait_dma2 semaphore(%run_scoped3A : memref<!tpu.dma_semaphore, #tpu.memory_space<semaphore_mem>>) src(%arg8 : memref<128x128xf32, #tpu.memory_space<vmem>>) dst(%dma_wait3A_68 : memref<128x128xf32, #tpu.memory_space<vmem_shared>>)
      tpu.yield
    }) : () -> ()
    %add3A_11 = arith.constant 384 : i32
    %add3A_12 = arith.addi %mul3A_5, %add3A_11 : i32
    "tpu.region"() ({
      %run_scoped3A = tpu.sem_alloc : memref<!tpu.dma_semaphore, #tpu.memory_space<semaphore_mem>>
      %dma_start3A = arith.constant 0 : i32
      %dma_start3A_63 = tpu.memref_slice %arg7[%add3A_12, %dma_start3A] : memref<10240x128xf32, #tpu.memory_space<vmem_shared>> -> memref<128x128xf32, #tpu.memory_space<vmem_shared>>
      %dma_start3A_64 = arith.constant 0 : i32
      %dma_start3A_65 = tpu.memref_slice %arg7[%add3A_12, %dma_start3A_64] : memref<10240x128xf32, #tpu.memory_space<vmem_shared>> -> memref<128x128xf32, #tpu.memory_space<vmem_shared>>
      tpu.enqueue_dma source(%arg8 : memref<128x128xf32, #tpu.memory_space<vmem>>) target(%dma_start3A_65 : memref<128x128xf32, #tpu.memory_space<vmem_shared>>) target_semaphore(%run_scoped3A : memref<!tpu.dma_semaphore, #tpu.memory_space<semaphore_mem>>)
      %dma_wait3A = arith.constant 0 : i32
      %dma_wait3A_66 = tpu.memref_slice %arg7[%add3A_12, %dma_wait3A] : memref<10240x128xf32, #tpu.memory_space<vmem_shared>> -> memref<128x128xf32, #tpu.memory_space<vmem_shared>>
      %dma_wait3A_67 = arith.constant 0 : i32
      %dma_wait3A_68 = tpu.memref_slice %arg7[%add3A_12, %dma_wait3A_67] : memref<10240x128xf32, #tpu.memory_space<vmem_shared>> -> memref<128x128xf32, #tpu.memory_space<vmem_shared>>
      tpu.wait_dma2 semaphore(%run_scoped3A : memref<!tpu.dma_semaphore, #tpu.memory_space<semaphore_mem>>) src(%arg8 : memref<128x128xf32, #tpu.memory_space<vmem>>) dst(%dma_wait3A_68 : memref<128x128xf32, #tpu.memory_space<vmem_shared>>)
      tpu.yield
    }) : () -> ()
    %add3A_13 = arith.constant 512 : i32
    %add3A_14 = arith.addi %mul3A_5, %add3A_13 : i32
    "tpu.region"() ({
      %run_scoped3A = tpu.sem_alloc : memref<!tpu.dma_semaphore, #tpu.memory_space<semaphore_mem>>
      %dma_start3A = arith.constant 0 : i32
      %dma_start3A_63 = tpu.memref_slice %arg7[%add3A_14, %dma_start3A] : memref<10240x128xf32, #tpu.memory_space<vmem_shared>> -> memref<128x128xf32, #tpu.memory_space<vmem_shared>>
      %dma_start3A_64 = arith.constant 0 : i32
      %dma_start3A_65 = tpu.memref_slice %arg7[%add3A_14, %dma_start3A_64] : memref<10240x128xf32, #tpu.memory_space<vmem_shared>> -> memref<128x128xf32, #tpu.memory_space<vmem_shared>>
      tpu.enqueue_dma source(%arg8 : memref<128x128xf32, #tpu.memory_space<vmem>>) target(%dma_start3A_65 : memref<128x128xf32, #tpu.memory_space<vmem_shared>>) target_semaphore(%run_scoped3A : memref<!tpu.dma_semaphore, #tpu.memory_space<semaphore_mem>>)
      %dma_wait3A = arith.constant 0 : i32
      %dma_wait3A_66 = tpu.memref_slice %arg7[%add3A_14, %dma_wait3A] : memref<10240x128xf32, #tpu.memory_space<vmem_shared>> -> memref<128x128xf32, #tpu.memory_space<vmem_shared>>
      %dma_wait3A_67 = arith.constant 0 : i32
      %dma_wait3A_68 = tpu.memref_slice %arg7[%add3A_14, %dma_wait3A_67] : memref<10240x128xf32, #tpu.memory_space<vmem_shared>> -> memref<128x128xf32, #tpu.memory_space<vmem_shared>>
      tpu.wait_dma2 semaphore(%run_scoped3A : memref<!tpu.dma_semaphore, #tpu.memory_space<semaphore_mem>>) src(%arg8 : memref<128x128xf32, #tpu.memory_space<vmem>>) dst(%dma_wait3A_68 : memref<128x128xf32, #tpu.memory_space<vmem_shared>>)
      tpu.yield
    }) : () -> ()
    %mul3A_15 = arith.constant 640 : i32
    %mul3A_16 = arith.muli %arg0, %mul3A_15 : i32
    %mul3A_17 = arith.constant 40 : i32
    %mul3A_18 = arith.muli %arg1, %mul3A_17 : i32
    %add3A_19 = arith.addi %mul3A_16, %mul3A_18 : i32
    "tpu.region"() ({
      %run_scoped3A = tpu.sem_alloc : memref<!tpu.dma_semaphore, #tpu.memory_space<semaphore_mem>>
      %dma_start3A = arith.constant 0 : i32
      %dma_start3A_63 = tpu.memref_slice %arg3[%add3A_19, %dma_start3A] : memref<1280x128xi32, #tpu.memory_space<hbm>> -> memref<40x128xi32, #tpu.memory_space<hbm>>
      %dma_start3A_64 = arith.constant 0 : i32
      %dma_start3A_65 = tpu.memref_slice %arg3[%add3A_19, %dma_start3A_64] : memref<1280x128xi32, #tpu.memory_space<hbm>> -> memref<40x128xi32, #tpu.memory_space<hbm>>
      tpu.enqueue_dma source(%dma_start3A_65 : memref<40x128xi32, #tpu.memory_space<hbm>>) target(%arg10 : memref<40x128xi32, #tpu.memory_space<vmem>>) target_semaphore(%run_scoped3A : memref<!tpu.dma_semaphore, #tpu.memory_space<semaphore_mem>>)
      %dma_wait3A = arith.constant 0 : i32
      %dma_wait3A_66 = tpu.memref_slice %arg3[%add3A_19, %dma_wait3A] : memref<1280x128xi32, #tpu.memory_space<hbm>> -> memref<40x128xi32, #tpu.memory_space<hbm>>
      %dma_wait3A_67 = arith.constant 0 : i32
      %dma_wait3A_68 = tpu.memref_slice %arg3[%add3A_19, %dma_wait3A_67] : memref<1280x128xi32, #tpu.memory_space<hbm>> -> memref<40x128xi32, #tpu.memory_space<hbm>>
      tpu.wait_dma2 semaphore(%run_scoped3A : memref<!tpu.dma_semaphore, #tpu.memory_space<semaphore_mem>>) src(%dma_wait3A_68 : memref<40x128xi32, #tpu.memory_space<hbm>>) dst(%arg10 : memref<40x128xi32, #tpu.memory_space<vmem>>)
      tpu.yield
    }) : () -> ()
    "tpu.region"() ({
      %run_scoped3A = tpu.sem_alloc : memref<!tpu.dma_semaphore, #tpu.memory_space<semaphore_mem>>
      %dma_start3A = arith.constant 0 : i32
      %dma_start3A_63 = tpu.memref_slice %arg4[%add3A_19, %dma_start3A] : memref<1280x128xi32, #tpu.memory_space<hbm>> -> memref<40x128xi32, #tpu.memory_space<hbm>>
      %dma_start3A_64 = arith.constant 0 : i32
      %dma_start3A_65 = tpu.memref_slice %arg4[%add3A_19, %dma_start3A_64] : memref<1280x128xi32, #tpu.memory_space<hbm>> -> memref<40x128xi32, #tpu.memory_space<hbm>>
      tpu.enqueue_dma source(%dma_start3A_65 : memref<40x128xi32, #tpu.memory_space<hbm>>) target(%arg12 : memref<40x128xi32, #tpu.memory_space<vmem>>) target_semaphore(%run_scoped3A : memref<!tpu.dma_semaphore, #tpu.memory_space<semaphore_mem>>)
      %dma_wait3A = arith.constant 0 : i32
      %dma_wait3A_66 = tpu.memref_slice %arg4[%add3A_19, %dma_wait3A] : memref<1280x128xi32, #tpu.memory_space<hbm>> -> memref<40x128xi32, #tpu.memory_space<hbm>>
      %dma_wait3A_67 = arith.constant 0 : i32
      %dma_wait3A_68 = tpu.memref_slice %arg4[%add3A_19, %dma_wait3A_67] : memref<1280x128xi32, #tpu.memory_space<hbm>> -> memref<40x128xi32, #tpu.memory_space<hbm>>
      tpu.wait_dma2 semaphore(%run_scoped3A : memref<!tpu.dma_semaphore, #tpu.memory_space<semaphore_mem>>) src(%dma_wait3A_68 : memref<40x128xi32, #tpu.memory_space<hbm>>) dst(%arg12 : memref<40x128xi32, #tpu.memory_space<vmem>>)
      tpu.yield
    }) : () -> ()
    %barrier3A = arith.constant 0 : index
    tpu.barrier barrier_id(%barrier3A)
    %scan3A_20 = arith.constant 0 : i32
    %scan3A_21 = arith.constant 0 : i32
    %scan3A_22 = arith.constant 0 : i32
    %scan3A_23 = arith.addi %scan3A_21, %scan3A_22 : i32
    %scan3A_24 = arith.constant 0 : i32
    %eq3A = arith.constant 0 : i32
    %eq3A_25 = arith.cmpi eq, %arg0, %eq3A : i32
    %convert_element_type3A = arith.extui %eq3A_25 : i1 to i32
    %cond3A = arith.constant 0 : i32
    %cond3A_26 = arith.constant 0 : i32
    %cond3A_27 = arith.cmpi ne, %convert_element_type3A, %cond3A_26 : i32
    scf.if %cond3A_27 {
      %dma_start3A = arith.constant 0 : i32
      %dma_start3A_63 = tpu.memref_slice %arg10[%cond3A, %dma_start3A] : memref<40x128xi32, #tpu.memory_space<vmem>> -> memref<1x128xi32, #tpu.memory_space<vmem>>
      %dma_start3A_64 = tpu.memref_squeeze %dma_start3A_63 : memref<1x128xi32, #tpu.memory_space<vmem>> -> memref<128xi32, #tpu.memory_space<vmem>>
      %dma_start3A_65 = arith.constant 0 : i32
      %dma_start3A_66 = arith.constant 0 : i32
      %dma_start3A_67 = tpu.memref_slice %arg2[%dma_start3A_65, %dma_start3A_66] : memref<10240x128xf32, #tpu.memory_space<hbm>> -> memref<10240x128xf32, #tpu.memory_space<hbm>>
      tpu.enqueue_indirect_dma source(%dma_start3A_67 : memref<10240x128xf32, #tpu.memory_space<hbm>>) target(%arg8 : memref<128x128xf32, #tpu.memory_space<vmem>>) offsets(%dma_start3A_64 : memref<128xi32, #tpu.memory_space<vmem>>) semaphore(%arg14 : memref<!tpu.dma_semaphore, #tpu.memory_space<semaphore_mem>>)
    } else {
    }
    %eq3A_28 = arith.constant 1 : i32
    %eq3A_29 = arith.cmpi eq, %arg0, %eq3A_28 : i32
    %convert_element_type3A_30 = arith.extui %eq3A_29 : i1 to i32
    %cond3A_31 = arith.constant 0 : i32
    %cond3A_32 = arith.constant 0 : i32
    %cond3A_33 = arith.cmpi ne, %convert_element_type3A_30, %cond3A_32 : i32
    scf.if %cond3A_33 {
      %dma_start3A = arith.constant 0 : i32
      %dma_start3A_63 = tpu.memref_slice %arg10[%cond3A_31, %dma_start3A] : memref<40x128xi32, #tpu.memory_space<vmem>> -> memref<1x128xi32, #tpu.memory_space<vmem>>
      %dma_start3A_64 = tpu.memref_squeeze %dma_start3A_63 : memref<1x128xi32, #tpu.memory_space<vmem>> -> memref<128xi32, #tpu.memory_space<vmem>>
      %dma_start3A_65 = arith.constant 0 : i32
      %dma_start3A_66 = arith.constant 0 : i32
      %dma_start3A_67 = tpu.memref_slice %arg2[%dma_start3A_65, %dma_start3A_66] : memref<10240x128xf32, #tpu.memory_space<hbm>> -> memref<10240x128xf32, #tpu.memory_space<hbm>>
      tpu.enqueue_indirect_dma source(%dma_start3A_67 : memref<10240x128xf32, #tpu.memory_space<hbm>>) target(%arg8 : memref<128x128xf32, #tpu.memory_space<vmem>>) offsets(%dma_start3A_64 : memref<128xi32, #tpu.memory_space<vmem>>) semaphore(%arg14 : memref<!tpu.dma_semaphore, #tpu.memory_space<semaphore_mem>>)
    } else {
    }
    %eq3A_34 = arith.constant 0 : i32
    %eq3A_35 = arith.cmpi eq, %arg0, %eq3A_34 : i32
    %convert_element_type3A_36 = arith.extui %eq3A_35 : i1 to i32
    %cond3A_37 = arith.constant 1 : i32
    %cond3A_38 = arith.constant 0 : i32
    %cond3A_39 = arith.cmpi ne, %convert_element_type3A_36, %cond3A_38 : i32
    scf.if %cond3A_39 {
      %dma_start3A = arith.constant 0 : i32
      %dma_start3A_63 = tpu.memref_slice %arg10[%cond3A_37, %dma_start3A] : memref<40x128xi32, #tpu.memory_space<vmem>> -> memref<1x128xi32, #tpu.memory_space<vmem>>
      %dma_start3A_64 = tpu.memref_squeeze %dma_start3A_63 : memref<1x128xi32, #tpu.memory_space<vmem>> -> memref<128xi32, #tpu.memory_space<vmem>>
      %dma_start3A_65 = arith.constant 0 : i32
      %dma_start3A_66 = arith.constant 0 : i32
      %dma_start3A_67 = tpu.memref_slice %arg2[%dma_start3A_65, %dma_start3A_66] : memref<10240x128xf32, #tpu.memory_space<hbm>> -> memref<10240x128xf32, #tpu.memory_space<hbm>>
      tpu.enqueue_indirect_dma source(%dma_start3A_67 : memref<10240x128xf32, #tpu.memory_space<hbm>>) target(%arg9 : memref<128x128xf32, #tpu.memory_space<vmem>>) offsets(%dma_start3A_64 : memref<128xi32, #tpu.memory_space<vmem>>) semaphore(%arg15 : memref<!tpu.dma_semaphore, #tpu.memory_space<semaphore_mem>>)
    } else {
    }
    %eq3A_40 = arith.constant 1 : i32
    %eq3A_41 = arith.cmpi eq, %arg0, %eq3A_40 : i32
    %convert_element_type3A_42 = arith.extui %eq3A_41 : i1 to i32
    %cond3A_43 = arith.constant 1 : i32
    %cond3A_44 = arith.constant 0 : i32
    %cond3A_45 = arith.cmpi ne, %convert_element_type3A_42, %cond3A_44 : i32
    scf.if %cond3A_45 {
      %dma_start3A = arith.constant 0 : i32
      %dma_start3A_63 = tpu.memref_slice %arg10[%cond3A_43, %dma_start3A] : memref<40x128xi32, #tpu.memory_space<vmem>> -> memref<1x128xi32, #tpu.memory_space<vmem>>
      %dma_start3A_64 = tpu.memref_squeeze %dma_start3A_63 : memref<1x128xi32, #tpu.memory_space<vmem>> -> memref<128xi32, #tpu.memory_space<vmem>>
      %dma_start3A_65 = arith.constant 0 : i32
      %dma_start3A_66 = arith.constant 0 : i32
      %dma_start3A_67 = tpu.memref_slice %arg2[%dma_start3A_65, %dma_start3A_66] : memref<10240x128xf32, #tpu.memory_space<hbm>> -> memref<10240x128xf32, #tpu.memory_space<hbm>>
      tpu.enqueue_indirect_dma source(%dma_start3A_67 : memref<10240x128xf32, #tpu.memory_space<hbm>>) target(%arg9 : memref<128x128xf32, #tpu.memory_space<vmem>>) offsets(%dma_start3A_64 : memref<128xi32, #tpu.memory_space<vmem>>) semaphore(%arg15 : memref<!tpu.dma_semaphore, #tpu.memory_space<semaphore_mem>>)
    } else {
    }
    %scan3A_46 = arith.constant 0 : i32
    %scan3A_47 = arith.constant 0 : i32
    %scan3A_48 = arith.constant 20 : i32
    %scan3A_49 = arith.addi %scan3A_47, %scan3A_48 : i32
    %scan3A_50 = arith.constant 1 : i32
    scf.for %scan3A_63 = %scan3A_47 to %scan3A_49 step %scan3A_50  : i32 {
      %mul3A_64 = arith.constant 2 : i32
      %mul3A_65 = arith.muli %mul3A_64, %scan3A_63 : i32
      %dma_wait3A = arith.constant 0 : i32
      %dma_wait3A_66 = arith.constant 0 : i32
      %dma_wait3A_67 = tpu.memref_slice %arg10[%dma_wait3A, %dma_wait3A_66] : memref<40x128xi32, #tpu.memory_space<vmem>> -> memref<1x128xi32, #tpu.memory_space<vmem>>
      %dma_wait3A_68 = tpu.memref_squeeze %dma_wait3A_67 : memref<1x128xi32, #tpu.memory_space<vmem>> -> memref<128xi32, #tpu.memory_space<vmem>>
      %dma_wait3A_69 = arith.constant 0 : i32
      %dma_wait3A_70 = arith.constant 0 : i32
      %dma_wait3A_71 = tpu.memref_slice %arg2[%dma_wait3A_69, %dma_wait3A_70] : memref<10240x128xf32, #tpu.memory_space<hbm>> -> memref<10240x128xf32, #tpu.memory_space<hbm>>
      tpu.wait_indirect_dma semaphore(%arg14 : memref<!tpu.dma_semaphore, #tpu.memory_space<semaphore_mem>>) src(%dma_wait3A_71 : memref<10240x128xf32, #tpu.memory_space<hbm>>) dst(%arg8 : memref<128x128xf32, #tpu.memory_space<vmem>>)
      "tpu.region"() ({
        %run_scoped3A = tpu.sem_alloc : memref<!tpu.dma_semaphore, #tpu.memory_space<semaphore_mem>>
        %dma_start3A = arith.constant 0 : i32
        %dma_start3A_94 = tpu.memref_slice %arg12[%mul3A_65, %dma_start3A] : memref<40x128xi32, #tpu.memory_space<vmem>> -> memref<1x128xi32, #tpu.memory_space<vmem>>
        %dma_start3A_95 = tpu.memref_squeeze %dma_start3A_94 : memref<1x128xi32, #tpu.memory_space<vmem>> -> memref<128xi32, #tpu.memory_space<vmem>>
        %dma_start3A_96 = arith.constant 0 : i32
        %dma_start3A_97 = arith.constant 0 : i32
        %dma_start3A_98 = tpu.memref_slice %arg7[%dma_start3A_96, %dma_start3A_97] : memref<10240x128xf32, #tpu.memory_space<vmem_shared>> -> memref<10240x128xf32, #tpu.memory_space<vmem_shared>>
        tpu.enqueue_indirect_dma source(%arg8 : memref<128x128xf32, #tpu.memory_space<vmem>>) target(%dma_start3A_98 : memref<10240x128xf32, #tpu.memory_space<vmem_shared>>) offsets(%dma_start3A_95 : memref<128xi32, #tpu.memory_space<vmem>>) semaphore(%run_scoped3A : memref<!tpu.dma_semaphore, #tpu.memory_space<semaphore_mem>>) {add = true}
        %dma_wait3A_99 = arith.constant 0 : i32
        %dma_wait3A_100 = tpu.memref_slice %arg12[%mul3A_65, %dma_wait3A_99] : memref<40x128xi32, #tpu.memory_space<vmem>> -> memref<1x128xi32, #tpu.memory_space<vmem>>
        %dma_wait3A_101 = tpu.memref_squeeze %dma_wait3A_100 : memref<1x128xi32, #tpu.memory_space<vmem>> -> memref<128xi32, #tpu.memory_space<vmem>>
        %dma_wait3A_102 = arith.constant 0 : i32
        %dma_wait3A_103 = arith.constant 0 : i32
        %dma_wait3A_104 = tpu.memref_slice %arg7[%dma_wait3A_102, %dma_wait3A_103] : memref<10240x128xf32, #tpu.memory_space<vmem_shared>> -> memref<10240x128xf32, #tpu.memory_space<vmem_shared>>
        tpu.wait_indirect_dma semaphore(%run_scoped3A : memref<!tpu.dma_semaphore, #tpu.memory_space<semaphore_mem>>) src(%arg8 : memref<128x128xf32, #tpu.memory_space<vmem>>) dst(%dma_wait3A_104 : memref<10240x128xf32, #tpu.memory_space<vmem_shared>>)
        tpu.yield
      }) : () -> ()
      %add3A_72 = arith.constant 2 : i32
      %add3A_73 = arith.addi %mul3A_65, %add3A_72 : i32
      %lt3A = arith.constant 40 : i32
      %lt3A_74 = arith.cmpi slt, %add3A_73, %lt3A : i32
      %convert_element_type3A_75 = arith.extui %lt3A_74 : i1 to i32
      %cond3A_76 = arith.constant 0 : i32
      %cond3A_77 = arith.cmpi ne, %convert_element_type3A_75, %cond3A_76 : i32
      scf.if %cond3A_77 {
        %add3A_94 = arith.constant 2 : i32
        %add3A_95 = arith.addi %mul3A_65, %add3A_94 : i32
        %eq3A_96 = arith.constant 0 : i32
        %eq3A_97 = arith.cmpi eq, %arg0, %eq3A_96 : i32
        %convert_element_type3A_98 = arith.extui %eq3A_97 : i1 to i32
        %cond3A_99 = arith.constant 0 : i32
        %cond3A_100 = arith.cmpi ne, %convert_element_type3A_98, %cond3A_99 : i32
        scf.if %cond3A_100 {
          %dma_start3A = arith.constant 0 : i32
          %dma_start3A_106 = tpu.memref_slice %arg10[%add3A_95, %dma_start3A] : memref<40x128xi32, #tpu.memory_space<vmem>> -> memref<1x128xi32, #tpu.memory_space<vmem>>
          %dma_start3A_107 = tpu.memref_squeeze %dma_start3A_106 : memref<1x128xi32, #tpu.memory_space<vmem>> -> memref<128xi32, #tpu.memory_space<vmem>>
          %dma_start3A_108 = arith.constant 0 : i32
          %dma_start3A_109 = arith.constant 0 : i32
          %dma_start3A_110 = tpu.memref_slice %arg2[%dma_start3A_108, %dma_start3A_109] : memref<10240x128xf32, #tpu.memory_space<hbm>> -> memref<10240x128xf32, #tpu.memory_space<hbm>>
          tpu.enqueue_indirect_dma source(%dma_start3A_110 : memref<10240x128xf32, #tpu.memory_space<hbm>>) target(%arg8 : memref<128x128xf32, #tpu.memory_space<vmem>>) offsets(%dma_start3A_107 : memref<128xi32, #tpu.memory_space<vmem>>) semaphore(%arg14 : memref<!tpu.dma_semaphore, #tpu.memory_space<semaphore_mem>>)
        } else {
        }
        %eq3A_101 = arith.constant 1 : i32
        %eq3A_102 = arith.cmpi eq, %arg0, %eq3A_101 : i32
        %convert_element_type3A_103 = arith.extui %eq3A_102 : i1 to i32
        %cond3A_104 = arith.constant 0 : i32
        %cond3A_105 = arith.cmpi ne, %convert_element_type3A_103, %cond3A_104 : i32
        scf.if %cond3A_105 {
          %dma_start3A = arith.constant 0 : i32
          %dma_start3A_106 = tpu.memref_slice %arg10[%add3A_95, %dma_start3A] : memref<40x128xi32, #tpu.memory_space<vmem>> -> memref<1x128xi32, #tpu.memory_space<vmem>>
          %dma_start3A_107 = tpu.memref_squeeze %dma_start3A_106 : memref<1x128xi32, #tpu.memory_space<vmem>> -> memref<128xi32, #tpu.memory_space<vmem>>
          %dma_start3A_108 = arith.constant 0 : i32
          %dma_start3A_109 = arith.constant 0 : i32
          %dma_start3A_110 = tpu.memref_slice %arg2[%dma_start3A_108, %dma_start3A_109] : memref<10240x128xf32, #tpu.memory_space<hbm>> -> memref<10240x128xf32, #tpu.memory_space<hbm>>
          tpu.enqueue_indirect_dma source(%dma_start3A_110 : memref<10240x128xf32, #tpu.memory_space<hbm>>) target(%arg8 : memref<128x128xf32, #tpu.memory_space<vmem>>) offsets(%dma_start3A_107 : memref<128xi32, #tpu.memory_space<vmem>>) semaphore(%arg14 : memref<!tpu.dma_semaphore, #tpu.memory_space<semaphore_mem>>)
        } else {
        }
      } else {
      }
      %dma_wait3A_78 = arith.constant 0 : i32
      %dma_wait3A_79 = arith.constant 0 : i32
      %dma_wait3A_80 = tpu.memref_slice %arg10[%dma_wait3A_78, %dma_wait3A_79] : memref<40x128xi32, #tpu.memory_space<vmem>> -> memref<1x128xi32, #tpu.memory_space<vmem>>
      %dma_wait3A_81 = tpu.memref_squeeze %dma_wait3A_80 : memref<1x128xi32, #tpu.memory_space<vmem>> -> memref<128xi32, #tpu.memory_space<vmem>>
      %dma_wait3A_82 = arith.constant 0 : i32
      %dma_wait3A_83 = arith.constant 0 : i32
      %dma_wait3A_84 = tpu.memref_slice %arg2[%dma_wait3A_82, %dma_wait3A_83] : memref<10240x128xf32, #tpu.memory_space<hbm>> -> memref<10240x128xf32, #tpu.memory_space<hbm>>
      tpu.wait_indirect_dma semaphore(%arg15 : memref<!tpu.dma_semaphore, #tpu.memory_space<semaphore_mem>>) src(%dma_wait3A_84 : memref<10240x128xf32, #tpu.memory_space<hbm>>) dst(%arg9 : memref<128x128xf32, #tpu.memory_space<vmem>>)
      %add3A_85 = arith.constant 1 : i32
      %add3A_86 = arith.addi %mul3A_65, %add3A_85 : i32
      "tpu.region"() ({
        %run_scoped3A = tpu.sem_alloc : memref<!tpu.dma_semaphore, #tpu.memory_space<semaphore_mem>>
        %dma_start3A = arith.constant 0 : i32
        %dma_start3A_94 = tpu.memref_slice %arg12[%add3A_86, %dma_start3A] : memref<40x128xi32, #tpu.memory_space<vmem>> -> memref<1x128xi32, #tpu.memory_space<vmem>>
        %dma_start3A_95 = tpu.memref_squeeze %dma_start3A_94 : memref<1x128xi32, #tpu.memory_space<vmem>> -> memref<128xi32, #tpu.memory_space<vmem>>
        %dma_start3A_96 = arith.constant 0 : i32
        %dma_start3A_97 = arith.constant 0 : i32
        %dma_start3A_98 = tpu.memref_slice %arg7[%dma_start3A_96, %dma_start3A_97] : memref<10240x128xf32, #tpu.memory_space<vmem_shared>> -> memref<10240x128xf32, #tpu.memory_space<vmem_shared>>
        tpu.enqueue_indirect_dma source(%arg9 : memref<128x128xf32, #tpu.memory_space<vmem>>) target(%dma_start3A_98 : memref<10240x128xf32, #tpu.memory_space<vmem_shared>>) offsets(%dma_start3A_95 : memref<128xi32, #tpu.memory_space<vmem>>) semaphore(%run_scoped3A : memref<!tpu.dma_semaphore, #tpu.memory_space<semaphore_mem>>) {add = true}
        %dma_wait3A_99 = arith.constant 0 : i32
        %dma_wait3A_100 = tpu.memref_slice %arg12[%add3A_86, %dma_wait3A_99] : memref<40x128xi32, #tpu.memory_space<vmem>> -> memref<1x128xi32, #tpu.memory_space<vmem>>
        %dma_wait3A_101 = tpu.memref_squeeze %dma_wait3A_100 : memref<1x128xi32, #tpu.memory_space<vmem>> -> memref<128xi32, #tpu.memory_space<vmem>>
        %dma_wait3A_102 = arith.constant 0 : i32
        %dma_wait3A_103 = arith.constant 0 : i32
        %dma_wait3A_104 = tpu.memref_slice %arg7[%dma_wait3A_102, %dma_wait3A_103] : memref<10240x128xf32, #tpu.memory_space<vmem_shared>> -> memref<10240x128xf32, #tpu.memory_space<vmem_shared>>
        tpu.wait_indirect_dma semaphore(%run_scoped3A : memref<!tpu.dma_semaphore, #tpu.memory_space<semaphore_mem>>) src(%arg9 : memref<128x128xf32, #tpu.memory_space<vmem>>) dst(%dma_wait3A_104 : memref<10240x128xf32, #tpu.memory_space<vmem_shared>>)
        tpu.yield
      }) : () -> ()
      %add3A_87 = arith.constant 3 : i32
      %add3A_88 = arith.addi %mul3A_65, %add3A_87 : i32
      %lt3A_89 = arith.constant 40 : i32
      %lt3A_90 = arith.cmpi slt, %add3A_88, %lt3A_89 : i32
      %convert_element_type3A_91 = arith.extui %lt3A_90 : i1 to i32
      %cond3A_92 = arith.constant 0 : i32
      %cond3A_93 = arith.cmpi ne, %convert_element_type3A_91, %cond3A_92 : i32
      scf.if %cond3A_93 {
        %add3A_94 = arith.constant 3 : i32
        %add3A_95 = arith.addi %mul3A_65, %add3A_94 : i32
        %eq3A_96 = arith.constant 0 : i32
        %eq3A_97 = arith.cmpi eq, %arg0, %eq3A_96 : i32
        %convert_element_type3A_98 = arith.extui %eq3A_97 : i1 to i32
        %cond3A_99 = arith.constant 0 : i32
        %cond3A_100 = arith.cmpi ne, %convert_element_type3A_98, %cond3A_99 : i32
        scf.if %cond3A_100 {
          %dma_start3A = arith.constant 0 : i32
          %dma_start3A_106 = tpu.memref_slice %arg10[%add3A_95, %dma_start3A] : memref<40x128xi32, #tpu.memory_space<vmem>> -> memref<1x128xi32, #tpu.memory_space<vmem>>
          %dma_start3A_107 = tpu.memref_squeeze %dma_start3A_106 : memref<1x128xi32, #tpu.memory_space<vmem>> -> memref<128xi32, #tpu.memory_space<vmem>>
          %dma_start3A_108 = arith.constant 0 : i32
          %dma_start3A_109 = arith.constant 0 : i32
          %dma_start3A_110 = tpu.memref_slice %arg2[%dma_start3A_108, %dma_start3A_109] : memref<10240x128xf32, #tpu.memory_space<hbm>> -> memref<10240x128xf32, #tpu.memory_space<hbm>>
          tpu.enqueue_indirect_dma source(%dma_start3A_110 : memref<10240x128xf32, #tpu.memory_space<hbm>>) target(%arg9 : memref<128x128xf32, #tpu.memory_space<vmem>>) offsets(%dma_start3A_107 : memref<128xi32, #tpu.memory_space<vmem>>) semaphore(%arg15 : memref<!tpu.dma_semaphore, #tpu.memory_space<semaphore_mem>>)
        } else {
        }
        %eq3A_101 = arith.constant 1 : i32
        %eq3A_102 = arith.cmpi eq, %arg0, %eq3A_101 : i32
        %convert_element_type3A_103 = arith.extui %eq3A_102 : i1 to i32
        %cond3A_104 = arith.constant 0 : i32
        %cond3A_105 = arith.cmpi ne, %convert_element_type3A_103, %cond3A_104 : i32
        scf.if %cond3A_105 {
          %dma_start3A = arith.constant 0 : i32
          %dma_start3A_106 = tpu.memref_slice %arg10[%add3A_95, %dma_start3A] : memref<40x128xi32, #tpu.memory_space<vmem>> -> memref<1x128xi32, #tpu.memory_space<vmem>>
          %dma_start3A_107 = tpu.memref_squeeze %dma_start3A_106 : memref<1x128xi32, #tpu.memory_space<vmem>> -> memref<128xi32, #tpu.memory_space<vmem>>
          %dma_start3A_108 = arith.constant 0 : i32
          %dma_start3A_109 = arith.constant 0 : i32
          %dma_start3A_110 = tpu.memref_slice %arg2[%dma_start3A_108, %dma_start3A_109] : memref<10240x128xf32, #tpu.memory_space<hbm>> -> memref<10240x128xf32, #tpu.memory_space<hbm>>
          tpu.enqueue_indirect_dma source(%dma_start3A_110 : memref<10240x128xf32, #tpu.memory_space<hbm>>) target(%arg9 : memref<128x128xf32, #tpu.memory_space<vmem>>) offsets(%dma_start3A_107 : memref<128xi32, #tpu.memory_space<vmem>>) semaphore(%arg15 : memref<!tpu.dma_semaphore, #tpu.memory_space<semaphore_mem>>)
        } else {
        }
      } else {
      }
    }
    %scan3A_51 = arith.constant 20 : i32
    %barrier3A_52 = arith.constant 0 : index
    tpu.barrier barrier_id(%barrier3A_52)
    %eq3A_53 = arith.constant 0 : i32
    %eq3A_54 = arith.cmpi eq, %arg0, %eq3A_53 : i32
    %convert_element_type3A_55 = arith.extui %eq3A_54 : i1 to i32
    %cond3A_56 = arith.constant 0 : i32
    %cond3A_57 = arith.cmpi ne, %convert_element_type3A_55, %cond3A_56 : i32
    scf.if %cond3A_57 {
      "tpu.region"() ({
        %run_scoped3A = tpu.sem_alloc : memref<!tpu.dma_semaphore, #tpu.memory_space<semaphore_mem>>
        %dma_start3A = arith.constant 0 : i32
        %dma_start3A_63 = tpu.memref_slice %arg5[%mul3A_5, %dma_start3A] : memref<10240x128xf32, #tpu.memory_space<hbm>> -> memref<640x128xf32, #tpu.memory_space<hbm>>
        %dma_start3A_64 = arith.constant 0 : i32
        %dma_start3A_65 = tpu.memref_slice %arg7[%mul3A_5, %dma_start3A_64] : memref<10240x128xf32, #tpu.memory_space<vmem_shared>> -> memref<640x128xf32, #tpu.memory_space<vmem_shared>>
        tpu.enqueue_dma source(%dma_start3A_65 : memref<640x128xf32, #tpu.memory_space<vmem_shared>>) target(%dma_start3A_63 : memref<640x128xf32, #tpu.memory_space<hbm>>) target_semaphore(%run_scoped3A : memref<!tpu.dma_semaphore, #tpu.memory_space<semaphore_mem>>)
        %dma_wait3A = arith.constant 0 : i32
        %dma_wait3A_66 = tpu.memref_slice %arg5[%mul3A_5, %dma_wait3A] : memref<10240x128xf32, #tpu.memory_space<hbm>> -> memref<640x128xf32, #tpu.memory_space<hbm>>
        %dma_wait3A_67 = arith.constant 0 : i32
        %dma_wait3A_68 = tpu.memref_slice %arg7[%mul3A_5, %dma_wait3A_67] : memref<10240x128xf32, #tpu.memory_space<vmem_shared>> -> memref<640x128xf32, #tpu.memory_space<vmem_shared>>
        tpu.wait_dma2 semaphore(%run_scoped3A : memref<!tpu.dma_semaphore, #tpu.memory_space<semaphore_mem>>) src(%dma_wait3A_68 : memref<640x128xf32, #tpu.memory_space<vmem_shared>>) dst(%dma_wait3A_66 : memref<640x128xf32, #tpu.memory_space<hbm>>)
        tpu.yield
      }) : () -> ()
    } else {
    }
    %eq3A_58 = arith.constant 1 : i32
    %eq3A_59 = arith.cmpi eq, %arg0, %eq3A_58 : i32
    %convert_element_type3A_60 = arith.extui %eq3A_59 : i1 to i32
    %cond3A_61 = arith.constant 0 : i32
    %cond3A_62 = arith.cmpi ne, %convert_element_type3A_60, %cond3A_61 : i32
    scf.if %cond3A_62 {
      "tpu.region"() ({
        %run_scoped3A = tpu.sem_alloc : memref<!tpu.dma_semaphore, #tpu.memory_space<semaphore_mem>>
        %dma_start3A = arith.constant 0 : i32
        %dma_start3A_63 = tpu.memref_slice %arg6[%mul3A_5, %dma_start3A] : memref<10240x128xf32, #tpu.memory_space<hbm>> -> memref<640x128xf32, #tpu.memory_space<hbm>>
        %dma_start3A_64 = arith.constant 0 : i32
        %dma_start3A_65 = tpu.memref_slice %arg7[%mul3A_5, %dma_start3A_64] : memref<10240x128xf32, #tpu.memory_space<vmem_shared>> -> memref<640x128xf32, #tpu.memory_space<vmem_shared>>
        tpu.enqueue_dma source(%dma_start3A_65 : memref<640x128xf32, #tpu.memory_space<vmem_shared>>) target(%dma_start3A_63 : memref<640x128xf32, #tpu.memory_space<hbm>>) target_semaphore(%run_scoped3A : memref<!tpu.dma_semaphore, #tpu.memory_space<semaphore_mem>>)
        %dma_wait3A = arith.constant 0 : i32
        %dma_wait3A_66 = tpu.memref_slice %arg6[%mul3A_5, %dma_wait3A] : memref<10240x128xf32, #tpu.memory_space<hbm>> -> memref<640x128xf32, #tpu.memory_space<hbm>>
        %dma_wait3A_67 = arith.constant 0 : i32
        %dma_wait3A_68 = tpu.memref_slice %arg7[%mul3A_5, %dma_wait3A_67] : memref<10240x128xf32, #tpu.memory_space<vmem_shared>> -> memref<640x128xf32, #tpu.memory_space<vmem_shared>>
        tpu.wait_dma2 semaphore(%run_scoped3A : memref<!tpu.dma_semaphore, #tpu.memory_space<semaphore_mem>>) src(%dma_wait3A_68 : memref<640x128xf32, #tpu.memory_space<vmem_shared>>) dst(%dma_wait3A_66 : memref<640x128xf32, #tpu.memory_space<hbm>>)
        tpu.yield
      }) : () -> ()
    } else {
    }
    return
  }
}

module attributes {stable_mosaic.version = 14 : i64} {
  func.func @_tc1_body(%arg0: i32, %arg1: memref<1000x256xf32, #tpu.memory_space<vmem>>, %arg2: memref<256x256xf32, #tpu.memory_space<vmem>>, %arg3: memref<1000x128xf32, #tpu.memory_space<vmem>>, %arg4: memref<1000x128xf32, #tpu.memory_space<vmem>>) attributes {dimension_semantics = [#tpu.dimension_semantics<arbitrary>], iteration_bounds = array<i64: 10>, scalar_prefetch = 0 : i64, scratch_operands = 0 : i64, tpu.core_type = #tpu.core_type<tc>, window_params = [{transform_indices = @transform_0, window_bounds = array<i64: 1000, 256>}, {pipeline_mode = #tpu.pipeline_mode<synchronous>, transform_indices = @transform_1, window_bounds = array<i64: 256, 256>}, {transform_indices = @transform_2, window_bounds = array<i64: 1000, 128>}, {transform_indices = @transform_3, window_bounds = array<i64: 1000, 128>}]} {
    %get3A = arith.constant 0 : index
    %get3A_0 = arith.constant 0 : index
    %get3A_1 = vector.load %arg1[%get3A, %get3A_0] : memref<1000x256xf32, #tpu.memory_space<vmem>>, vector<1000x256xf32>
    %get3A_2 = arith.constant 0 : index
    %get3A_3 = arith.constant 0 : index
    %get3A_4 = vector.load %arg2[%get3A_2, %get3A_3] : memref<256x256xf32, #tpu.memory_space<vmem>>, vector<256x256xf32>
    %slice3A = vector.extract_strided_slice %get3A_4 {offsets = [0, 0], sizes = [256, 128], strides = [1, 1]} : vector<256x256xf32> to vector<256x128xf32>
    %dot_general3A = arith.constant dense<0.000000e+00> : vector<1000x128xf32>
    %dot_general3A_5 = tpu.matmul %get3A_1, %slice3A, %dot_general3A {dimension_numbers = #tpu.dot_dimension_numbers<[1], [0], [0], [1], [0, 0, 1, 1], [], []>, transpose_lhs_hint = false} : vector<1000x256xf32>, vector<256x128xf32>, vector<1000x128xf32> -> vector<1000x128xf32>
    %swap3A = arith.constant 0 : index
    %swap3A_6 = arith.constant 0 : index
    %swap3A_7 = vector.load %arg3[%swap3A, %swap3A_6] : memref<1000x128xf32, #tpu.memory_space<vmem>>, vector<1000x128xf32>
    tpu.vector_store %arg3[%swap3A, %swap3A_6], %dot_general3A_5 {strides = array<i32>} : memref<1000x128xf32, #tpu.memory_space<vmem>>, vector<1000x128xf32>,
    %slice3A_8 = vector.extract_strided_slice %get3A_4 {offsets = [0, 128], sizes = [256, 128], strides = [1, 1]} : vector<256x256xf32> to vector<256x128xf32>
    %dot_general3A_9 = arith.constant dense<0.000000e+00> : vector<1000x128xf32>
    %dot_general3A_10 = tpu.matmul %get3A_1, %slice3A_8, %dot_general3A_9 {dimension_numbers = #tpu.dot_dimension_numbers<[1], [0], [0], [1], [0, 0, 1, 1], [], []>, transpose_lhs_hint = false} : vector<1000x256xf32>, vector<256x128xf32>, vector<1000x128xf32> -> vector<1000x128xf32>
    %swap3A_11 = arith.constant 0 : index
    %swap3A_12 = arith.constant 0 : index
    %swap3A_13 = vector.load %arg4[%swap3A_11, %swap3A_12] : memref<1000x128xf32, #tpu.memory_space<vmem>>, vector<1000x128xf32>
    tpu.vector_store %arg4[%swap3A_11, %swap3A_12], %dot_general3A_10 {strides = array<i32>} : memref<1000x128xf32, #tpu.memory_space<vmem>>, vector<1000x128xf32>,
    return
  }
  func.func @transform_0(%arg0: i32) -> (i32, i32) {
    %c0_i32 = arith.constant 0 : i32
    %c0_i32_0 = arith.constant 0 : i32
    return %arg0, %c0_i32 : i32, i32
  }
  func.func @transform_1(%arg0: i32) -> (i32, i32) {
    %c0_i32 = arith.constant 0 : i32
    %c0_i32_0 = arith.constant 0 : i32
    %c0_i32_1 = arith.constant 0 : i32
    return %c0_i32, %c0_i32_0 : i32, i32
  }
  func.func @transform_2(%arg0: i32) -> (i32, i32) {
    %c0_i32 = arith.constant 0 : i32
    %c0_i32_0 = arith.constant 0 : i32
    return %arg0, %c0_i32 : i32, i32
  }
  func.func @transform_3(%arg0: i32) -> (i32, i32) {
    %c0_i32 = arith.constant 0 : i32
    %c0_i32_0 = arith.constant 0 : i32
    return %arg0, %c0_i32 : i32, i32
  }
}

module attributes {stable_mosaic.version = 14 : i64} {
  func.func @_tc2_body(%arg0: i32, %arg1: memref<1000x128xf32, #tpu.memory_space<vmem>>, %arg2: memref<1000x128xf32, #tpu.memory_space<vmem>>, %arg3: memref<2x128xf32, #tpu.memory_space<vmem>>, %arg4: memref<256x128xf32, #tpu.memory_space<vmem>>, %arg5: memref<1000x128xf32, #tpu.memory_space<vmem>>) attributes {dimension_semantics = [#tpu.dimension_semantics<arbitrary>], iteration_bounds = array<i64: 10>, scalar_prefetch = 0 : i64, scratch_operands = 0 : i64, tpu.core_type = #tpu.core_type<tc>, window_params = [{transform_indices = @transform_0, window_bounds = array<i64: 1000, 128>}, {transform_indices = @transform_1, window_bounds = array<i64: 1000, 128>}, {pipeline_mode = #tpu.pipeline_mode<synchronous>, transform_indices = @transform_2, window_bounds = array<i64: 2, 128>}, {pipeline_mode = #tpu.pipeline_mode<synchronous>, transform_indices = @transform_3, window_bounds = array<i64: 256, 128>}, {transform_indices = @transform_4, window_bounds = array<i64: 1000, 128>}]} {
    %get3A = arith.constant 0 : index
    %get3A_0 = arith.constant 0 : index
    %get3A_1 = vector.load %arg1[%get3A, %get3A_0] : memref<1000x128xf32, #tpu.memory_space<vmem>>, vector<1000x128xf32>
    %get3A_2 = arith.constant 0 : index
    %get3A_3 = arith.constant 0 : index
    %get3A_4 = vector.load %arg3[%get3A_2, %get3A_3] : memref<2x128xf32, #tpu.memory_space<vmem>>, vector<1x128xf32>
    %add3A = vector.broadcast %get3A_4 : vector<1x128xf32> to vector<1000x128xf32>
    %add3A_5 = arith.addf %get3A_1, %add3A : vector<1000x128xf32>
    %max3A = arith.constant 0.000000e+00 : f32
    %max3A_6 = vector.broadcast %max3A : f32 to vector<1000x128xf32>
    %max3A_7 = arith.maximumf %add3A_5, %max3A_6 : vector<1000x128xf32>
    %get3A_8 = arith.constant 0 : index
    %get3A_9 = arith.constant 0 : index
    %get3A_10 = vector.load %arg2[%get3A_8, %get3A_9] : memref<1000x128xf32, #tpu.memory_space<vmem>>, vector<1000x128xf32>
    %get3A_11 = arith.constant 1 : index
    %get3A_12 = arith.constant 0 : index
    %get3A_13 = vector.load %arg3[%get3A_11, %get3A_12] : memref<2x128xf32, #tpu.memory_space<vmem>>, vector<1x128xf32>
    %add3A_14 = vector.broadcast %get3A_13 : vector<1x128xf32> to vector<1000x128xf32>
    %add3A_15 = arith.addf %get3A_10, %add3A_14 : vector<1000x128xf32>
    %max3A_16 = arith.constant 0.000000e+00 : f32
    %max3A_17 = vector.broadcast %max3A_16 : f32 to vector<1000x128xf32>
    %max3A_18 = arith.maximumf %add3A_15, %max3A_17 : vector<1000x128xf32>
    %get3A_19 = arith.constant 0 : index
    %get3A_20 = arith.constant 0 : index
    %get3A_21 = vector.load %arg4[%get3A_19, %get3A_20] : memref<256x128xf32, #tpu.memory_space<vmem>>, vector<128x128xf32>
    %dot_general3A = arith.constant dense<0.000000e+00> : vector<1000x128xf32>
    %dot_general3A_22 = tpu.matmul %max3A_7, %get3A_21, %dot_general3A {dimension_numbers = #tpu.dot_dimension_numbers<[1], [0], [0], [1], [0, 0, 1, 1], [], []>, transpose_lhs_hint = false} : vector<1000x128xf32>, vector<128x128xf32>, vector<1000x128xf32> -> vector<1000x128xf32>
    %get3A_23 = arith.constant 128 : index
    %get3A_24 = arith.constant 0 : index
    %get3A_25 = vector.load %arg4[%get3A_23, %get3A_24] : memref<256x128xf32, #tpu.memory_space<vmem>>, vector<128x128xf32>
    %dot_general3A_26 = arith.constant dense<0.000000e+00> : vector<1000x128xf32>
    %dot_general3A_27 = tpu.matmul %max3A_18, %get3A_25, %dot_general3A_26 {dimension_numbers = #tpu.dot_dimension_numbers<[1], [0], [0], [1], [0, 0, 1, 1], [], []>, transpose_lhs_hint = false} : vector<1000x128xf32>, vector<128x128xf32>, vector<1000x128xf32> -> vector<1000x128xf32>
    %add3A_28 = arith.addf %dot_general3A_22, %dot_general3A_27 : vector<1000x128xf32>
    %swap3A = arith.constant 0 : index
    %swap3A_29 = arith.constant 0 : index
    %swap3A_30 = vector.load %arg5[%swap3A, %swap3A_29] : memref<1000x128xf32, #tpu.memory_space<vmem>>, vector<1000x128xf32>
    tpu.vector_store %arg5[%swap3A, %swap3A_29], %add3A_28 {strides = array<i32>} : memref<1000x128xf32, #tpu.memory_space<vmem>>, vector<1000x128xf32>,
    return
  }
  func.func @transform_0(%arg0: i32) -> (i32, i32) {
    %c0_i32 = arith.constant 0 : i32
    %c0_i32_0 = arith.constant 0 : i32
    return %arg0, %c0_i32 : i32, i32
  }
  func.func @transform_1(%arg0: i32) -> (i32, i32) {
    %c0_i32 = arith.constant 0 : i32
    %c0_i32_0 = arith.constant 0 : i32
    return %arg0, %c0_i32 : i32, i32
  }
  func.func @transform_2(%arg0: i32) -> (i32, i32) {
    %c0_i32 = arith.constant 0 : i32
    %c0_i32_0 = arith.constant 0 : i32
    %c0_i32_1 = arith.constant 0 : i32
    return %c0_i32, %c0_i32_0 : i32, i32
  }
  func.func @transform_3(%arg0: i32) -> (i32, i32) {
    %c0_i32 = arith.constant 0 : i32
    %c0_i32_0 = arith.constant 0 : i32
    %c0_i32_1 = arith.constant 0 : i32
    return %c0_i32, %c0_i32_0 : i32, i32
  }
  func.func @transform_4(%arg0: i32) -> (i32, i32) {
    %c0_i32 = arith.constant 0 : i32
    %c0_i32_0 = arith.constant 0 : i32
    return %arg0, %c0_i32 : i32, i32
  }
}

module attributes {stable_mosaic.version = 14 : i64} {
  func.func @_tc3_body(%arg0: i32, %arg1: memref<1000x128xf32, #tpu.memory_space<vmem>>, %arg2: memref<1000x128xf32, #tpu.memory_space<vmem>>, %arg3: memref<1x128xf32, #tpu.memory_space<vmem>>, %arg4: memref<1000x40xf32, #tpu.memory_space<vmem>>) attributes {dimension_semantics = [#tpu.dimension_semantics<arbitrary>], iteration_bounds = array<i64: 10>, scalar_prefetch = 0 : i64, scratch_operands = 0 : i64, tpu.core_type = #tpu.core_type<tc>, window_params = [{transform_indices = @transform_0, window_bounds = array<i64: 1000, 128>}, {transform_indices = @transform_1, window_bounds = array<i64: 1000, 128>}, {pipeline_mode = #tpu.pipeline_mode<synchronous>, transform_indices = @transform_2, window_bounds = array<i64: 1, 128>}, {transform_indices = @transform_3, window_bounds = array<i64: 1000, 40>}]} {
    %get3A = arith.constant 0 : index
    %get3A_0 = arith.constant 0 : index
    %get3A_1 = vector.load %arg1[%get3A, %get3A_0] : memref<1000x128xf32, #tpu.memory_space<vmem>>, vector<1000x128xf32>
    %get3A_2 = arith.constant 0 : index
    %get3A_3 = arith.constant 0 : index
    %get3A_4 = vector.load %arg2[%get3A_2, %get3A_3] : memref<1000x128xf32, #tpu.memory_space<vmem>>, vector<1000x128xf32>
    %add3A = arith.addf %get3A_1, %get3A_4 : vector<1000x128xf32>
    %get3A_5 = arith.constant 0 : index
    %get3A_6 = arith.constant 0 : index
    %get3A_7 = vector.load %arg3[%get3A_5, %get3A_6] : memref<1x128xf32, #tpu.memory_space<vmem>>, vector<1x128xf32>
    %add3A_8 = vector.broadcast %get3A_7 : vector<1x128xf32> to vector<1000x128xf32>
    %add3A_9 = arith.addf %add3A, %add3A_8 : vector<1000x128xf32>
    %iota3A = tpu.iota {dimensions = array<i32: 1>} : vector<1000x128xi32>
    %lt3A = arith.constant 40 : i32
    %lt3A_10 = vector.broadcast %lt3A : i32 to vector<1000x128xi32>
    %lt3A_11 = arith.cmpi slt, %iota3A, %lt3A_10 : vector<1000x128xi32>
    %jit3A = arith.constant -1.000000e+30 : f32
    %broadcast_in_dim3A = vector.broadcast %jit3A : f32 to vector<1000x128xf32>
    %select_n3A = arith.select %lt3A_11, %add3A_9, %broadcast_in_dim3A : vector<1000x128xi1>, vector<1000x128xf32>
    %reduce_max3A = arith.constant dense<0xFF800000> : vector<1000xf32>
    %reduce_max3A_12 = vector.multi_reduction <maximumf>, %select_n3A, %reduce_max3A [1] : vector<1000x128xf32> to vector<1000xf32>
    %broadcast_in_dim3A_13 = vector.shape_cast %reduce_max3A_12 : vector<1000xf32> to vector<1000x1xf32>
    %sub3A = vector.broadcast %broadcast_in_dim3A_13 : vector<1000x1xf32> to vector<1000x128xf32>
    %sub3A_14 = arith.subf %add3A_9, %sub3A : vector<1000x128xf32>
    %exp3A = math.exp %sub3A_14 : vector<1000x128xf32>
    %jit3A_15 = arith.constant 0.000000e+00 : f32
    %broadcast_in_dim3A_16 = vector.broadcast %jit3A_15 : f32 to vector<1000x128xf32>
    %select_n3A_17 = arith.select %lt3A_11, %exp3A, %broadcast_in_dim3A_16 : vector<1000x128xi1>, vector<1000x128xf32>
    %reduce_sum3A = arith.constant dense<0.000000e+00> : vector<1000xf32>
    %reduce_sum3A_18 = vector.multi_reduction <add>, %select_n3A_17, %reduce_sum3A [1] : vector<1000x128xf32> to vector<1000xf32>
    %broadcast_in_dim3A_19 = vector.shape_cast %reduce_sum3A_18 : vector<1000xf32> to vector<1000x1xf32>
    %log3A = math.log %broadcast_in_dim3A_19 : vector<1000x1xf32>
    %sub3A_20 = vector.broadcast %broadcast_in_dim3A_13 : vector<1000x1xf32> to vector<1000x128xf32>
    %sub3A_21 = arith.subf %add3A_9, %sub3A_20 : vector<1000x128xf32>
    %sub3A_22 = vector.broadcast %log3A : vector<1000x1xf32> to vector<1000x128xf32>
    %sub3A_23 = arith.subf %sub3A_21, %sub3A_22 : vector<1000x128xf32>
    %slice3A = vector.extract_strided_slice %sub3A_23 {offsets = [0, 0], sizes = [1000, 40], strides = [1, 1]} : vector<1000x128xf32> to vector<1000x40xf32>
    %swap3A = arith.constant 0 : index
    %swap3A_24 = arith.constant 0 : index
    %swap3A_25 = vector.load %arg4[%swap3A, %swap3A_24] : memref<1000x40xf32, #tpu.memory_space<vmem>>, vector<1000x40xf32>
    tpu.vector_store %arg4[%swap3A, %swap3A_24], %slice3A {strides = array<i32>} : memref<1000x40xf32, #tpu.memory_space<vmem>>, vector<1000x40xf32>,
    return
  }
  func.func @transform_0(%arg0: i32) -> (i32, i32) {
    %c0_i32 = arith.constant 0 : i32
    %c0_i32_0 = arith.constant 0 : i32
    return %arg0, %c0_i32 : i32, i32
  }
  func.func @transform_1(%arg0: i32) -> (i32, i32) {
    %c0_i32 = arith.constant 0 : i32
    %c0_i32_0 = arith.constant 0 : i32
    return %arg0, %c0_i32 : i32, i32
  }
  func.func @transform_2(%arg0: i32) -> (i32, i32) {
    %c0_i32 = arith.constant 0 : i32
    %c0_i32_0 = arith.constant 0 : i32
    %c0_i32_1 = arith.constant 0 : i32
    return %c0_i32, %c0_i32_0 : i32, i32
  }
  func.func @transform_3(%arg0: i32) -> (i32, i32) {
    %c0_i32 = arith.constant 0 : i32
    %c0_i32_0 = arith.constant 0 : i32
    return %arg0, %c0_i32 : i32, i32
  }
}

</mosaic_0001>

<sc_bundles>
// kernel: kernel.10.cloned.1.call-start
scs
__scs_entry_jumppad:
0x0: {  	(pc) =	sbr.rel $0x88, $3  }
0x1: {  	(tag) =	ssettag $0x0;
	lr =	simm.s32 $0x1  }
0x2: {  	[smem:$0x3F9B] =	sst lr;
	_ =	strace $0xD0000000  }
0x3: {  	_ = 	snop  }
0x4: {  	_ = 	snop  }
0x5: {  	_ = 	snop  }
0x6: {  	_ = 	snop  }
0x7: {  	_ = 	snop  }
__scs_overlays_trampoline_lowered:
0x8: {  	[smem:$0x3FAA] =	sst s0  }
0x9: {  	[smem:$0x3FAB] =	sst s1  }
0xa: {  	[smem:$0x3FAC] =	sst s2  }
0xb: {  	[smem:$0x3FAD] =	sst s3  }
0xc: {  	[smem:$0x3FAE] =	sst s4  }
0xd: {  	[smem:$0x3FAF] =	sst s5  }
0xe: {  	[smem:$0x3FB0] =	sst s6  }
0xf: {  	[smem:$0x3FB1] =	sst s7  }
0x10: {  	[smem:$0x3FB2] =	sst s8  }
0x11: {  	[smem:$0x3FB3] =	sst s9;
	s0 =	simm.s32 @!p0 $0x0  }
0x12: {  	s1 =	sld [smem:$0x3F99];
	s0 =	simm.s32 @p0 $0x1  }
0x13: {  	[smem:$0x3FB4] =	sst s0;
	s0 =	simm.s32 @!p1 $0x0  }
0x14: {  	s2 =	sld [smem:$0x3F98];
	s0 =	simm.s32 @p1 $0x1  }
0x15: {  	[smem:$0x3FB5] =	sst s0;
	s0 =	simm.s32 @!p2 $0x0  }
0x16: {  	s3 =	sld [smem:$0x3FDB];
	s0 =	simm.s32 @p2 $0x1  }
0x17: {  	s4 =	simm.s32 $0x1BF5;
	[smem:$0x3FB7] =	sst s0  }
0x18: {  	s0 =	sld [smem:$0x3F9A];
	_ =	swait.ge [sflag:s4], $0x0  }
0x19: {  	s7 =	sld [smem:$0x3F9B]  }
0x1a: {  	s8 =	sadd.s32 $0xFFFFE003, lr  }
0x1b: {  	s9 =	sadd.s32 $0xFFFFFEF7, lr;
	s5 =	simm.s32 $0xFFFFFFFF;
	p2 =	slt.u32 s8, $0xFFFFF086  }
0x1c: {  	p1 =	slt.u32 s9, $0xF7A;
	s5 =	simm.s32 @!p2 $0x0  }
0x1d: {  	s5 =	simm.s32 @p1 $0x1;
	p0 =	seq.s32 s7, s2  }
0x1e: {  	s7 =	smul.u32 @!p0 $0xF7A, s2;
	p2 =	seq.s32 @!p0 s5, $0x0  }
0x1f: {  	s9 =	smul.u32 $0xF7A, s1;
	s8 =	simm.s32 @!p0 $0x1BF5;
	p2 =	por !p2, p0  }
0x20: {  	[sflag:s8] =	ssyncset.s32 @!p0 $0xFFFFF086;
	s6 =	sadd.s32 @!p0 s3, s7;
	s7 =	simm.s32 @!p0 $0x108  }
0x21: {  	s3 =	sadd.s32 s3, s9;
	s6 =	sadd.s32 @!p0 $0x88, s6;
	s7 =	simm.s32 @p2 $0x1082  }
0x22: {  	[simem:s7], [sflag:s8] =	dma.local @!p0 [hbm:s6], $0xF7A  }
0x23: {  	s9 =	sor.u32 $0xD0000000, s2;
	s6 =	simm.s32 $0x108;
	_ =	swait.ge @!p0 [sflag:s8], $0x0  }
0x24: {  	s3 =	sadd.s32 $0x88, s3;
	s6 =	simm.s32 @!p1 $0x1082;
	[sflag:s4] =	ssyncset.s32 $0xFFFFF086  }
0x25: {  	[simem:s6], [sflag:s4] =	dma.local [hbm:s3], $0xF7A  }
0x26: {  	[smem:$0x3F9B] =	sst s1;
	(tag) =	ssettag s2;
	_ =	strace s9  }
0x27: {  	s1 =	sld [smem:$0x3FAB]  }
0x28: {  	s2 =	sld [smem:$0x3FAC]  }
0x29: {  	s4 =	sld [smem:$0x3FAE]  }
0x2a: {  	p0 =	seq.s32 s5, $0x0;
	s5 =	sld [smem:$0x3FAF]  }
0x2b: {  	s6 =	sld [smem:$0x3FB0]  }
0x2c: {  	s7 =	sld [smem:$0x3FB1]  }
0x2d: {  	s3 =	simm.s32 $0x108;
	s8 =	sld [smem:$0x3FB2]  }
0x2e: {  	s3 =	simm.s32 @!p0 $0x1082;
	s9 =	sld [smem:$0x3FB3]  }
0x2f: {  	lr =	sadd.s32 s0, s3;
	s0 =	sld [smem:$0x3FAA]  }
0x30: {  	s3 =	sld [smem:$0x3FAD]  }
0x31: {  	[smem:$0x3FB6] =	sst s10  }
0x32: {  	s10 =	sld [smem:$0x3FB4];
	_ =	sdelay $0x3  }
0x33: {  	p0 =	seq.s32 s10, $0x1;
	s10 =	sld [smem:$0x3FB6];
	_ =	sdelay $0x3  }
0x34: {  	[smem:$0x3FB6] =	sst s10  }
0x35: {  	s10 =	sld [smem:$0x3FB5];
	_ =	sdelay $0x3  }
0x36: {  	p1 =	seq.s32 s10, $0x1;
	s10 =	sld [smem:$0x3FB6];
	_ =	sdelay $0x3  }
0x37: {  	[smem:$0x3FB6] =	sst s10  }
0x38: {  	s10 =	sld [smem:$0x3FB7]  }
0x39: {  	_ = 	snop;
	(pc) =	sbr.ind lr, $3  }
0x3a: {  	_ = 	snop  }
0x3b: {  	_ = 	snop  }
0x3c: {  	p2 =	seq.s32 s10, $0x1;
	s10 =	sld [smem:$0x3FB6]  }
0x3d: {  	_ =	shalt  }
0x3e: {  	_ =	shalt  }
0x3f: {  	_ =	shalt  }
0x40: {  	_ =	shalt  }
0x41: {  	_ =	shalt  }
0x42: {  	_ =	shalt  }
0x43: {  	_ =	shalt  }
0x44: {  	_ =	shalt  }
0x45: {  	_ =	shalt  }
0x46: {  	_ =	shalt  }
0x47: {  	_ =	shalt  }
0x48: {  	_ =	shalt  }
0x49: {  	_ =	shalt  }
0x4a: {  	_ =	shalt  }
0x4b: {  	_ =	shalt  }
0x4c: {  	_ =	shalt  }
0x4d: {  	_ =	shalt  }
0x4e: {  	_ =	shalt  }
0x4f: {  	_ =	shalt  }
0x50: {  	_ =	shalt  }
0x51: {  	_ =	shalt  }
0x52: {  	_ =	shalt  }
0x53: {  	_ =	shalt  }
0x54: {  	_ =	shalt  }
0x55: {  	_ =	shalt  }
0x56: {  	_ =	shalt  }
0x57: {  	_ =	shalt  }
0x58: {  	_ =	shalt  }
0x59: {  	_ =	shalt  }
0x5a: {  	_ =	shalt  }
0x5b: {  	_ =	shalt  }
0x5c: {  	_ =	shalt  }
0x5d: {  	_ =	shalt  }
0x5e: {  	_ =	shalt  }
0x5f: {  	_ =	shalt  }
0x60: {  	_ =	shalt  }
0x61: {  	_ =	shalt  }
0x62: {  	_ =	shalt  }
0x63: {  	_ =	shalt  }
0x64: {  	_ =	shalt  }
0x65: {  	_ =	shalt  }
0x66: {  	_ =	shalt  }
0x67: {  	_ =	shalt  }
0x68: {  	_ =	shalt  }
0x69: {  	_ =	shalt  }
0x6a: {  	_ =	shalt  }
0x6b: {  	_ =	shalt  }
0x6c: {  	_ =	shalt  }
0x6d: {  	_ =	shalt  }
0x6e: {  	_ =	shalt  }
0x6f: {  	_ =	shalt  }
0x70: {  	_ =	shalt  }
0x71: {  	_ =	shalt  }
0x72: {  	_ =	shalt  }
0x73: {  	_ =	shalt  }
0x74: {  	_ =	shalt  }
0x75: {  	_ =	shalt  }
0x76: {  	_ =	shalt  }
0x77: {  	_ =	shalt  }
0x78: {  	_ =	shalt  }
0x79: {  	_ =	shalt  }
0x7a: {  	_ =	shalt  }
0x7b: {  	_ =	shalt  }
0x7c: {  	_ =	shalt  }
0x7d: {  	_ =	shalt  }
0x7e: {  	_ =	shalt  }
0x7f: {  	_ =	shalt  }
0x80: {  	_ =	shalt  }
0x81: {  	_ =	shalt  }
0x82: {  	_ =	shalt  }
0x83: {  	_ =	shalt  }
0x84: {  	_ =	shalt  }
0x85: {  	_ =	shalt  }
0x86: {  	_ =	shalt  }
0x87: {  	_ =	shalt  }
.Lfunc_end0:
.L_simem_size_0:
called_computation.1_lowered:
.L_overlay_start_0:
0x88: {  	s2 =	sld [smem:$0x3FD9]  }
0x89: {  	s3 =	sld [smem:$0x3FFE];
	_ =	sdelay $0x1  }
0x8a: {  	s1 =	srdreg.scid  }
0x8b: {  	s0 =	sand.u32 $0x1, s1  }
0x8c: {  	s17 =	sshll.u32 s0, $0xA;
	s2 =	sadd.s32 s3, s2  }
0x8d: {  	s2 =	sadd.s32 s2, s17  }
0x8e: {  	[smem:$0x3FC2] =	sst s2  }
0x8f: {  	_ = 	snop  }
0x90: {  	s2 =	sld [smem:$0x3FD0];
	(tm) =	ssettm $0x1  }
0x91: {  	s18 =	sld [smem:$0x3FFB];
	_ =	sdelay $0x3  }
0x92: {  	_ =	strace s18  }
0x93: {  	s3 =	sld [smem:$0x3FFC];
	_ =	sdelay $0x3  }
0x94: {  	_ =	strace s3  }
0x95: {  	s3 =	sld [smem:$0x3FFD];
	_ =	sdelay $0x3  }
0x96: {  	_ =	strace s3  }
0x97: {  	_ =	strace $0x8FFFFFFF  }
0x98: {  	s19 =	sld [smem:$0x3FDB];
	_ =	sdelay $0x1  }
0x99: {  	s4 =	simm.s32 $_scs_section_size  }
0x9a: {  	s5 =	simm.s32 $_size__tile_overlayer_lowered;
	s6 =	simm.s32 $_tile_overlayer_lowered  }
0x9b: {  	s22 =	simm.s32 $0x1BFF;
	s21 =	sshll.u32 s6, $0x1;
	s3 =	sadd.s32 s4, s19  }
0x9c: {  	s7 =	simm.s32 $0x0;
	s20 =	sshll.u32 s5, $0x1;
	s5 =	sadd.s32 s21, s3  }
0x9d: {  	[timem:s7], [sflag:s22] =	dma.local [hbm:s5], s20  }
0x9e: {  	_ =	swait.ge [sflag:s22], s20  }
0x9f: {  	s4 =	ssub.s32 $0x0, s20;
	[sflag:s22] =	ssyncset.done $0x0  }
0xa0: {  	[sflag:s22] =	ssyncadd.s32 s4;
	_ =	sdelay $0x1  }
0xa1: {  	s23 =	simm.s32 $0x1B8B  }
0xa2: {  	_ =	swait.ge [sflag:s23], $0x1  }
0xa3: {  	[sflag:s23] =	ssyncset.done $0x0  }
0xa4: {  	s25 =	simm.s32 $0x1B8E;
	s24 =	sld [smem:$0x3FFE];
	[sflag:s23] =	ssyncadd.s32 $0xFFFFFFFF  }
0xa5: {  	s26 =	simm.s32 $execute0_lowered;
	[smem:$0x3FD2] =	sst s25  }
0xa6: {  	s5 =	sshll.u32 s26, $0x1;
	_ =	strace $0x80000049;
	[dreg:$0x1] =	wrdreg $0xFFFFFFFF  }
0xa7: {  	s28 =	simm.s32 $_size_execute0_lowered;
	s3 =	sadd.s32 s3, s5;
	[dreg:$0x0] =	wrdreg $0x0  }
0xa8: {  	s5 =	sshll.u32 s28, $0x1;
	[dreg:$0x2] =	wrdreg s3  }
0xa9: {  	[dreg:$0x3] =	wrdreg s5  }
0xaa: {  	[dreg:$0x4] =	wrdreg $0xC0  }
0xab: {  	_ =	task [dreg:s7], $0x5FFFF  }
0xac: {  	[dreg:$0x1] =	wrdreg $0xFFFFFFFF  }
0xad: {  	[dreg:$0x0] =	wrdreg $0x60  }
0xae: {  	[dreg:$0x2] =	wrdreg s24  }
0xaf: {  	[dreg:$0x3] =	wrdreg s2  }
0xb0: {  	[dreg:$0x4] =	wrdreg $0x0  }
0xb1: {  	[dreg:$0x5] =	wrdreg $0x9  }
0xb2: {  	_ =	task.clear_ibuf [dreg:s7], $0x6FFFF;
	_ =	strace $0x90000049  }
0xb3: {  	s29 =	simm.s32 $0x9;
	_ =	strace $0x8000004B  }
0xb4: {  	_ =	swait.ge [sflag:s29], $0x1  }
0xb5: {  	[sflag:s29] =	ssyncadd.s32 $0xFFFFFFFF  }
0xb6: {  	_ =	strace $0x9000004B  }
0xb7: {  	_ =	sfence  }
0xb8: {  	s30 =	sld [smem:$0x0];
	_ =	sdelay $0x2  }
0xb9: {  	s31 =	sshll.u32 s1, $0xD;
	s1 =	sshrl.u32 s1, $0x2  }
0xba: {  	s3 =	sand.u32 $0x4000, s31;
	s1 =	sadd.s32 s1, s30  }
0xbb: {  	s0 =	sor.u32 s3, s0;
	s1 =	sshll.u32 s1, $0x11  }
0xbc: {  	s0 =	sor.u32 s1, s0  }
0xbd: {  	s0 =	sadd.s32 $0x8F2B, s0  }
0xbe: {  	[sflag:s0] =	ssyncadd.remote.s32 $0x1  }
0xbf: {  	_ =	sfence.sel $0xFFFF  }
0xc0: {  	[dreg:$0x0] =	wrdreg $0xFFFFFFFF;
	(pc) =	sbr.abs _section_cstart, $3  }
0xc1: {  	[dreg:$0x1] =	wrdreg $0xFFFFFFFF  }
0xc2: {  	_ =	task.clear_ibuf [dreg:s7], $0x2FFFF;
	_ =	strace $0x9FFFFFFF  }
0xc3: {  	(tm) =	ssettm $0x7FFFFFFF  }
tec
execute0_lowered:
.L_overlay_start_1:
0x0: {  	(tag) =	ssettag $0x1  }
0x1: {  	s13 =	rddreg [dreg:$0x0]  }
0x2: {  	s10 =	rddreg [dreg:$0x1]  }
0x3: {  	s1 =	rddreg [dreg:$0x2];
	s2 =	srdreg.scid  }
0x4: {  	s0 =	rddreg [dreg:$0x3];
	s3 =	simm.s32 $0x0;
	s16 =	simm.s32 $0x29E00  }
0x5: {  	s18 =	simm.s32 $0x80;
	s19 =	simm.s32 $0x1C080;
	s20 =	simm.s32 $0x18000  }
0x6: {  	s21 =	simm.s32 $0x1;
	s22 =	simm.s32 $0x2;
	s11 =	sand.u32 $0x1, s2  }
0x7: {  	s23 =	simm.s32 $0x1E700;
	s2 =	stileid.u32;
	s5 =	smul.u32 $0x280, s11  }
0x8: {  	s24 =	simm.s32 $0x1E780;
	[smem:$0x7FF] =	sst s3;
	s6 =	smul.u32 $0x28, s2  }
0x9: {  	s4 =	sadd.s32 $0x1E00, s13;
	_ =	strace $0x8000004A;
	s7 =	smul.u32 $0x50000, s2  }
0xa: {  	s30 =	ssub.s32 $0x2, s11;
	p0 =	seq.s32 s11, $0x0;
	s17 =	smul.u32 $0x2800, s2  }
0xb: {  	s31 =	sshrl.u32 s30, $0x1;
	s5 =	sadd.s32 s6, s5;
	s7 =	sshrl.u32 s7, $0x2  }
0xc: {  	s16 =	simm.s32 @!p0 $0x56E00;
	s12 =	sshll.u32 s5, $0x4;
	s5 =	sadd.s32 s7, s1  }
0xd: {  	s15 =	ssub.s32 s30, s31;
	s14 =	sadd.s32 s12, s13;
	s6 =	sadd.s32 $0x4000, s5  }
0xe: {  	s7 =	sadd.s32 $0x8000, s5;
	s8 =	sadd.s32 $0xC000, s5;
	s9 =	sadd.s32 $0x10000, s5  }
0xf: {  	s10 =	sadd.s32 s10, s12;
	s12 =	smax.u32 s15, $0x1;
	s13 =	sadd.s32 s16, s13  }
0x10: {  	s15 =	simm.s32 $0x3;
	s16 =	simm.s32 $0x1C000;
	s11 =	sadd.s32 $0x51E00, s14  }
0x11: {  	v0 =	vimm.f32 $0.0e+00;
	s13 =	sadd.s32 s13, s17;
	s14 =	simm.s32 $0x14000;
	s17 =	simm.s32 $0x1D400  }
.LBB2_1:
0x12: {  	s25 =	simm.s32 $0x0;
	s26 =	simm.s32 $0x200  }
.LBB2_2:
0x13: {  	p0 =	sne.s32 s26, $0xFE00;
	[tilespmem:s25+$0x14070] =	vst v0  }
0x14: {  	[tilespmem:s25+$0x14000] =	vst v0  }
0x15: {  	[tilespmem:s25+$0x14010] =	vst v0  }
.Ltmp0:
0x16: {  	[tilespmem:s25+$0x14020] =	vst v0;
	(pc) =	sbr.rel @p0 .LBB2_2-.Ltmp0, $4  }
0x17: {  	[tilespmem:s25+$0x14030] =	vst v0  }
0x18: {  	[tilespmem:s25+$0x14040] =	vst v0  }
0x19: {  	[tilespmem:s25+$0x14050] =	vst v0  }
0x1a: {  	[tilespmem:s25+$0x14060] =	vst v0;
	s25 =	sshra.s32 s26, $0x2;
	s26 =	sadd.s32 $0x200, s26  }
0x1b: {  	[tilespmem:s25+$0x14070] =	vst v0  }
0x1c: {  	[tilespmem:s25+$0x14000] =	vst v0  }
0x1d: {  	[tilespmem:s25+$0x14010] =	vst v0  }
0x1e: {  	[tilespmem:s25+$0x14020] =	vst v0  }
0x1f: {  	[tilespmem:s25+$0x14030] =	vst v0  }
0x20: {  	[tilespmem:s25+$0x14040] =	vst v0  }
0x21: {  	[tilespmem:s25+$0x14050] =	vst v0  }
0x22: {  	[tilespmem:s25+$0x14060] =	vst v0  }
0x23: {  	[spmem:s5] =	stream.linear.scatter [tilespmem:s14], [sflag:$0x3], $0x4000, $0x38;
	[tilespmem:$0x1E800] =	vst v63  }
0x24: {  	_ =	swait.ge [sflag:s15], $0x4000  }
0x25: {  	[sflag:s15] =	ssyncset.done $0x0  }
0x26: {  	[sflag:s15] =	ssyncadd.s32 $0xFFFFC000  }
0x27: {  	[spmem:s6] =	stream.linear.scatter [tilespmem:s14], [sflag:$0x3], $0x4000, $0x38;
	[tilespmem:$0x1E800] =	vst v63  }
0x28: {  	_ =	swait.ge [sflag:s15], $0x4000  }
0x29: {  	[sflag:s15] =	ssyncset.done $0x0  }
0x2a: {  	[sflag:s15] =	ssyncadd.s32 $0xFFFFC000  }
0x2b: {  	[spmem:s7] =	stream.linear.scatter [tilespmem:s14], [sflag:$0x3], $0x4000, $0x38;
	[tilespmem:$0x1E800] =	vst v63  }
0x2c: {  	_ =	swait.ge [sflag:s15], $0x4000  }
0x2d: {  	[sflag:s15] =	ssyncset.done $0x0  }
0x2e: {  	[sflag:s15] =	ssyncadd.s32 $0xFFFFC000  }
0x2f: {  	[spmem:s8] =	stream.linear.scatter [tilespmem:s14], [sflag:$0x3], $0x4000, $0x38;
	[tilespmem:$0x1E800] =	vst v63  }
0x30: {  	_ =	swait.ge [sflag:s15], $0x4000  }
0x31: {  	[sflag:s15] =	ssyncset.done $0x0  }
0x32: {  	[sflag:s15] =	ssyncadd.s32 $0xFFFFC000  }
0x33: {  	[spmem:s9] =	stream.linear.scatter [tilespmem:s14], [sflag:$0x3], $0x4000, $0x38;
	[tilespmem:$0x1E800] =	vst v63  }
0x34: {  	_ =	swait.ge [sflag:s15], $0x4000  }
0x35: {  	[sflag:s15] =	ssyncset.done $0x0  }
0x36: {  	s28 =	simm.s32 $0x0;
	[sflag:s15] =	ssyncadd.s32 $0xFFFFC000  }
0x37: {  	[tilespmem:s16], [sflag:$0x3] =	stream.linear.gather [hbm4b:s10+s28], $0x1400, $0x38;
	[tilespmem:$0x1E800] =	vst v63  }
0x38: {  	_ =	swait.ge [sflag:s15], $0x1400  }
0x39: {  	[sflag:s15] =	ssyncset.done $0x0  }
0x3a: {  	[sflag:s15] =	ssyncadd.s32 $0xFFFFEC00  }
0x3b: {  	[tilespmem:s17], [sflag:$0x3] =	stream.linear.gather [hbm4b:s11+s28], $0x1400, $0x38;
	[tilespmem:$0x1E800] =	vst v63  }
0x3c: {  	_ =	swait.ge [sflag:s15], $0x1400  }
0x3d: {  	[sflag:s15] =	ssyncset.done $0x0  }
0x3e: {  	[sflag:s15] =	ssyncadd.s32 $0xFFFFEC00  }
0x3f: {  	[bflag:$0x0] =	sbarrier.arrive $0xFFFF  }
0x40: {  	[tilespmem:s14], [sflag:$0x1] =	stream.indirect.gather [hbm4b:s4+s18], $0x80, s16, s18, $0xb8;
	[tilespmem:$0x1E800] =	vst v63  }
0x41: {  	_ = 	snop  }
0x42: {  	[tilespmem:s20], [sflag:$0x2] =	stream.indirect.gather [hbm4b:s4+s18], $0x80, s19, s18, $0xb8;
	[tilespmem:$0x1E800] =	vst v63  }
0x43: {  	_ =	swait.ge [sflag:s21], $0x4000  }
0x44: {  	[sflag:s21] =	ssyncset.done $0x0  }
0x45: {  	s29 =	simm.s32 $0x1D400;
	[sflag:s21] =	ssyncadd.s32 $0xFFFFC000  }
0x46: {  	[spmem:s1] =	stream.indirect.scatter.add.f32 [tilespmem:s14], [sflag:$0x3], $0x80, s29, s18, $0xb8;
	[tilespmem:$0x1E800] =	vst v63  }
0x47: {  	_ =	swait.ge [sflag:s15], $0x4000  }
0x48: {  	[sflag:s15] =	ssyncset.done $0x0  }
0x49: {  	s30 =	simm.s32 $0x1C100;
	[sflag:s15] =	ssyncadd.s32 $0xFFFFC000  }
0x4a: {  	[tilespmem:s14], [sflag:$0x1] =	stream.indirect.gather [hbm4b:s4+s18], $0x80, s30, s18, $0xb8;
	[tilespmem:$0x1E800] =	vst v63  }
0x4b: {  	_ =	swait.ge [sflag:s22], $0x4000  }
0x4c: {  	[sflag:s22] =	ssyncset.done $0x0  }
0x4d: {  	s31 =	simm.s32 $0x1D480;
	[sflag:s22] =	ssyncadd.s32 $0xFFFFC000  }
0x4e: {  	[spmem:s1] =	stream.indirect.scatter.add.f32 [tilespmem:s20], [sflag:$0x3], $0x80, s31, s18, $0xb8;
	[tilespmem:$0x1E800] =	vst v63  }
0x4f: {  	_ =	swait.ge [sflag:s15], $0x4000  }
0x50: {  	[sflag:s15] =	ssyncset.done $0x0  }
0x51: {  	s25 =	simm.s32 $0x400;
	s26 =	simm.s32 $0x1C180;
	[sflag:s15] =	ssyncadd.s32 $0xFFFFC000  }
.LBB2_4:
0x52: {  	[tilespmem:s20], [sflag:$0x2] =	stream.indirect.gather [hbm4b:s4+s18], $0x80, s26, s18, $0xb8;
	[tilespmem:$0x1E800] =	vst v63  }
0x53: {  	s26 =	smov.u32 s25  }
0x54: {  	p0 =	sne.s32 s25, $0x4800;
	s25 =	sadd.s32 $0x400, s25;
	_ =	swait.ge [sflag:s21], $0x4000  }
0x55: {  	s26 =	sshra.s32 s26, $0x2;
	[sflag:s21] =	ssyncset.done $0x0  }
0x56: {  	s28 =	sadd.s32 $0x1D400, s26;
	[sflag:s21] =	ssyncadd.s32 $0xFFFFC000  }
0x57: {  	[spmem:s1] =	stream.indirect.scatter.add.f32 [tilespmem:s14], [sflag:$0x3], $0x80, s28, s18, $0xb8;
	[tilespmem:$0x1E800] =	vst v63  }
0x58: {  	_ =	swait.ge [sflag:s15], $0x4000  }
0x59: {  	[sflag:s15] =	ssyncset.done $0x0  }
0x5a: {  	s28 =	sadd.s32 $0x1C100, s26;
	[sflag:s15] =	ssyncadd.s32 $0xFFFFC000  }
0x5b: {  	[tilespmem:s14], [sflag:$0x1] =	stream.indirect.gather [hbm4b:s4+s18], $0x80, s28, s18, $0xb8;
	[tilespmem:$0x1E800] =	vst v63  }
0x5c: {  	_ =	swait.ge [sflag:s22], $0x4000  }
0x5d: {  	[sflag:s22] =	ssyncset.done $0x0  }
.Ltmp1:
0x5e: {  	s28 =	sadd.s32 $0x1D480, s26;
	[sflag:s22] =	ssyncadd.s32 $0xFFFFC000;
	(pc) =	sbr.rel @p0 .LBB2_4-.Ltmp1, $4  }
0x5f: {  	[spmem:s1] =	stream.indirect.scatter.add.f32 [tilespmem:s20], [sflag:$0x3], $0x80, s28, s18, $0xb8;
	[tilespmem:$0x1E800] =	vst v63  }
0x60: {  	_ =	swait.ge [sflag:s15], $0x4000  }
0x61: {  	[sflag:s15] =	ssyncset.done $0x0  }
0x62: {  	s26 =	sadd.s32 $0x1C180, s26;
	[sflag:s15] =	ssyncadd.s32 $0xFFFFC000  }
0x63: {  	[tilespmem:s20], [sflag:$0x2] =	stream.indirect.gather [hbm4b:s4+s18], $0x80, s26, s18, $0xb8;
	[tilespmem:$0x1E800] =	vst v63  }
0x64: {  	_ =	swait.ge [sflag:s21], $0x4000  }
0x65: {  	[sflag:s21] =	ssyncset.done $0x0  }
0x66: {  	[sflag:s21] =	ssyncadd.s32 $0xFFFFC000  }
0x67: {  	[spmem:s1] =	stream.indirect.scatter.add.f32 [tilespmem:s14], [sflag:$0x3], $0x80, s23, s18, $0xb8;
	[tilespmem:$0x1E800] =	vst v63  }
0x68: {  	_ =	swait.ge [sflag:s15], $0x4000  }
0x69: {  	[sflag:s15] =	ssyncset.done $0x0  }
0x6a: {  	[sflag:s15] =	ssyncadd.s32 $0xFFFFC000  }
0x6b: {  	_ =	swait.ge [sflag:s22], $0x4000  }
0x6c: {  	[sflag:s22] =	ssyncset.done $0x0  }
0x6d: {  	[sflag:s22] =	ssyncadd.s32 $0xFFFFC000  }
0x6e: {  	[spmem:s1] =	stream.indirect.scatter.add.f32 [tilespmem:s20], [sflag:$0x3], $0x80, s24, s18, $0xb8;
	[tilespmem:$0x1E800] =	vst v63  }
0x6f: {  	_ =	swait.ge [sflag:s15], $0x4000  }
0x70: {  	s25 =	sshll.u32 s2, $0x6;
	s3 =	sadd.s32 $0x1, s3;
	[sflag:s15] =	ssyncset.done $0x0  }
0x71: {  	s31 =	sshrl.u32 s5, $0x3;
	p0 =	sne.s32 s3, s12;
	[sflag:s15] =	ssyncadd.s32 $0xFFFFC000  }
.Ltmp2:
0x72: {  	s25 =	sor.u32 $0x1C03, s25;
	[bflag:$0x0] =	sbarrier.arrive $0xFFFF;
	(pc) =	sbr.rel @p0 .LBB2_1-.Ltmp2, $4  }
0x73: {  	[hbm:s13], [sflag:s25] =	dma.local [spmem:s31], $0x2800  }
0x74: {  	_ =	swait.ge [sflag:s15], $0x2800  }
0x75: {  	[sflag:s15] =	ssyncset.done $0x0  }
0x76: {  	[sflag:s15] =	ssyncadd.s32 $0xFFFFD800  }
0x77: {  	_ =	sfence.sel $0x180000  }
0x78: {  	[bflag:$0x0] =	sbarrier.arrive $0xFFFF  }
0x79: {  	p0 =	sne.s32 s2, $0x0;
	_ =	strace $0x9000004A  }
0x7a: {  	s0 =	sadd.s32 @!p0 $0x100000, s0;
	[bflag:$0x2] =	sbarrier.arrive $0xFFFF  }
0x7b: {  	[sflag:s0] =	ssyncadd.tile.s32 @!p0 $0x1;
	_ =	shalt  }
.Lfunc_end2:
_tile_overlayer_lowered:
.L_overlay_start_2:
0x7c: {  	(tag) =	ssettag $0x2  }
0x7d: {  	s0 =	rddreg [dreg:$0x0];
	s2 =	stileid.u32  }
0x7e: {  	s1 =	rddreg [dreg:$0x1];
	p0 =	sne.s32 s2, $0x0  }
0x7f: {  	s3 =	rddreg [dreg:$0x2];
	[bflag:$0x3] =	sbarrier.arrive $0xFFFF;
	s2 =	simm.s32 @!p0 $0x1C03  }
0x80: {  	[timem:s3], [sflag:s2] =	dma.local @!p0 [hbm:s0], s1  }
0x81: {  	s0 =	simm.s32 @!p0 $0x3  }
0x82: {  	_ =	swait.ge @!p0 [sflag:s0], s1  }
0x83: {  	s1 =	ssub.s32 @!p0 $0x0, s1;
	[sflag:s0] =	ssyncset.done @!p0 $0x0  }
0x84: {  	[sflag:s0] =	ssyncadd.s32 @!p0 s1  }
0x85: {  	[bflag:$0x3] =	sbarrier.arrive $0xFFFF  }
0x86: {  	_ =	shalt  }

// kernel: kernel.7.cloned.1.call-start
scs
__scs_entry_jumppad:
0x0: {  	(pc) =	sbr.rel $0x88, $3  }
0x1: {  	(tag) =	ssettag $0x0;
	lr =	simm.s32 $0x1  }
0x2: {  	[smem:$0x3F9B] =	sst lr;
	_ =	strace $0xD0000000  }
0x3: {  	_ = 	snop  }
0x4: {  	_ = 	snop  }
0x5: {  	_ = 	snop  }
0x6: {  	_ = 	snop  }
0x7: {  	_ = 	snop  }
__scs_overlays_trampoline_lowered:
0x8: {  	[smem:$0x3FAA] =	sst s0  }
0x9: {  	[smem:$0x3FAB] =	sst s1  }
0xa: {  	[smem:$0x3FAC] =	sst s2  }
0xb: {  	[smem:$0x3FAD] =	sst s3  }
0xc: {  	[smem:$0x3FAE] =	sst s4  }
0xd: {  	[smem:$0x3FAF] =	sst s5  }
0xe: {  	[smem:$0x3FB0] =	sst s6  }
0xf: {  	[smem:$0x3FB1] =	sst s7  }
0x10: {  	[smem:$0x3FB2] =	sst s8  }
0x11: {  	[smem:$0x3FB3] =	sst s9;
	s0 =	simm.s32 @!p0 $0x0  }
0x12: {  	s1 =	sld [smem:$0x3F99];
	s0 =	simm.s32 @p0 $0x1  }
0x13: {  	[smem:$0x3FB4] =	sst s0;
	s0 =	simm.s32 @!p1 $0x0  }
0x14: {  	s2 =	sld [smem:$0x3F98];
	s0 =	simm.s32 @p1 $0x1  }
0x15: {  	[smem:$0x3FB5] =	sst s0;
	s0 =	simm.s32 @!p2 $0x0  }
0x16: {  	s3 =	sld [smem:$0x3FDB];
	s0 =	simm.s32 @p2 $0x1  }
0x17: {  	s4 =	simm.s32 $0x1BF5;
	[smem:$0x3FB7] =	sst s0  }
0x18: {  	s0 =	sld [smem:$0x3F9A];
	_ =	swait.ge [sflag:s4], $0x0  }
0x19: {  	s7 =	sld [smem:$0x3F9B]  }
0x1a: {  	s8 =	sadd.s32 $0xFFFFE003, lr  }
0x1b: {  	s9 =	sadd.s32 $0xFFFFFEF7, lr;
	s5 =	simm.s32 $0xFFFFFFFF;
	p2 =	slt.u32 s8, $0xFFFFF086  }
0x1c: {  	p1 =	slt.u32 s9, $0xF7A;
	s5 =	simm.s32 @!p2 $0x0  }
0x1d: {  	s5 =	simm.s32 @p1 $0x1;
	p0 =	seq.s32 s7, s2  }
0x1e: {  	s7 =	smul.u32 @!p0 $0xF7A, s2;
	p2 =	seq.s32 @!p0 s5, $0x0  }
0x1f: {  	s9 =	smul.u32 $0xF7A, s1;
	s8 =	simm.s32 @!p0 $0x1BF5;
	p2 =	por !p2, p0  }
0x20: {  	[sflag:s8] =	ssyncset.s32 @!p0 $0xFFFFF086;
	s6 =	sadd.s32 @!p0 s3, s7;
	s7 =	simm.s32 @!p0 $0x108  }
0x21: {  	s3 =	sadd.s32 s3, s9;
	s6 =	sadd.s32 @!p0 $0x88, s6;
	s7 =	simm.s32 @p2 $0x1082  }
0x22: {  	[simem:s7], [sflag:s8] =	dma.local @!p0 [hbm:s6], $0xF7A  }
0x23: {  	s9 =	sor.u32 $0xD0000000, s2;
	s6 =	simm.s32 $0x108;
	_ =	swait.ge @!p0 [sflag:s8], $0x0  }
0x24: {  	s3 =	sadd.s32 $0x88, s3;
	s6 =	simm.s32 @!p1 $0x1082;
	[sflag:s4] =	ssyncset.s32 $0xFFFFF086  }
0x25: {  	[simem:s6], [sflag:s4] =	dma.local [hbm:s3], $0xF7A  }
0x26: {  	[smem:$0x3F9B] =	sst s1;
	(tag) =	ssettag s2;
	_ =	strace s9  }
0x27: {  	s1 =	sld [smem:$0x3FAB]  }
0x28: {  	s2 =	sld [smem:$0x3FAC]  }
0x29: {  	s4 =	sld [smem:$0x3FAE]  }
0x2a: {  	p0 =	seq.s32 s5, $0x0;
	s5 =	sld [smem:$0x3FAF]  }
0x2b: {  	s6 =	sld [smem:$0x3FB0]  }
0x2c: {  	s7 =	sld [smem:$0x3FB1]  }
0x2d: {  	s3 =	simm.s32 $0x108;
	s8 =	sld [smem:$0x3FB2]  }
0x2e: {  	s3 =	simm.s32 @!p0 $0x1082;
	s9 =	sld [smem:$0x3FB3]  }
0x2f: {  	lr =	sadd.s32 s0, s3;
	s0 =	sld [smem:$0x3FAA]  }
0x30: {  	s3 =	sld [smem:$0x3FAD]  }
0x31: {  	[smem:$0x3FB6] =	sst s10  }
0x32: {  	s10 =	sld [smem:$0x3FB4];
	_ =	sdelay $0x3  }
0x33: {  	p0 =	seq.s32 s10, $0x1;
	s10 =	sld [smem:$0x3FB6];
	_ =	sdelay $0x3  }
0x34: {  	[smem:$0x3FB6] =	sst s10  }
0x35: {  	s10 =	sld [smem:$0x3FB5];
	_ =	sdelay $0x3  }
0x36: {  	p1 =	seq.s32 s10, $0x1;
	s10 =	sld [smem:$0x3FB6];
	_ =	sdelay $0x3  }
0x37: {  	[smem:$0x3FB6] =	sst s10  }
0x38: {  	s10 =	sld [smem:$0x3FB7]  }
0x39: {  	_ = 	snop;
	(pc) =	sbr.ind lr, $3  }
0x3a: {  	_ = 	snop  }
0x3b: {  	_ = 	snop  }
0x3c: {  	p2 =	seq.s32 s10, $0x1;
	s10 =	sld [smem:$0x3FB6]  }
0x3d: {  	_ =	shalt  }
0x3e: {  	_ =	shalt  }
0x3f: {  	_ =	shalt  }
0x40: {  	_ =	shalt  }
0x41: {  	_ =	shalt  }
0x42: {  	_ =	shalt  }
0x43: {  	_ =	shalt  }
0x44: {  	_ =	shalt  }
0x45: {  	_ =	shalt  }
0x46: {  	_ =	shalt  }
0x47: {  	_ =	shalt  }
0x48: {  	_ =	shalt  }
0x49: {  	_ =	shalt  }
0x4a: {  	_ =	shalt  }
0x4b: {  	_ =	shalt  }
0x4c: {  	_ =	shalt  }
0x4d: {  	_ =	shalt  }
0x4e: {  	_ =	shalt  }
0x4f: {  	_ =	shalt  }
0x50: {  	_ =	shalt  }
0x51: {  	_ =	shalt  }
0x52: {  	_ =	shalt  }
0x53: {  	_ =	shalt  }
0x54: {  	_ =	shalt  }
0x55: {  	_ =	shalt  }
0x56: {  	_ =	shalt  }
0x57: {  	_ =	shalt  }
0x58: {  	_ =	shalt  }
0x59: {  	_ =	shalt  }
0x5a: {  	_ =	shalt  }
0x5b: {  	_ =	shalt  }
0x5c: {  	_ =	shalt  }
0x5d: {  	_ =	shalt  }
0x5e: {  	_ =	shalt  }
0x5f: {  	_ =	shalt  }
0x60: {  	_ =	shalt  }
0x61: {  	_ =	shalt  }
0x62: {  	_ =	shalt  }
0x63: {  	_ =	shalt  }
0x64: {  	_ =	shalt  }
0x65: {  	_ =	shalt  }
0x66: {  	_ =	shalt  }
0x67: {  	_ =	shalt  }
0x68: {  	_ =	shalt  }
0x69: {  	_ =	shalt  }
0x6a: {  	_ =	shalt  }
0x6b: {  	_ =	shalt  }
0x6c: {  	_ =	shalt  }
0x6d: {  	_ =	shalt  }
0x6e: {  	_ =	shalt  }
0x6f: {  	_ =	shalt  }
0x70: {  	_ =	shalt  }
0x71: {  	_ =	shalt  }
0x72: {  	_ =	shalt  }
0x73: {  	_ =	shalt  }
0x74: {  	_ =	shalt  }
0x75: {  	_ =	shalt  }
0x76: {  	_ =	shalt  }
0x77: {  	_ =	shalt  }
0x78: {  	_ =	shalt  }
0x79: {  	_ =	shalt  }
0x7a: {  	_ =	shalt  }
0x7b: {  	_ =	shalt  }
0x7c: {  	_ =	shalt  }
0x7d: {  	_ =	shalt  }
0x7e: {  	_ =	shalt  }
0x7f: {  	_ =	shalt  }
0x80: {  	_ =	shalt  }
0x81: {  	_ =	shalt  }
0x82: {  	_ =	shalt  }
0x83: {  	_ =	shalt  }
0x84: {  	_ =	shalt  }
0x85: {  	_ =	shalt  }
0x86: {  	_ =	shalt  }
0x87: {  	_ =	shalt  }
.Lfunc_end0:
.L_simem_size_0:
called_computation_lowered:
.L_overlay_start_0:
0x88: {  	s2 =	sld [smem:$0x3FD9]  }
0x89: {  	s3 =	sld [smem:$0x3FFE];
	_ =	sdelay $0x1  }
0x8a: {  	s1 =	srdreg.scid  }
0x8b: {  	s0 =	sand.u32 $0x1, s1  }
0x8c: {  	s17 =	sshll.u32 s0, $0xA;
	s2 =	sadd.s32 s3, s2  }
0x8d: {  	s2 =	sadd.s32 s2, s17  }
0x8e: {  	[smem:$0x3FC2] =	sst s2  }
0x8f: {  	_ = 	snop  }
0x90: {  	s2 =	sld [smem:$0x3FD0];
	(tm) =	ssettm $0x1  }
0x91: {  	s18 =	sld [smem:$0x3FFB];
	_ =	sdelay $0x3  }
0x92: {  	_ =	strace s18  }
0x93: {  	s3 =	sld [smem:$0x3FFC];
	_ =	sdelay $0x3  }
0x94: {  	_ =	strace s3  }
0x95: {  	s3 =	sld [smem:$0x3FFD];
	_ =	sdelay $0x3  }
0x96: {  	_ =	strace s3  }
0x97: {  	_ =	strace $0x8FFFFFFF  }
0x98: {  	s19 =	sld [smem:$0x3FDB];
	_ =	sdelay $0x1  }
0x99: {  	s4 =	simm.s32 $_scs_section_size  }
0x9a: {  	s5 =	simm.s32 $_size__tile_overlayer_lowered;
	s6 =	simm.s32 $_tile_overlayer_lowered  }
0x9b: {  	s22 =	simm.s32 $0x1BFF;
	s21 =	sshll.u32 s6, $0x1;
	s3 =	sadd.s32 s4, s19  }
0x9c: {  	s7 =	simm.s32 $0x0;
	s20 =	sshll.u32 s5, $0x1;
	s5 =	sadd.s32 s21, s3  }
0x9d: {  	[timem:s7], [sflag:s22] =	dma.local [hbm:s5], s20  }
0x9e: {  	_ =	swait.ge [sflag:s22], s20  }
0x9f: {  	s4 =	ssub.s32 $0x0, s20;
	[sflag:s22] =	ssyncset.done $0x0  }
0xa0: {  	[sflag:s22] =	ssyncadd.s32 s4;
	_ =	sdelay $0x1  }
0xa1: {  	s23 =	simm.s32 $0x1B8B  }
0xa2: {  	_ =	swait.ge [sflag:s23], $0x1  }
0xa3: {  	[sflag:s23] =	ssyncset.done $0x0  }
0xa4: {  	s25 =	simm.s32 $0x1B8E;
	s24 =	sld [smem:$0x3FFE];
	[sflag:s23] =	ssyncadd.s32 $0xFFFFFFFF  }
0xa5: {  	s26 =	simm.s32 $execute0_lowered;
	[smem:$0x3FD2] =	sst s25  }
0xa6: {  	s5 =	sshll.u32 s26, $0x1;
	_ =	strace $0x80000046;
	[dreg:$0x1] =	wrdreg $0xFFFFFFFF  }
0xa7: {  	s28 =	simm.s32 $_size_execute0_lowered;
	s3 =	sadd.s32 s3, s5;
	[dreg:$0x0] =	wrdreg $0x0  }
0xa8: {  	s5 =	sshll.u32 s28, $0x1;
	[dreg:$0x2] =	wrdreg s3  }
0xa9: {  	[dreg:$0x3] =	wrdreg s5  }
0xaa: {  	[dreg:$0x4] =	wrdreg $0xC0  }
0xab: {  	_ =	task [dreg:s7], $0x5FFFF  }
0xac: {  	[dreg:$0x1] =	wrdreg $0xFFFFFFFF  }
0xad: {  	[dreg:$0x0] =	wrdreg $0x60  }
0xae: {  	[dreg:$0x2] =	wrdreg s24  }
0xaf: {  	[dreg:$0x3] =	wrdreg s2  }
0xb0: {  	[dreg:$0x4] =	wrdreg $0x0  }
0xb1: {  	[dreg:$0x5] =	wrdreg $0x9  }
0xb2: {  	_ =	task.clear_ibuf [dreg:s7], $0x6FFFF;
	_ =	strace $0x90000046  }
0xb3: {  	s29 =	simm.s32 $0x9;
	_ =	strace $0x80000048  }
0xb4: {  	_ =	swait.ge [sflag:s29], $0x1  }
0xb5: {  	[sflag:s29] =	ssyncadd.s32 $0xFFFFFFFF  }
0xb6: {  	_ =	strace $0x90000048  }
0xb7: {  	_ =	sfence  }
0xb8: {  	s30 =	sld [smem:$0x0];
	_ =	sdelay $0x2  }
0xb9: {  	s31 =	sshll.u32 s1, $0xD;
	s1 =	sshrl.u32 s1, $0x2  }
0xba: {  	s3 =	sand.u32 $0x4000, s31;
	s1 =	sadd.s32 s1, s30  }
0xbb: {  	s0 =	sor.u32 s3, s0;
	s1 =	sshll.u32 s1, $0x11  }
0xbc: {  	s0 =	sor.u32 s1, s0  }
0xbd: {  	s0 =	sadd.s32 $0x8F2B, s0  }
0xbe: {  	[sflag:s0] =	ssyncadd.remote.s32 $0x1  }
0xbf: {  	_ =	sfence.sel $0xFFFF  }
0xc0: {  	[dreg:$0x0] =	wrdreg $0xFFFFFFFF;
	(pc) =	sbr.abs _section_cstart, $3  }
0xc1: {  	[dreg:$0x1] =	wrdreg $0xFFFFFFFF  }
0xc2: {  	_ =	task.clear_ibuf [dreg:s7], $0x2FFFF;
	_ =	strace $0x9FFFFFFF  }
0xc3: {  	(tm) =	ssettm $0x7FFFFFFF  }
tec
execute0_lowered:
.L_overlay_start_1:
0x0: {  	(tag) =	ssettag $0x1  }
0x1: {  	s0 =	rddreg [dreg:$0x0]  }
0x2: {  	s22 =	rddreg [dreg:$0x1]  }
0x3: {  	s2 =	rddreg [dreg:$0x2]  }
0x4: {  	s1 =	simm.s32 $0x0;
	s18 =	srdreg.scid;
	s9 =	stileid.u32  }
0x5: {  	s29 =	simm.s32 $0x18000;
	s30 =	simm.s32 $0x1;
	s31 =	simm.s32 $0x2  }
0x6: {  	[smem:$0x7FF] =	sst s1;
	s5 =	sadd.s32 $0x1E00, s0;
	s1 =	sand.u32 $0x1, s18  }
0x7: {  	s3 =	smul.u32 $0x50000, s9;
	s6 =	sadd.s32 $0x29E00, s0;
	s10 =	sadd.s32 $0x51E00, s0  }
0x8: {  	s7 =	sadd.s32 $0x56E00, s0;
	s0 =	sadd.s32 $0x7EE00, s0;
	s20 =	smul.u32 $0x500, s9  }
0x9: {  	s24 =	smul.u32 $0x2800, s9;
	s9 =	simm.s32 $0x1D000;
	_ =	strace $0x80000047  }
0xa: {  	s4 =	ssub.s32 $0x2, s1;
	p0 =	seq.s32 s1, $0x0;
	s25 =	sadd.s32 s22, s20  }
0xb: {  	s18 =	smov.u32 s6;
	s26 =	sadd.s32 s10, s20;
	[dreg:$0x9] =	wrdreg s25  }
0xc: {  	s28 =	sadd.s32 $0x1000, s24;
	s0 =	smov.u32 @p0 s7;
	[dreg:$0xa] =	wrdreg s26  }
0xd: {  	s3 =	sshrl.u32 s3, $0x2;
	[dreg:$0xb] =	wrdreg s28;
	s0 =	sadd.s32 s0, s24  }
0xe: {  	p1 =	sne.s32 s1, $0x0;
	s11 =	sadd.s32 s3, s2;
	[dreg:$0xe] =	wrdreg s0  }
0xf: {  	s1 =	simm.s32 $0x0;
	s3 =	sadd.s32 $0x4000, s11;
	[dreg:$0x4] =	wrdreg s11  }
0x10: {  	s8 =	sshrl.u32 s4, $0x1;
	s19 =	sadd.s32 $0x8000, s11;
	[dreg:$0x5] =	wrdreg s3  }
0x11: {  	s18 =	smov.u32 @p0 s5;
	s21 =	sadd.s32 $0xC000, s11;
	[dreg:$0x6] =	wrdreg s19  }
0x12: {  	s4 =	ssub.s32 s4, s8;
	s23 =	sadd.s32 $0x10000, s11;
	[dreg:$0x7] =	wrdreg s21  }
0x13: {  	s7 =	smov.u32 s10;
	s4 =	smax.u32 s4, $0x1;
	[dreg:$0x8] =	wrdreg s23  }
0x14: {  	s10 =	simm.s32 $0x3;
	s26 =	simm.s32 $0x80;
	[dreg:$0xc] =	wrdreg s4  }
0x15: {  	s4 =	simm.s32 $0x0;
	s3 =	sadd.s32 $0x100, s20;
	s19 =	simm.s32 $0x14000  }
0x16: {  	v0 =	vimm.f32 $0.0e+00;
	s20 =	simm.s32 $0x4;
	s23 =	simm.s32 $0x1D800;
	[dreg:$0xd] =	wrdreg s3  }
.LBB2_1:
0x17: {  	[dreg:$0xf] =	wrdreg s1;
	s0 =	simm.s32 $0x0;
	s1 =	simm.s32 $0x200  }
.LBB2_2:
0x18: {  	p2 =	sne.s32 s1, $0xFE00;
	[tilespmem:s0+$0x14070] =	vst v0  }
0x19: {  	[tilespmem:s0+$0x14000] =	vst v0  }
0x1a: {  	[tilespmem:s0+$0x14010] =	vst v0  }
.Ltmp0:
0x1b: {  	[tilespmem:s0+$0x14020] =	vst v0;
	(pc) =	sbr.rel @p2 .LBB2_2-.Ltmp0, $4  }
0x1c: {  	[tilespmem:s0+$0x14030] =	vst v0  }
0x1d: {  	[tilespmem:s0+$0x14040] =	vst v0  }
0x1e: {  	[tilespmem:s0+$0x14050] =	vst v0  }
0x1f: {  	[tilespmem:s0+$0x14060] =	vst v0;
	s0 =	sshra.s32 s1, $0x2;
	s1 =	sadd.s32 $0x200, s1  }
0x20: {  	[tilespmem:s0+$0x14070] =	vst v0  }
0x21: {  	[tilespmem:s0+$0x14000] =	vst v0  }
0x22: {  	[tilespmem:s0+$0x14010] =	vst v0  }
0x23: {  	[tilespmem:s0+$0x14020] =	vst v0  }
0x24: {  	[tilespmem:s0+$0x14030] =	vst v0  }
0x25: {  	[tilespmem:s0+$0x14040] =	vst v0  }
0x26: {  	[tilespmem:s0+$0x14050] =	vst v0  }
0x27: {  	[tilespmem:s0+$0x14060] =	vst v0  }
0x28: {  	[spmem:s11] =	stream.linear.scatter [tilespmem:s19], [sflag:$0x4], $0x4000, $0x38;
	[tilespmem:$0x1E000] =	vst v63  }
0x29: {  	_ =	swait.ge [sflag:s20], $0x4000  }
0x2a: {  	[sflag:s20] =	ssyncset.done $0x0  }
0x2b: {  	s16 =	rddreg [dreg:$0x5];
	[sflag:s20] =	ssyncadd.s32 $0xFFFFC000  }
0x2c: {  	[spmem:s16] =	stream.linear.scatter [tilespmem:s19], [sflag:$0x4], $0x4000, $0x38;
	[tilespmem:$0x1E000] =	vst v63  }
0x2d: {  	_ =	swait.ge [sflag:s20], $0x4000  }
0x2e: {  	[sflag:s20] =	ssyncset.done $0x0  }
0x2f: {  	s17 =	rddreg [dreg:$0x6];
	[sflag:s20] =	ssyncadd.s32 $0xFFFFC000  }
0x30: {  	[spmem:s17] =	stream.linear.scatter [tilespmem:s19], [sflag:$0x4], $0x4000, $0x38;
	[tilespmem:$0x1E000] =	vst v63  }
0x31: {  	_ =	swait.ge [sflag:s20], $0x4000  }
0x32: {  	[sflag:s20] =	ssyncset.done $0x0  }
0x33: {  	s21 =	rddreg [dreg:$0x7];
	[sflag:s20] =	ssyncadd.s32 $0xFFFFC000  }
0x34: {  	[spmem:s21] =	stream.linear.scatter [tilespmem:s19], [sflag:$0x4], $0x4000, $0x38;
	[tilespmem:$0x1E000] =	vst v63  }
0x35: {  	_ =	swait.ge [sflag:s20], $0x4000  }
0x36: {  	[sflag:s20] =	ssyncset.done $0x0  }
0x37: {  	s24 =	rddreg [dreg:$0x8];
	[sflag:s20] =	ssyncadd.s32 $0xFFFFC000  }
0x38: {  	[spmem:s24] =	stream.linear.scatter [tilespmem:s19], [sflag:$0x4], $0x4000, $0x38;
	[tilespmem:$0x1E000] =	vst v63  }
0x39: {  	_ =	swait.ge [sflag:s20], $0x4000  }
0x3a: {  	s11 =	simm.s32 $0x1C000;
	[sflag:s20] =	ssyncset.done $0x0  }
0x3b: {  	s21 =	simm.s32 $0x0;
	s25 =	rddreg [dreg:$0x9];
	[sflag:s20] =	ssyncadd.s32 $0xFFFFC000  }
0x3c: {  	[tilespmem:s11], [sflag:$0x4] =	stream.linear.gather [hbm4b:s25+s21], $0x800, $0x38;
	[tilespmem:$0x1E000] =	vst v63  }
0x3d: {  	_ =	swait.ge [sflag:s20], $0x800  }
0x3e: {  	[sflag:s20] =	ssyncset.done $0x0  }
0x3f: {  	s28 =	rddreg [dreg:$0xa];
	[sflag:s20] =	ssyncadd.s32 $0xFFFFF800  }
0x40: {  	[tilespmem:s9], [sflag:$0x4] =	stream.linear.gather [hbm4b:s28+s21], $0x800, $0x38;
	[tilespmem:$0x1E000] =	vst v63  }
0x41: {  	_ =	swait.ge [sflag:s20], $0x800  }
0x42: {  	[sflag:s20] =	ssyncset.done $0x0  }
0x43: {  	[sflag:s20] =	ssyncadd.s32 $0xFFFFF800  }
0x44: {  	p2 =	por $0x1, $0x1;
	[bflag:$0x0] =	sbarrier.arrive $0xFFFF  }
.LBB2_4:
0x45: {  	s0 =	sshll.u32 s21, $0x9;
	s1 =	rddreg [dreg:$0xd]  }
0x46: {  	s0 =	sadd.s32 s1, s0  }
0x47: {  	s15 =	simm.s32 $0x1C800;
	s1 =	sadd.s32 s22, s0  }
0x48: {  	[tilespmem:s15], [sflag:$0x3] =	stream.linear.gather [hbm4b:s1+s4], $0x800, $0x38;
	[tilespmem:$0x1E000] =	vst v63  }
0x49: {  	s0 =	sadd.s32 s7, s0  }
0x4a: {  	[tilespmem:s23], [sflag:$0x3] =	stream.linear.gather [hbm4b:s0+s4], $0x800, $0x38;
	[tilespmem:$0x1E000] =	vst v63  }
0x4b: {  	_ = 	snop  }
0x4c: {  	[tilespmem:s19], [sflag:$0x1] =	stream.indirect.gather [hbm4b:s18+s26], $0x80, s11, s26, $0xb8;
	[tilespmem:$0x1E000] =	vst v63  }
0x4d: {  	s16 =	simm.s32 $0x1C080  }
0x4e: {  	[tilespmem:s29], [sflag:$0x2] =	stream.indirect.gather [hbm4b:s18+s26], $0x80, s16, s26, $0xb8;
	[tilespmem:$0x1E000] =	vst v63  }
0x4f: {  	_ =	swait.ge [sflag:s30], $0x4000  }
0x50: {  	[sflag:s30] =	ssyncset.done $0x0  }
0x51: {  	[sflag:s30] =	ssyncadd.s32 $0xFFFFC000  }
0x52: {  	[spmem:s2] =	stream.indirect.scatter.add.f32 [tilespmem:s19], [sflag:$0x4], $0x80, s9, s26, $0xb8;
	[tilespmem:$0x1E000] =	vst v63  }
0x53: {  	_ =	swait.ge [sflag:s20], $0x4000  }
0x54: {  	s14 =	simm.s32 @p1 $0x80;
	[sflag:s20] =	ssyncset.done $0x0  }
0x55: {  	s3 =	simm.s32 @p1 $0x14000;
	s0 =	simm.s32 @p1 $0x1C100;
	[sflag:s20] =	ssyncadd.s32 $0xFFFFC000  }
0x56: {  	[tilespmem:s3], [sflag:$0x1] =	stream.indirect.gather @p1 [hbm4b:s6+s14], $0x80, s0, s14, $0xb8;
	[tilespmem:$0x1E000] =	vst v63  }
0x57: {  	s1 =	simm.s32 @!p1 $0x14000;
	s4 =	simm.s32 @!p1 $0x1C100;
	s0 =	simm.s32 @!p1 $0x80  }
0x58: {  	[tilespmem:s1], [sflag:$0x1] =	stream.indirect.gather @!p1 [hbm4b:s5+s0], $0x80, s4, s0, $0xb8;
	[tilespmem:$0x1E000] =	vst v63  }
0x59: {  	_ =	swait.ge [sflag:s31], $0x4000  }
0x5a: {  	[sflag:s31] =	ssyncset.done $0x0  }
0x5b: {  	s17 =	simm.s32 $0x1D080;
	[sflag:s31] =	ssyncadd.s32 $0xFFFFC000  }
0x5c: {  	[spmem:s2] =	stream.indirect.scatter.add.f32 [tilespmem:s29], [sflag:$0x4], $0x80, s17, s26, $0xb8;
	[tilespmem:$0x1E000] =	vst v63  }
0x5d: {  	_ =	swait.ge [sflag:s20], $0x4000  }
0x5e: {  	[sflag:s20] =	ssyncset.done $0x0  }
0x5f: {  	s4 =	simm.s32 @p1 $0x1C180;
	s17 =	simm.s32 @p1 $0x18000;
	[sflag:s20] =	ssyncadd.s32 $0xFFFFC000  }
0x60: {  	[tilespmem:s17], [sflag:$0x2] =	stream.indirect.gather @p1 [hbm4b:s6+s14], $0x80, s4, s14, $0xb8;
	[tilespmem:$0x1E000] =	vst v63  }
0x61: {  	s25 =	simm.s32 @!p1 $0x18000;
	s4 =	simm.s32 @!p1 $0x1C180  }
0x62: {  	[tilespmem:s25], [sflag:$0x2] =	stream.indirect.gather @!p1 [hbm4b:s5+s0], $0x80, s4, s0, $0xb8;
	[tilespmem:$0x1E000] =	vst v63  }
0x63: {  	_ =	swait.ge [sflag:s30], $0x4000  }
0x64: {  	[sflag:s30] =	ssyncset.done $0x0  }
0x65: {  	s24 =	simm.s32 $0x1D100;
	[sflag:s30] =	ssyncadd.s32 $0xFFFFC000  }
0x66: {  	[spmem:s2] =	stream.indirect.scatter.add.f32 [tilespmem:s19], [sflag:$0x4], $0x80, s24, s26, $0xb8;
	[tilespmem:$0x1E000] =	vst v63  }
0x67: {  	_ =	swait.ge [sflag:s20], $0x4000  }
0x68: {  	s16 =	simm.s32 @p0 $0x80;
	[sflag:s20] =	ssyncset.done $0x0  }
0x69: {  	s4 =	simm.s32 @p0 $0x1C200;
	s24 =	simm.s32 @p0 $0x14000;
	[sflag:s20] =	ssyncadd.s32 $0xFFFFC000  }
0x6a: {  	[tilespmem:s24], [sflag:$0x1] =	stream.indirect.gather @p0 [hbm4b:s5+s16], $0x80, s4, s16, $0xb8;
	[tilespmem:$0x1E000] =	vst v63  }
0x6b: {  	s13 =	simm.s32 @!p0 $0x80;
	s12 =	simm.s32 @!p0 $0x14000;
	s4 =	simm.s32 @!p0 $0x1C200  }
0x6c: {  	[tilespmem:s12], [sflag:$0x1] =	stream.indirect.gather @!p0 [hbm4b:s6+s13], $0x80, s4, s13, $0xb8;
	[tilespmem:$0x1E000] =	vst v63  }
0x6d: {  	_ =	swait.ge [sflag:s31], $0x4000  }
0x6e: {  	[sflag:s31] =	ssyncset.done $0x0  }
0x6f: {  	s8 =	simm.s32 $0x1D180;
	[sflag:s31] =	ssyncadd.s32 $0xFFFFC000  }
0x70: {  	[spmem:s2] =	stream.indirect.scatter.add.f32 [tilespmem:s29], [sflag:$0x4], $0x80, s8, s26, $0xb8;
	[tilespmem:$0x1E000] =	vst v63  }
0x71: {  	_ =	swait.ge [sflag:s20], $0x4000  }
0x72: {  	[sflag:s20] =	ssyncset.done $0x0  }
0x73: {  	s4 =	simm.s32 @p0 $0x1C280;
	s8 =	simm.s32 @p0 $0x18000;
	[sflag:s20] =	ssyncadd.s32 $0xFFFFC000  }
0x74: {  	[tilespmem:s8], [sflag:$0x2] =	stream.indirect.gather @p0 [hbm4b:s5+s16], $0x80, s4, s16, $0xb8;
	[tilespmem:$0x1E000] =	vst v63  }
0x75: {  	s28 =	simm.s32 @!p0 $0x18000;
	s4 =	simm.s32 @!p0 $0x1C280  }
0x76: {  	[tilespmem:s28], [sflag:$0x2] =	stream.indirect.gather @!p0 [hbm4b:s6+s13], $0x80, s4, s13, $0xb8;
	[tilespmem:$0x1E000] =	vst v63  }
0x77: {  	_ =	swait.ge [sflag:s30], $0x4000  }
0x78: {  	[sflag:s30] =	ssyncset.done $0x0  }
0x79: {  	s9 =	simm.s32 $0x1D200;
	[sflag:s30] =	ssyncadd.s32 $0xFFFFC000  }
0x7a: {  	[spmem:s2] =	stream.indirect.scatter.add.f32 [tilespmem:s19], [sflag:$0x4], $0x80, s9, s26, $0xb8;
	[tilespmem:$0x1E000] =	vst v63  }
0x7b: {  	_ =	swait.ge [sflag:s20], $0x4000  }
0x7c: {  	[sflag:s20] =	ssyncset.done $0x0  }
0x7d: {  	s4 =	simm.s32 @p0 $0x1C300;
	[sflag:s20] =	ssyncadd.s32 $0xFFFFC000  }
0x7e: {  	[tilespmem:s24], [sflag:$0x1] =	stream.indirect.gather @p0 [hbm4b:s5+s16], $0x80, s4, s16, $0xb8;
	[tilespmem:$0x1E000] =	vst v63  }
0x7f: {  	s4 =	simm.s32 @!p0 $0x1C300  }
0x80: {  	[tilespmem:s12], [sflag:$0x1] =	stream.indirect.gather @!p0 [hbm4b:s6+s13], $0x80, s4, s13, $0xb8;
	[tilespmem:$0x1E000] =	vst v63  }
0x81: {  	_ =	swait.ge [sflag:s31], $0x4000  }
0x82: {  	[sflag:s31] =	ssyncset.done $0x0  }
0x83: {  	s11 =	simm.s32 $0x1D280;
	[sflag:s31] =	ssyncadd.s32 $0xFFFFC000  }
0x84: {  	[spmem:s2] =	stream.indirect.scatter.add.f32 [tilespmem:s29], [sflag:$0x4], $0x80, s11, s26, $0xb8;
	[tilespmem:$0x1E000] =	vst v63  }
0x85: {  	_ =	swait.ge [sflag:s20], $0x4000  }
0x86: {  	[sflag:s20] =	ssyncset.done $0x0  }
0x87: {  	s4 =	simm.s32 @p0 $0x1C380;
	[sflag:s20] =	ssyncadd.s32 $0xFFFFC000  }
0x88: {  	[tilespmem:s8], [sflag:$0x2] =	stream.indirect.gather @p0 [hbm4b:s5+s16], $0x80, s4, s16, $0xb8;
	[tilespmem:$0x1E000] =	vst v63  }
0x89: {  	s4 =	simm.s32 @!p0 $0x1C380  }
0x8a: {  	[tilespmem:s28], [sflag:$0x2] =	stream.indirect.gather @!p0 [hbm4b:s6+s13], $0x80, s4, s13, $0xb8;
	[tilespmem:$0x1E000] =	vst v63  }
0x8b: {  	_ =	swait.ge [sflag:s30], $0x4000  }
0x8c: {  	[sflag:s30] =	ssyncset.done $0x0  }
0x8d: {  	s9 =	simm.s32 $0x1D300;
	[sflag:s30] =	ssyncadd.s32 $0xFFFFC000  }
0x8e: {  	[spmem:s2] =	stream.indirect.scatter.add.f32 [tilespmem:s19], [sflag:$0x4], $0x80, s9, s26, $0xb8;
	[tilespmem:$0x1E000] =	vst v63  }
0x8f: {  	_ =	swait.ge [sflag:s20], $0x4000  }
0x90: {  	[sflag:s20] =	ssyncset.done $0x0  }
0x91: {  	s4 =	simm.s32 @p0 $0x1C400;
	[sflag:s20] =	ssyncadd.s32 $0xFFFFC000  }
0x92: {  	[tilespmem:s24], [sflag:$0x1] =	stream.indirect.gather @p0 [hbm4b:s5+s16], $0x80, s4, s16, $0xb8;
	[tilespmem:$0x1E000] =	vst v63  }
0x93: {  	s4 =	simm.s32 @!p0 $0x1C400  }
0x94: {  	[tilespmem:s12], [sflag:$0x1] =	stream.indirect.gather @!p0 [hbm4b:s6+s13], $0x80, s4, s13, $0xb8;
	[tilespmem:$0x1E000] =	vst v63  }
0x95: {  	_ =	swait.ge [sflag:s31], $0x4000  }
0x96: {  	[sflag:s31] =	ssyncset.done $0x0  }
0x97: {  	s11 =	simm.s32 $0x1D380;
	[sflag:s31] =	ssyncadd.s32 $0xFFFFC000  }
0x98: {  	[spmem:s2] =	stream.indirect.scatter.add.f32 [tilespmem:s29], [sflag:$0x4], $0x80, s11, s26, $0xb8;
	[tilespmem:$0x1E000] =	vst v63  }
0x99: {  	_ =	swait.ge [sflag:s20], $0x4000  }
0x9a: {  	[sflag:s20] =	ssyncset.done $0x0  }
0x9b: {  	s4 =	simm.s32 @p0 $0x1C480;
	[sflag:s20] =	ssyncadd.s32 $0xFFFFC000  }
0x9c: {  	[tilespmem:s8], [sflag:$0x2] =	stream.indirect.gather @p0 [hbm4b:s5+s16], $0x80, s4, s16, $0xb8;
	[tilespmem:$0x1E000] =	vst v63  }
0x9d: {  	s4 =	simm.s32 @!p0 $0x1C480  }
0x9e: {  	[tilespmem:s28], [sflag:$0x2] =	stream.indirect.gather @!p0 [hbm4b:s6+s13], $0x80, s4, s13, $0xb8;
	[tilespmem:$0x1E000] =	vst v63  }
0x9f: {  	_ =	swait.ge [sflag:s30], $0x4000  }
0xa0: {  	[sflag:s30] =	ssyncset.done $0x0  }
0xa1: {  	s9 =	simm.s32 $0x1D400;
	[sflag:s30] =	ssyncadd.s32 $0xFFFFC000  }
0xa2: {  	[spmem:s2] =	stream.indirect.scatter.add.f32 [tilespmem:s19], [sflag:$0x4], $0x80, s9, s26, $0xb8;
	[tilespmem:$0x1E000] =	vst v63  }
0xa3: {  	_ =	swait.ge [sflag:s20], $0x4000  }
0xa4: {  	[sflag:s20] =	ssyncset.done $0x0  }
0xa5: {  	s4 =	simm.s32 @p0 $0x1C500;
	[sflag:s20] =	ssyncadd.s32 $0xFFFFC000  }
0xa6: {  	[tilespmem:s24], [sflag:$0x1] =	stream.indirect.gather @p0 [hbm4b:s5+s16], $0x80, s4, s16, $0xb8;
	[tilespmem:$0x1E000] =	vst v63  }
0xa7: {  	s4 =	simm.s32 @!p0 $0x1C500  }
0xa8: {  	[tilespmem:s12], [sflag:$0x1] =	stream.indirect.gather @!p0 [hbm4b:s6+s13], $0x80, s4, s13, $0xb8;
	[tilespmem:$0x1E000] =	vst v63  }
0xa9: {  	_ =	swait.ge [sflag:s31], $0x4000  }
0xaa: {  	[sflag:s31] =	ssyncset.done $0x0  }
0xab: {  	s11 =	simm.s32 $0x1D480;
	[sflag:s31] =	ssyncadd.s32 $0xFFFFC000  }
0xac: {  	[spmem:s2] =	stream.indirect.scatter.add.f32 [tilespmem:s29], [sflag:$0x4], $0x80, s11, s26, $0xb8;
	[tilespmem:$0x1E000] =	vst v63  }
0xad: {  	_ =	swait.ge [sflag:s20], $0x4000  }
0xae: {  	[sflag:s20] =	ssyncset.done $0x0  }
0xaf: {  	s4 =	simm.s32 @p0 $0x1C580;
	[sflag:s20] =	ssyncadd.s32 $0xFFFFC000  }
0xb0: {  	[tilespmem:s8], [sflag:$0x2] =	stream.indirect.gather @p0 [hbm4b:s5+s16], $0x80, s4, s16, $0xb8;
	[tilespmem:$0x1E000] =	vst v63  }
0xb1: {  	s4 =	simm.s32 @!p0 $0x1C580  }
0xb2: {  	[tilespmem:s28], [sflag:$0x2] =	stream.indirect.gather @!p0 [hbm4b:s6+s13], $0x80, s4, s13, $0xb8;
	[tilespmem:$0x1E000] =	vst v63  }
0xb3: {  	_ =	swait.ge [sflag:s30], $0x4000  }
0xb4: {  	[sflag:s30] =	ssyncset.done $0x0  }
0xb5: {  	s9 =	simm.s32 $0x1D500;
	[sflag:s30] =	ssyncadd.s32 $0xFFFFC000  }
0xb6: {  	[spmem:s2] =	stream.indirect.scatter.add.f32 [tilespmem:s19], [sflag:$0x4], $0x80, s9, s26, $0xb8;
	[tilespmem:$0x1E000] =	vst v63  }
0xb7: {  	_ =	swait.ge [sflag:s20], $0x4000  }
0xb8: {  	[sflag:s20] =	ssyncset.done $0x0  }
0xb9: {  	s4 =	simm.s32 @p0 $0x1C600;
	[sflag:s20] =	ssyncadd.s32 $0xFFFFC000  }
0xba: {  	[tilespmem:s24], [sflag:$0x1] =	stream.indirect.gather @p0 [hbm4b:s5+s16], $0x80, s4, s16, $0xb8;
	[tilespmem:$0x1E000] =	vst v63  }
0xbb: {  	s4 =	simm.s32 @!p0 $0x1C600  }
0xbc: {  	[tilespmem:s12], [sflag:$0x1] =	stream.indirect.gather @!p0 [hbm4b:s6+s13], $0x80, s4, s13, $0xb8;
	[tilespmem:$0x1E000] =	vst v63  }
0xbd: {  	_ =	swait.ge [sflag:s31], $0x4000  }
0xbe: {  	[sflag:s31] =	ssyncset.done $0x0  }
0xbf: {  	s11 =	simm.s32 $0x1D580;
	[sflag:s31] =	ssyncadd.s32 $0xFFFFC000  }
0xc0: {  	[spmem:s2] =	stream.indirect.scatter.add.f32 [tilespmem:s29], [sflag:$0x4], $0x80, s11, s26, $0xb8;
	[tilespmem:$0x1E000] =	vst v63  }
0xc1: {  	_ =	swait.ge [sflag:s20], $0x4000  }
0xc2: {  	[sflag:s20] =	ssyncset.done $0x0  }
0xc3: {  	s4 =	simm.s32 @p0 $0x1C680;
	[sflag:s20] =	ssyncadd.s32 $0xFFFFC000  }
0xc4: {  	[tilespmem:s8], [sflag:$0x2] =	stream.indirect.gather @p0 [hbm4b:s5+s16], $0x80, s4, s16, $0xb8;
	[tilespmem:$0x1E000] =	vst v63  }
0xc5: {  	s4 =	simm.s32 @!p0 $0x1C680  }
0xc6: {  	[tilespmem:s28], [sflag:$0x2] =	stream.indirect.gather @!p0 [hbm4b:s6+s13], $0x80, s4, s13, $0xb8;
	[tilespmem:$0x1E000] =	vst v63  }
0xc7: {  	_ =	swait.ge [sflag:s30], $0x4000  }
0xc8: {  	[sflag:s30] =	ssyncset.done $0x0  }
0xc9: {  	s9 =	simm.s32 $0x1D600;
	[sflag:s30] =	ssyncadd.s32 $0xFFFFC000  }
0xca: {  	[spmem:s2] =	stream.indirect.scatter.add.f32 [tilespmem:s19], [sflag:$0x4], $0x80, s9, s26, $0xb8;
	[tilespmem:$0x1E000] =	vst v63  }
0xcb: {  	_ =	swait.ge [sflag:s20], $0x4000  }
0xcc: {  	[sflag:s20] =	ssyncset.done $0x0  }
0xcd: {  	s4 =	simm.s32 @p0 $0x1C700;
	[sflag:s20] =	ssyncadd.s32 $0xFFFFC000  }
0xce: {  	[tilespmem:s24], [sflag:$0x1] =	stream.indirect.gather @p0 [hbm4b:s5+s16], $0x80, s4, s16, $0xb8;
	[tilespmem:$0x1E000] =	vst v63  }
0xcf: {  	s4 =	simm.s32 @!p0 $0x1C700  }
0xd0: {  	[tilespmem:s12], [sflag:$0x1] =	stream.indirect.gather @!p0 [hbm4b:s6+s13], $0x80, s4, s13, $0xb8;
	[tilespmem:$0x1E000] =	vst v63  }
0xd1: {  	_ =	swait.ge [sflag:s31], $0x4000  }
0xd2: {  	[sflag:s31] =	ssyncset.done $0x0  }
0xd3: {  	s11 =	simm.s32 $0x1D680;
	[sflag:s31] =	ssyncadd.s32 $0xFFFFC000  }
0xd4: {  	[spmem:s2] =	stream.indirect.scatter.add.f32 [tilespmem:s29], [sflag:$0x4], $0x80, s11, s26, $0xb8;
	[tilespmem:$0x1E000] =	vst v63  }
0xd5: {  	_ =	swait.ge [sflag:s20], $0x4000  }
0xd6: {  	[sflag:s20] =	ssyncset.done $0x0  }
0xd7: {  	s4 =	simm.s32 @p0 $0x1C780;
	[sflag:s20] =	ssyncadd.s32 $0xFFFFC000  }
0xd8: {  	[tilespmem:s8], [sflag:$0x2] =	stream.indirect.gather @p0 [hbm4b:s5+s16], $0x80, s4, s16, $0xb8;
	[tilespmem:$0x1E000] =	vst v63  }
0xd9: {  	s4 =	simm.s32 @!p0 $0x1C780  }
0xda: {  	[tilespmem:s28], [sflag:$0x2] =	stream.indirect.gather @!p0 [hbm4b:s6+s13], $0x80, s4, s13, $0xb8;
	[tilespmem:$0x1E000] =	vst v63  }
0xdb: {  	_ =	swait.ge [sflag:s30], $0x4000  }
0xdc: {  	[sflag:s30] =	ssyncset.done $0x0  }
0xdd: {  	s9 =	simm.s32 $0x1D700;
	[sflag:s30] =	ssyncadd.s32 $0xFFFFC000  }
0xde: {  	[spmem:s2] =	stream.indirect.scatter.add.f32 [tilespmem:s19], [sflag:$0x4], $0x80, s9, s26, $0xb8;
	[tilespmem:$0x1E000] =	vst v63  }
0xdf: {  	_ =	swait.ge [sflag:s20], $0x4000  }
0xe0: {  	[sflag:s20] =	ssyncset.done $0x0  }
0xe1: {  	[sflag:s20] =	ssyncadd.s32 $0xFFFFC000  }
0xe2: {  	_ =	swait.ge [sflag:s31], $0x4000  }
0xe3: {  	[sflag:s31] =	ssyncset.done $0x0  }
0xe4: {  	s11 =	simm.s32 $0x1D780;
	[sflag:s31] =	ssyncadd.s32 $0xFFFFC000  }
0xe5: {  	[spmem:s2] =	stream.indirect.scatter.add.f32 [tilespmem:s29], [sflag:$0x4], $0x80, s11, s26, $0xb8;
	[tilespmem:$0x1E000] =	vst v63  }
0xe6: {  	_ =	swait.ge [sflag:s20], $0x4000  }
0xe7: {  	[sflag:s20] =	ssyncset.done $0x0  }
0xe8: {  	[sflag:s20] =	ssyncadd.s32 $0xFFFFC000  }
0xe9: {  	_ =	swait.ge [sflag:s10], $0x800  }
0xea: {  	[sflag:s10] =	ssyncset.done $0x0  }
0xeb: {  	[sflag:s10] =	ssyncadd.s32 $0xFFFFF800  }
0xec: {  	_ =	swait.ge [sflag:s10], $0x800  }
0xed: {  	s9 =	sshll.u32 s21, $0xC;
	s11 =	rddreg [dreg:$0xb]  }
0xee: {  	s4 =	smov.u32 s22;
	[sflag:s10] =	ssyncset.done $0x0;
	s21 =	sadd.s32 s9, s11  }
0xef: {  	[sflag:s10] =	ssyncadd.s32 $0xFFFFF800;
	s9 =	simm.s32 $0x1C000;
	s21 =	sshrl.u32 s21, $0x3  }
0xf0: {  	s11 =	simm.s32 $0x0;
	s22 =	sadd.s32 s22, s21;
	s21 =	sadd.s32 s7, s21  }
0xf1: {  	[tilespmem:s9], [sflag:$0x3] =	stream.linear.gather [hbm4b:s22+s11], $0x800, $0x38;
	[tilespmem:$0x1E000] =	vst v63  }
0xf2: {  	s9 =	simm.s32 $0x1D000;
	s22 =	smov.u32 s4;
	s4 =	simm.s32 $0x0  }
0xf3: {  	[tilespmem:s9], [sflag:$0x3] =	stream.linear.gather [hbm4b:s21+s4], $0x800, $0x38;
	[tilespmem:$0x1E000] =	vst v63  }
0xf4: {  	_ = 	snop  }
0xf5: {  	[tilespmem:s19], [sflag:$0x1] =	stream.indirect.gather [hbm4b:s18+s26], $0x80, s15, s26, $0xb8;
	[tilespmem:$0x1E000] =	vst v63  }
0xf6: {  	s21 =	simm.s32 $0x1C880  }
0xf7: {  	[tilespmem:s29], [sflag:$0x2] =	stream.indirect.gather [hbm4b:s18+s26], $0x80, s21, s26, $0xb8;
	[tilespmem:$0x1E000] =	vst v63  }
0xf8: {  	_ =	swait.ge [sflag:s30], $0x4000  }
0xf9: {  	[sflag:s30] =	ssyncset.done $0x0  }
0xfa: {  	[sflag:s30] =	ssyncadd.s32 $0xFFFFC000  }
0xfb: {  	[spmem:s2] =	stream.indirect.scatter.add.f32 [tilespmem:s19], [sflag:$0x4], $0x80, s23, s26, $0xb8;
	[tilespmem:$0x1E000] =	vst v63  }
0xfc: {  	_ =	swait.ge [sflag:s20], $0x4000  }
0xfd: {  	[sflag:s20] =	ssyncset.done $0x0  }
0xfe: {  	s21 =	simm.s32 @p1 $0x1C900;
	[sflag:s20] =	ssyncadd.s32 $0xFFFFC000  }
0xff: {  	[tilespmem:s3], [sflag:$0x1] =	stream.indirect.gather @p1 [hbm4b:s6+s14], $0x80, s21, s14, $0xb8;
	[tilespmem:$0x1E000] =	vst v63  }
0x100: {  	s21 =	simm.s32 @!p1 $0x1C900  }
0x101: {  	[tilespmem:s1], [sflag:$0x1] =	stream.indirect.gather @!p1 [hbm4b:s5+s0], $0x80, s21, s0, $0xb8;
	[tilespmem:$0x1E000] =	vst v63  }
0x102: {  	_ =	swait.ge [sflag:s31], $0x4000  }
0x103: {  	[sflag:s31] =	ssyncset.done $0x0  }
0x104: {  	s21 =	simm.s32 $0x1D880;
	[sflag:s31] =	ssyncadd.s32 $0xFFFFC000  }
0x105: {  	[spmem:s2] =	stream.indirect.scatter.add.f32 [tilespmem:s29], [sflag:$0x4], $0x80, s21, s26, $0xb8;
	[tilespmem:$0x1E000] =	vst v63  }
0x106: {  	_ =	swait.ge [sflag:s20], $0x4000  }
0x107: {  	[sflag:s20] =	ssyncset.done $0x0  }
0x108: {  	s21 =	simm.s32 @p1 $0x1C980;
	[sflag:s20] =	ssyncadd.s32 $0xFFFFC000  }
0x109: {  	[tilespmem:s17], [sflag:$0x2] =	stream.indirect.gather @p1 [hbm4b:s6+s14], $0x80, s21, s14, $0xb8;
	[tilespmem:$0x1E000] =	vst v63  }
0x10a: {  	s21 =	simm.s32 @!p1 $0x1C980  }
0x10b: {  	[tilespmem:s25], [sflag:$0x2] =	stream.indirect.gather @!p1 [hbm4b:s5+s0], $0x80, s21, s0, $0xb8;
	[tilespmem:$0x1E000] =	vst v63  }
0x10c: {  	_ =	swait.ge [sflag:s30], $0x4000  }
0x10d: {  	[sflag:s30] =	ssyncset.done $0x0  }
0x10e: {  	s21 =	simm.s32 $0x1D900;
	[sflag:s30] =	ssyncadd.s32 $0xFFFFC000  }
0x10f: {  	[spmem:s2] =	stream.indirect.scatter.add.f32 [tilespmem:s19], [sflag:$0x4], $0x80, s21, s26, $0xb8;
	[tilespmem:$0x1E000] =	vst v63  }
0x110: {  	_ =	swait.ge [sflag:s20], $0x4000  }
0x111: {  	[sflag:s20] =	ssyncset.done $0x0  }
0x112: {  	s21 =	simm.s32 @p0 $0x1CA00;
	[sflag:s20] =	ssyncadd.s32 $0xFFFFC000  }
0x113: {  	[tilespmem:s24], [sflag:$0x1] =	stream.indirect.gather @p0 [hbm4b:s5+s16], $0x80, s21, s16, $0xb8;
	[tilespmem:$0x1E000] =	vst v63  }
0x114: {  	s21 =	simm.s32 @!p0 $0x1CA00  }
0x115: {  	[tilespmem:s12], [sflag:$0x1] =	stream.indirect.gather @!p0 [hbm4b:s6+s13], $0x80, s21, s13, $0xb8;
	[tilespmem:$0x1E000] =	vst v63  }
0x116: {  	_ =	swait.ge [sflag:s31], $0x4000  }
0x117: {  	[sflag:s31] =	ssyncset.done $0x0  }
0x118: {  	s21 =	simm.s32 $0x1D980;
	[sflag:s31] =	ssyncadd.s32 $0xFFFFC000  }
0x119: {  	[spmem:s2] =	stream.indirect.scatter.add.f32 [tilespmem:s29], [sflag:$0x4], $0x80, s21, s26, $0xb8;
	[tilespmem:$0x1E000] =	vst v63  }
0x11a: {  	_ =	swait.ge [sflag:s20], $0x4000  }
0x11b: {  	[sflag:s20] =	ssyncset.done $0x0  }
0x11c: {  	s21 =	simm.s32 @p0 $0x1CA80;
	[sflag:s20] =	ssyncadd.s32 $0xFFFFC000  }
0x11d: {  	[tilespmem:s8], [sflag:$0x2] =	stream.indirect.gather @p0 [hbm4b:s5+s16], $0x80, s21, s16, $0xb8;
	[tilespmem:$0x1E000] =	vst v63  }
0x11e: {  	s21 =	simm.s32 @!p0 $0x1CA80  }
0x11f: {  	[tilespmem:s28], [sflag:$0x2] =	stream.indirect.gather @!p0 [hbm4b:s6+s13], $0x80, s21, s13, $0xb8;
	[tilespmem:$0x1E000] =	vst v63  }
0x120: {  	_ =	swait.ge [sflag:s30], $0x4000  }
0x121: {  	[sflag:s30] =	ssyncset.done $0x0  }
0x122: {  	s21 =	simm.s32 $0x1DA00;
	[sflag:s30] =	ssyncadd.s32 $0xFFFFC000  }
0x123: {  	[spmem:s2] =	stream.indirect.scatter.add.f32 [tilespmem:s19], [sflag:$0x4], $0x80, s21, s26, $0xb8;
	[tilespmem:$0x1E000] =	vst v63  }
0x124: {  	_ =	swait.ge [sflag:s20], $0x4000  }
0x125: {  	[sflag:s20] =	ssyncset.done $0x0  }
0x126: {  	s21 =	simm.s32 @p0 $0x1CB00;
	[sflag:s20] =	ssyncadd.s32 $0xFFFFC000  }
0x127: {  	[tilespmem:s24], [sflag:$0x1] =	stream.indirect.gather @p0 [hbm4b:s5+s16], $0x80, s21, s16, $0xb8;
	[tilespmem:$0x1E000] =	vst v63  }
0x128: {  	s21 =	simm.s32 @!p0 $0x1CB00  }
0x129: {  	[tilespmem:s12], [sflag:$0x1] =	stream.indirect.gather @!p0 [hbm4b:s6+s13], $0x80, s21, s13, $0xb8;
	[tilespmem:$0x1E000] =	vst v63  }
0x12a: {  	_ =	swait.ge [sflag:s31], $0x4000  }
0x12b: {  	[sflag:s31] =	ssyncset.done $0x0  }
0x12c: {  	s21 =	simm.s32 $0x1DA80;
	[sflag:s31] =	ssyncadd.s32 $0xFFFFC000  }
0x12d: {  	[spmem:s2] =	stream.indirect.scatter.add.f32 [tilespmem:s29], [sflag:$0x4], $0x80, s21, s26, $0xb8;
	[tilespmem:$0x1E000] =	vst v63  }
0x12e: {  	_ =	swait.ge [sflag:s20], $0x4000  }
0x12f: {  	[sflag:s20] =	ssyncset.done $0x0  }
0x130: {  	s21 =	simm.s32 @p0 $0x1CB80;
	[sflag:s20] =	ssyncadd.s32 $0xFFFFC000  }
0x131: {  	[tilespmem:s8], [sflag:$0x2] =	stream.indirect.gather @p0 [hbm4b:s5+s16], $0x80, s21, s16, $0xb8;
	[tilespmem:$0x1E000] =	vst v63  }
0x132: {  	s21 =	simm.s32 @!p0 $0x1CB80  }
0x133: {  	[tilespmem:s28], [sflag:$0x2] =	stream.indirect.gather @!p0 [hbm4b:s6+s13], $0x80, s21, s13, $0xb8;
	[tilespmem:$0x1E000] =	vst v63  }
0x134: {  	_ =	swait.ge [sflag:s30], $0x4000  }
0x135: {  	[sflag:s30] =	ssyncset.done $0x0  }
0x136: {  	s21 =	simm.s32 $0x1DB00;
	[sflag:s30] =	ssyncadd.s32 $0xFFFFC000  }
0x137: {  	[spmem:s2] =	stream.indirect.scatter.add.f32 [tilespmem:s19], [sflag:$0x4], $0x80, s21, s26, $0xb8;
	[tilespmem:$0x1E000] =	vst v63  }
0x138: {  	_ =	swait.ge [sflag:s20], $0x4000  }
0x139: {  	[sflag:s20] =	ssyncset.done $0x0  }
0x13a: {  	s21 =	simm.s32 @p0 $0x1CC00;
	[sflag:s20] =	ssyncadd.s32 $0xFFFFC000  }
0x13b: {  	[tilespmem:s24], [sflag:$0x1] =	stream.indirect.gather @p0 [hbm4b:s5+s16], $0x80, s21, s16, $0xb8;
	[tilespmem:$0x1E000] =	vst v63  }
0x13c: {  	s21 =	simm.s32 @!p0 $0x1CC00  }
0x13d: {  	[tilespmem:s12], [sflag:$0x1] =	stream.indirect.gather @!p0 [hbm4b:s6+s13], $0x80, s21, s13, $0xb8;
	[tilespmem:$0x1E000] =	vst v63  }
0x13e: {  	_ =	swait.ge [sflag:s31], $0x4000  }
0x13f: {  	[sflag:s31] =	ssyncset.done $0x0  }
0x140: {  	s21 =	simm.s32 $0x1DB80;
	[sflag:s31] =	ssyncadd.s32 $0xFFFFC000  }
0x141: {  	[spmem:s2] =	stream.indirect.scatter.add.f32 [tilespmem:s29], [sflag:$0x4], $0x80, s21, s26, $0xb8;
	[tilespmem:$0x1E000] =	vst v63  }
0x142: {  	_ =	swait.ge [sflag:s20], $0x4000  }
0x143: {  	[sflag:s20] =	ssyncset.done $0x0  }
0x144: {  	s21 =	simm.s32 @p0 $0x1CC80;
	[sflag:s20] =	ssyncadd.s32 $0xFFFFC000  }
0x145: {  	[tilespmem:s8], [sflag:$0x2] =	stream.indirect.gather @p0 [hbm4b:s5+s16], $0x80, s21, s16, $0xb8;
	[tilespmem:$0x1E000] =	vst v63  }
0x146: {  	s21 =	simm.s32 @!p0 $0x1CC80  }
0x147: {  	[tilespmem:s28], [sflag:$0x2] =	stream.indirect.gather @!p0 [hbm4b:s6+s13], $0x80, s21, s13, $0xb8;
	[tilespmem:$0x1E000] =	vst v63  }
0x148: {  	_ =	swait.ge [sflag:s30], $0x4000  }
0x149: {  	[sflag:s30] =	ssyncset.done $0x0  }
0x14a: {  	s21 =	simm.s32 $0x1DC00;
	[sflag:s30] =	ssyncadd.s32 $0xFFFFC000  }
0x14b: {  	[spmem:s2] =	stream.indirect.scatter.add.f32 [tilespmem:s19], [sflag:$0x4], $0x80, s21, s26, $0xb8;
	[tilespmem:$0x1E000] =	vst v63  }
0x14c: {  	_ =	swait.ge [sflag:s20], $0x4000  }
0x14d: {  	[sflag:s20] =	ssyncset.done $0x0  }
0x14e: {  	s21 =	simm.s32 @p0 $0x1CD00;
	[sflag:s20] =	ssyncadd.s32 $0xFFFFC000  }
0x14f: {  	[tilespmem:s24], [sflag:$0x1] =	stream.indirect.gather @p0 [hbm4b:s5+s16], $0x80, s21, s16, $0xb8;
	[tilespmem:$0x1E000] =	vst v63  }
0x150: {  	s21 =	simm.s32 @!p0 $0x1CD00  }
0x151: {  	[tilespmem:s12], [sflag:$0x1] =	stream.indirect.gather @!p0 [hbm4b:s6+s13], $0x80, s21, s13, $0xb8;
	[tilespmem:$0x1E000] =	vst v63  }
0x152: {  	_ =	swait.ge [sflag:s31], $0x4000  }
0x153: {  	[sflag:s31] =	ssyncset.done $0x0  }
0x154: {  	s21 =	simm.s32 $0x1DC80;
	[sflag:s31] =	ssyncadd.s32 $0xFFFFC000  }
0x155: {  	[spmem:s2] =	stream.indirect.scatter.add.f32 [tilespmem:s29], [sflag:$0x4], $0x80, s21, s26, $0xb8;
	[tilespmem:$0x1E000] =	vst v63  }
0x156: {  	_ =	swait.ge [sflag:s20], $0x4000  }
0x157: {  	[sflag:s20] =	ssyncset.done $0x0  }
0x158: {  	s21 =	simm.s32 @p0 $0x1CD80;
	[sflag:s20] =	ssyncadd.s32 $0xFFFFC000  }
0x159: {  	[tilespmem:s8], [sflag:$0x2] =	stream.indirect.gather @p0 [hbm4b:s5+s16], $0x80, s21, s16, $0xb8;
	[tilespmem:$0x1E000] =	vst v63  }
0x15a: {  	s21 =	simm.s32 @!p0 $0x1CD80  }
0x15b: {  	[tilespmem:s28], [sflag:$0x2] =	stream.indirect.gather @!p0 [hbm4b:s6+s13], $0x80, s21, s13, $0xb8;
	[tilespmem:$0x1E000] =	vst v63  }
0x15c: {  	_ =	swait.ge [sflag:s30], $0x4000  }
0x15d: {  	[sflag:s30] =	ssyncset.done $0x0  }
0x15e: {  	s21 =	simm.s32 $0x1DD00;
	[sflag:s30] =	ssyncadd.s32 $0xFFFFC000  }
0x15f: {  	[spmem:s2] =	stream.indirect.scatter.add.f32 [tilespmem:s19], [sflag:$0x4], $0x80, s21, s26, $0xb8;
	[tilespmem:$0x1E000] =	vst v63  }
0x160: {  	_ =	swait.ge [sflag:s20], $0x4000  }
0x161: {  	[sflag:s20] =	ssyncset.done $0x0  }
0x162: {  	s21 =	simm.s32 @p0 $0x1CE00;
	[sflag:s20] =	ssyncadd.s32 $0xFFFFC000  }
0x163: {  	[tilespmem:s24], [sflag:$0x1] =	stream.indirect.gather @p0 [hbm4b:s5+s16], $0x80, s21, s16, $0xb8;
	[tilespmem:$0x1E000] =	vst v63  }
0x164: {  	s21 =	simm.s32 @!p0 $0x1CE00  }
0x165: {  	[tilespmem:s12], [sflag:$0x1] =	stream.indirect.gather @!p0 [hbm4b:s6+s13], $0x80, s21, s13, $0xb8;
	[tilespmem:$0x1E000] =	vst v63  }
0x166: {  	_ =	swait.ge [sflag:s31], $0x4000  }
0x167: {  	[sflag:s31] =	ssyncset.done $0x0  }
0x168: {  	s21 =	simm.s32 $0x1DD80;
	[sflag:s31] =	ssyncadd.s32 $0xFFFFC000  }
0x169: {  	[spmem:s2] =	stream.indirect.scatter.add.f32 [tilespmem:s29], [sflag:$0x4], $0x80, s21, s26, $0xb8;
	[tilespmem:$0x1E000] =	vst v63  }
0x16a: {  	_ =	swait.ge [sflag:s20], $0x4000  }
0x16b: {  	[sflag:s20] =	ssyncset.done $0x0  }
0x16c: {  	s21 =	simm.s32 @p0 $0x1CE80;
	[sflag:s20] =	ssyncadd.s32 $0xFFFFC000  }
0x16d: {  	[tilespmem:s8], [sflag:$0x2] =	stream.indirect.gather @p0 [hbm4b:s5+s16], $0x80, s21, s16, $0xb8;
	[tilespmem:$0x1E000] =	vst v63  }
0x16e: {  	s21 =	simm.s32 @!p0 $0x1CE80  }
0x16f: {  	[tilespmem:s28], [sflag:$0x2] =	stream.indirect.gather @!p0 [hbm4b:s6+s13], $0x80, s21, s13, $0xb8;
	[tilespmem:$0x1E000] =	vst v63  }
0x170: {  	_ =	swait.ge [sflag:s30], $0x4000  }
0x171: {  	[sflag:s30] =	ssyncset.done $0x0  }
0x172: {  	s21 =	simm.s32 $0x1DE00;
	[sflag:s30] =	ssyncadd.s32 $0xFFFFC000  }
0x173: {  	[spmem:s2] =	stream.indirect.scatter.add.f32 [tilespmem:s19], [sflag:$0x4], $0x80, s21, s26, $0xb8;
	[tilespmem:$0x1E000] =	vst v63  }
0x174: {  	_ =	swait.ge [sflag:s20], $0x4000  }
0x175: {  	[sflag:s20] =	ssyncset.done $0x0  }
0x176: {  	s21 =	simm.s32 @p0 $0x1CF00;
	[sflag:s20] =	ssyncadd.s32 $0xFFFFC000  }
0x177: {  	[tilespmem:s24], [sflag:$0x1] =	stream.indirect.gather @p0 [hbm4b:s5+s16], $0x80, s21, s16, $0xb8;
	[tilespmem:$0x1E000] =	vst v63  }
0x178: {  	s21 =	simm.s32 @!p0 $0x1CF00  }
0x179: {  	[tilespmem:s12], [sflag:$0x1] =	stream.indirect.gather @!p0 [hbm4b:s6+s13], $0x80, s21, s13, $0xb8;
	[tilespmem:$0x1E000] =	vst v63  }
0x17a: {  	_ =	swait.ge [sflag:s31], $0x4000  }
0x17b: {  	[sflag:s31] =	ssyncset.done $0x0  }
0x17c: {  	s21 =	simm.s32 $0x1DE80;
	[sflag:s31] =	ssyncadd.s32 $0xFFFFC000  }
0x17d: {  	[spmem:s2] =	stream.indirect.scatter.add.f32 [tilespmem:s29], [sflag:$0x4], $0x80, s21, s26, $0xb8;
	[tilespmem:$0x1E000] =	vst v63  }
0x17e: {  	_ =	swait.ge [sflag:s20], $0x4000  }
0x17f: {  	[sflag:s20] =	ssyncset.done $0x0  }
0x180: {  	s21 =	simm.s32 @p0 $0x1CF80;
	[sflag:s20] =	ssyncadd.s32 $0xFFFFC000  }
0x181: {  	[tilespmem:s8], [sflag:$0x2] =	stream.indirect.gather @p0 [hbm4b:s5+s16], $0x80, s21, s16, $0xb8;
	[tilespmem:$0x1E000] =	vst v63  }
0x182: {  	s21 =	simm.s32 @!p0 $0x1CF80  }
0x183: {  	[tilespmem:s28], [sflag:$0x2] =	stream.indirect.gather @!p0 [hbm4b:s6+s13], $0x80, s21, s13, $0xb8;
	[tilespmem:$0x1E000] =	vst v63  }
0x184: {  	s21 =	simm.s32 $0x1  }
0x185: {  	_ =	swait.ge [sflag:s21], $0x4000  }
0x186: {  	[sflag:s21] =	ssyncset.done $0x0  }
0x187: {  	s15 =	simm.s32 $0x1DF00;
	[sflag:s21] =	ssyncadd.s32 $0xFFFFC000  }
0x188: {  	[spmem:s2] =	stream.indirect.scatter.add.f32 [tilespmem:s19], [sflag:$0x4], $0x80, s15, s26, $0xb8;
	[tilespmem:$0x1E000] =	vst v63  }
0x189: {  	_ =	swait.ge [sflag:s20], $0x4000  }
0x18a: {  	[sflag:s20] =	ssyncset.done $0x0  }
0x18b: {  	[sflag:s20] =	ssyncadd.s32 $0xFFFFC000  }
0x18c: {  	_ =	swait.ge [sflag:s31], $0x4000  }
0x18d: {  	[sflag:s31] =	ssyncset.done $0x0  }
0x18e: {  	s15 =	simm.s32 $0x1DF80;
	[sflag:s31] =	ssyncadd.s32 $0xFFFFC000  }
0x18f: {  	[spmem:s2] =	stream.indirect.scatter.add.f32 [tilespmem:s29], [sflag:$0x4], $0x80, s15, s26, $0xb8;
	[tilespmem:$0x1E000] =	vst v63  }
0x190: {  	_ =	swait.ge [sflag:s20], $0x4000  }
0x191: {  	[sflag:s20] =	ssyncset.done $0x0  }
0x192: {  	[sflag:s20] =	ssyncadd.s32 $0xFFFFC000  }
0x193: {  	p3 =	por p2, p2;
	_ =	swait.ge [sflag:s10], $0x800  }
.Ltmp1:
0x194: {  	[sflag:s10] =	ssyncset.done $0x0;
	(pc) =	sbr.rel @p3 .LBB2_4-.Ltmp1, $4  }
0x195: {  	[sflag:s10] =	ssyncadd.s32 $0xFFFFF800  }
0x196: {  	_ =	swait.ge [sflag:s10], $0x800  }
0x197: {  	[sflag:s10] =	ssyncset.done $0x0  }
0x198: {  	p2 =	por $0x0, $0x0;
	s11 =	simm.s32 $0x1C000;
	[sflag:s10] =	ssyncadd.s32 $0xFFFFF800  }
0x199: {  	[tilespmem:s19], [sflag:$0x1] =	stream.indirect.gather [hbm4b:s18+s26], $0x80, s11, s26, $0xb8;
	[tilespmem:$0x1E000] =	vst v63  }
0x19a: {  	s15 =	simm.s32 $0x1C080  }
0x19b: {  	[tilespmem:s29], [sflag:$0x2] =	stream.indirect.gather [hbm4b:s18+s26], $0x80, s15, s26, $0xb8;
	[tilespmem:$0x1E000] =	vst v63  }
0x19c: {  	_ =	swait.ge [sflag:s30], $0x4000  }
0x19d: {  	[sflag:s30] =	ssyncset.done $0x0  }
0x19e: {  	[sflag:s30] =	ssyncadd.s32 $0xFFFFC000  }
0x19f: {  	[spmem:s2] =	stream.indirect.scatter.add.f32 [tilespmem:s19], [sflag:$0x4], $0x80, s9, s26, $0xb8;
	[tilespmem:$0x1E000] =	vst v63  }
0x1a0: {  	_ =	swait.ge [sflag:s20], $0x4000  }
0x1a1: {  	[sflag:s20] =	ssyncset.done $0x0  }
0x1a2: {  	s11 =	simm.s32 @p1 $0x1C100;
	[sflag:s20] =	ssyncadd.s32 $0xFFFFC000  }
0x1a3: {  	[tilespmem:s3], [sflag:$0x1] =	stream.indirect.gather @p1 [hbm4b:s6+s14], $0x80, s11, s14, $0xb8;
	[tilespmem:$0x1E000] =	vst v63  }
0x1a4: {  	s3 =	simm.s32 @!p1 $0x1C100  }
0x1a5: {  	[tilespmem:s1], [sflag:$0x1] =	stream.indirect.gather @!p1 [hbm4b:s5+s0], $0x80, s3, s0, $0xb8;
	[tilespmem:$0x1E000] =	vst v63  }
0x1a6: {  	_ =	swait.ge [sflag:s31], $0x4000  }
0x1a7: {  	[sflag:s31] =	ssyncset.done $0x0  }
0x1a8: {  	s21 =	simm.s32 $0x1D080;
	[sflag:s31] =	ssyncadd.s32 $0xFFFFC000  }
0x1a9: {  	[spmem:s2] =	stream.indirect.scatter.add.f32 [tilespmem:s29], [sflag:$0x4], $0x80, s21, s26, $0xb8;
	[tilespmem:$0x1E000] =	vst v63  }
0x1aa: {  	_ =	swait.ge [sflag:s20], $0x4000  }
0x1ab: {  	[sflag:s20] =	ssyncset.done $0x0  }
0x1ac: {  	s1 =	simm.s32 @p1 $0x1C180;
	[sflag:s20] =	ssyncadd.s32 $0xFFFFC000  }
0x1ad: {  	[tilespmem:s17], [sflag:$0x2] =	stream.indirect.gather @p1 [hbm4b:s6+s14], $0x80, s1, s14, $0xb8;
	[tilespmem:$0x1E000] =	vst v63  }
0x1ae: {  	s1 =	simm.s32 @!p1 $0x1C180  }
0x1af: {  	[tilespmem:s25], [sflag:$0x2] =	stream.indirect.gather @!p1 [hbm4b:s5+s0], $0x80, s1, s0, $0xb8;
	[tilespmem:$0x1E000] =	vst v63  }
0x1b0: {  	_ =	swait.ge [sflag:s30], $0x4000  }
0x1b1: {  	[sflag:s30] =	ssyncset.done $0x0  }
0x1b2: {  	s1 =	simm.s32 $0x1D100;
	[sflag:s30] =	ssyncadd.s32 $0xFFFFC000  }
0x1b3: {  	[spmem:s2] =	stream.indirect.scatter.add.f32 [tilespmem:s19], [sflag:$0x4], $0x80, s1, s26, $0xb8;
	[tilespmem:$0x1E000] =	vst v63  }
0x1b4: {  	_ =	swait.ge [sflag:s20], $0x4000  }
0x1b5: {  	[sflag:s20] =	ssyncset.done $0x0  }
0x1b6: {  	s0 =	simm.s32 @p0 $0x1C200;
	[sflag:s20] =	ssyncadd.s32 $0xFFFFC000  }
0x1b7: {  	[tilespmem:s24], [sflag:$0x1] =	stream.indirect.gather @p0 [hbm4b:s5+s16], $0x80, s0, s16, $0xb8;
	[tilespmem:$0x1E000] =	vst v63  }
0x1b8: {  	s0 =	simm.s32 @!p0 $0x1C200  }
0x1b9: {  	[tilespmem:s12], [sflag:$0x1] =	stream.indirect.gather @!p0 [hbm4b:s6+s13], $0x80, s0, s13, $0xb8;
	[tilespmem:$0x1E000] =	vst v63  }
0x1ba: {  	_ =	swait.ge [sflag:s31], $0x4000  }
0x1bb: {  	[sflag:s31] =	ssyncset.done $0x0  }
0x1bc: {  	s3 =	simm.s32 $0x1D180;
	[sflag:s31] =	ssyncadd.s32 $0xFFFFC000  }
0x1bd: {  	[spmem:s2] =	stream.indirect.scatter.add.f32 [tilespmem:s29], [sflag:$0x4], $0x80, s3, s26, $0xb8;
	[tilespmem:$0x1E000] =	vst v63  }
0x1be: {  	_ =	swait.ge [sflag:s20], $0x4000  }
0x1bf: {  	[sflag:s20] =	ssyncset.done $0x0  }
0x1c0: {  	s0 =	simm.s32 @p0 $0x1C280;
	[sflag:s20] =	ssyncadd.s32 $0xFFFFC000  }
0x1c1: {  	[tilespmem:s8], [sflag:$0x2] =	stream.indirect.gather @p0 [hbm4b:s5+s16], $0x80, s0, s16, $0xb8;
	[tilespmem:$0x1E000] =	vst v63  }
0x1c2: {  	s0 =	simm.s32 @!p0 $0x1C280  }
0x1c3: {  	[tilespmem:s28], [sflag:$0x2] =	stream.indirect.gather @!p0 [hbm4b:s6+s13], $0x80, s0, s13, $0xb8;
	[tilespmem:$0x1E000] =	vst v63  }
0x1c4: {  	_ =	swait.ge [sflag:s30], $0x4000  }
0x1c5: {  	[sflag:s30] =	ssyncset.done $0x0  }
0x1c6: {  	s11 =	simm.s32 $0x1D200;
	[sflag:s30] =	ssyncadd.s32 $0xFFFFC000  }
0x1c7: {  	[spmem:s2] =	stream.indirect.scatter.add.f32 [tilespmem:s19], [sflag:$0x4], $0x80, s11, s26, $0xb8;
	[tilespmem:$0x1E000] =	vst v63  }
0x1c8: {  	_ =	swait.ge [sflag:s20], $0x4000  }
0x1c9: {  	[sflag:s20] =	ssyncset.done $0x0  }
0x1ca: {  	s0 =	simm.s32 @p0 $0x1C300;
	[sflag:s20] =	ssyncadd.s32 $0xFFFFC000  }
0x1cb: {  	[tilespmem:s24], [sflag:$0x1] =	stream.indirect.gather @p0 [hbm4b:s5+s16], $0x80, s0, s16, $0xb8;
	[tilespmem:$0x1E000] =	vst v63  }
0x1cc: {  	s0 =	simm.s32 @!p0 $0x1C300  }
0x1cd: {  	[tilespmem:s12], [sflag:$0x1] =	stream.indirect.gather @!p0 [hbm4b:s6+s13], $0x80, s0, s13, $0xb8;
	[tilespmem:$0x1E000] =	vst v63  }
0x1ce: {  	_ =	swait.ge [sflag:s31], $0x4000  }
0x1cf: {  	[sflag:s31] =	ssyncset.done $0x0  }
0x1d0: {  	s14 =	simm.s32 $0x1D280;
	[sflag:s31] =	ssyncadd.s32 $0xFFFFC000  }
0x1d1: {  	[spmem:s2] =	stream.indirect.scatter.add.f32 [tilespmem:s29], [sflag:$0x4], $0x80, s14, s26, $0xb8;
	[tilespmem:$0x1E000] =	vst v63  }
0x1d2: {  	_ =	swait.ge [sflag:s20], $0x4000  }
0x1d3: {  	[sflag:s20] =	ssyncset.done $0x0  }
0x1d4: {  	s0 =	simm.s32 @p0 $0x1C380;
	[sflag:s20] =	ssyncadd.s32 $0xFFFFC000  }
0x1d5: {  	[tilespmem:s8], [sflag:$0x2] =	stream.indirect.gather @p0 [hbm4b:s5+s16], $0x80, s0, s16, $0xb8;
	[tilespmem:$0x1E000] =	vst v63  }
0x1d6: {  	s0 =	simm.s32 @!p0 $0x1C380  }
0x1d7: {  	[tilespmem:s28], [sflag:$0x2] =	stream.indirect.gather @!p0 [hbm4b:s6+s13], $0x80, s0, s13, $0xb8;
	[tilespmem:$0x1E000] =	vst v63  }
0x1d8: {  	_ =	swait.ge [sflag:s30], $0x4000  }
0x1d9: {  	[sflag:s30] =	ssyncset.done $0x0  }
0x1da: {  	s15 =	simm.s32 $0x1D300;
	[sflag:s30] =	ssyncadd.s32 $0xFFFFC000  }
0x1db: {  	[spmem:s2] =	stream.indirect.scatter.add.f32 [tilespmem:s19], [sflag:$0x4], $0x80, s15, s26, $0xb8;
	[tilespmem:$0x1E000] =	vst v63  }
0x1dc: {  	_ =	swait.ge [sflag:s20], $0x4000  }
0x1dd: {  	[sflag:s20] =	ssyncset.done $0x0  }
0x1de: {  	s0 =	simm.s32 @p0 $0x1C400;
	[sflag:s20] =	ssyncadd.s32 $0xFFFFC000  }
0x1df: {  	[tilespmem:s24], [sflag:$0x1] =	stream.indirect.gather @p0 [hbm4b:s5+s16], $0x80, s0, s16, $0xb8;
	[tilespmem:$0x1E000] =	vst v63  }
0x1e0: {  	s0 =	simm.s32 @!p0 $0x1C400  }
0x1e1: {  	[tilespmem:s12], [sflag:$0x1] =	stream.indirect.gather @!p0 [hbm4b:s6+s13], $0x80, s0, s13, $0xb8;
	[tilespmem:$0x1E000] =	vst v63  }
0x1e2: {  	_ =	swait.ge [sflag:s31], $0x4000  }
0x1e3: {  	[sflag:s31] =	ssyncset.done $0x0  }
0x1e4: {  	s17 =	simm.s32 $0x1D380;
	[sflag:s31] =	ssyncadd.s32 $0xFFFFC000  }
0x1e5: {  	[spmem:s2] =	stream.indirect.scatter.add.f32 [tilespmem:s29], [sflag:$0x4], $0x80, s17, s26, $0xb8;
	[tilespmem:$0x1E000] =	vst v63  }
0x1e6: {  	_ =	swait.ge [sflag:s20], $0x4000  }
0x1e7: {  	[sflag:s20] =	ssyncset.done $0x0  }
0x1e8: {  	s0 =	simm.s32 @p0 $0x1C480;
	[sflag:s20] =	ssyncadd.s32 $0xFFFFC000  }
0x1e9: {  	[tilespmem:s8], [sflag:$0x2] =	stream.indirect.gather @p0 [hbm4b:s5+s16], $0x80, s0, s16, $0xb8;
	[tilespmem:$0x1E000] =	vst v63  }
0x1ea: {  	s0 =	simm.s32 @!p0 $0x1C480  }
0x1eb: {  	[tilespmem:s28], [sflag:$0x2] =	stream.indirect.gather @!p0 [hbm4b:s6+s13], $0x80, s0, s13, $0xb8;
	[tilespmem:$0x1E000] =	vst v63  }
0x1ec: {  	_ =	swait.ge [sflag:s30], $0x4000  }
0x1ed: {  	[sflag:s30] =	ssyncset.done $0x0  }
0x1ee: {  	s21 =	simm.s32 $0x1D400;
	[sflag:s30] =	ssyncadd.s32 $0xFFFFC000  }
0x1ef: {  	[spmem:s2] =	stream.indirect.scatter.add.f32 [tilespmem:s19], [sflag:$0x4], $0x80, s21, s26, $0xb8;
	[tilespmem:$0x1E000] =	vst v63  }
0x1f0: {  	_ =	swait.ge [sflag:s20], $0x4000  }
0x1f1: {  	[sflag:s20] =	ssyncset.done $0x0  }
0x1f2: {  	s0 =	simm.s32 @p0 $0x1C500;
	[sflag:s20] =	ssyncadd.s32 $0xFFFFC000  }
0x1f3: {  	[tilespmem:s24], [sflag:$0x1] =	stream.indirect.gather @p0 [hbm4b:s5+s16], $0x80, s0, s16, $0xb8;
	[tilespmem:$0x1E000] =	vst v63  }
0x1f4: {  	s0 =	simm.s32 @!p0 $0x1C500  }
0x1f5: {  	[tilespmem:s12], [sflag:$0x1] =	stream.indirect.gather @!p0 [hbm4b:s6+s13], $0x80, s0, s13, $0xb8;
	[tilespmem:$0x1E000] =	vst v63  }
0x1f6: {  	_ =	swait.ge [sflag:s31], $0x4000  }
0x1f7: {  	[sflag:s31] =	ssyncset.done $0x0  }
0x1f8: {  	s25 =	simm.s32 $0x1D480;
	[sflag:s31] =	ssyncadd.s32 $0xFFFFC000  }
0x1f9: {  	[spmem:s2] =	stream.indirect.scatter.add.f32 [tilespmem:s29], [sflag:$0x4], $0x80, s25, s26, $0xb8;
	[tilespmem:$0x1E000] =	vst v63  }
0x1fa: {  	_ =	swait.ge [sflag:s20], $0x4000  }
0x1fb: {  	[sflag:s20] =	ssyncset.done $0x0  }
0x1fc: {  	s0 =	simm.s32 @p0 $0x1C580;
	[sflag:s20] =	ssyncadd.s32 $0xFFFFC000  }
0x1fd: {  	[tilespmem:s8], [sflag:$0x2] =	stream.indirect.gather @p0 [hbm4b:s5+s16], $0x80, s0, s16, $0xb8;
	[tilespmem:$0x1E000] =	vst v63  }
0x1fe: {  	s0 =	simm.s32 @!p0 $0x1C580  }
0x1ff: {  	[tilespmem:s28], [sflag:$0x2] =	stream.indirect.gather @!p0 [hbm4b:s6+s13], $0x80, s0, s13, $0xb8;
	[tilespmem:$0x1E000] =	vst v63  }
0x200: {  	_ =	swait.ge [sflag:s30], $0x4000  }
0x201: {  	[sflag:s30] =	ssyncset.done $0x0  }
0x202: {  	s1 =	simm.s32 $0x1D500;
	[sflag:s30] =	ssyncadd.s32 $0xFFFFC000  }
0x203: {  	[spmem:s2] =	stream.indirect.scatter.add.f32 [tilespmem:s19], [sflag:$0x4], $0x80, s1, s26, $0xb8;
	[tilespmem:$0x1E000] =	vst v63  }
0x204: {  	_ =	swait.ge [sflag:s20], $0x4000  }
0x205: {  	[sflag:s20] =	ssyncset.done $0x0  }
0x206: {  	s0 =	simm.s32 @p0 $0x1C600;
	[sflag:s20] =	ssyncadd.s32 $0xFFFFC000  }
0x207: {  	[tilespmem:s24], [sflag:$0x1] =	stream.indirect.gather @p0 [hbm4b:s5+s16], $0x80, s0, s16, $0xb8;
	[tilespmem:$0x1E000] =	vst v63  }
0x208: {  	s0 =	simm.s32 @!p0 $0x1C600  }
0x209: {  	[tilespmem:s12], [sflag:$0x1] =	stream.indirect.gather @!p0 [hbm4b:s6+s13], $0x80, s0, s13, $0xb8;
	[tilespmem:$0x1E000] =	vst v63  }
0x20a: {  	_ =	swait.ge [sflag:s31], $0x4000  }
0x20b: {  	[sflag:s31] =	ssyncset.done $0x0  }
0x20c: {  	s3 =	simm.s32 $0x1D580;
	[sflag:s31] =	ssyncadd.s32 $0xFFFFC000  }
0x20d: {  	[spmem:s2] =	stream.indirect.scatter.add.f32 [tilespmem:s29], [sflag:$0x4], $0x80, s3, s26, $0xb8;
	[tilespmem:$0x1E000] =	vst v63  }
0x20e: {  	_ =	swait.ge [sflag:s20], $0x4000  }
0x20f: {  	[sflag:s20] =	ssyncset.done $0x0  }
0x210: {  	s0 =	simm.s32 @p0 $0x1C680;
	[sflag:s20] =	ssyncadd.s32 $0xFFFFC000  }
0x211: {  	[tilespmem:s8], [sflag:$0x2] =	stream.indirect.gather @p0 [hbm4b:s5+s16], $0x80, s0, s16, $0xb8;
	[tilespmem:$0x1E000] =	vst v63  }
0x212: {  	s0 =	simm.s32 @!p0 $0x1C680  }
0x213: {  	[tilespmem:s28], [sflag:$0x2] =	stream.indirect.gather @!p0 [hbm4b:s6+s13], $0x80, s0, s13, $0xb8;
	[tilespmem:$0x1E000] =	vst v63  }
0x214: {  	_ =	swait.ge [sflag:s30], $0x4000  }
0x215: {  	[sflag:s30] =	ssyncset.done $0x0  }
0x216: {  	s11 =	simm.s32 $0x1D600;
	[sflag:s30] =	ssyncadd.s32 $0xFFFFC000  }
0x217: {  	[spmem:s2] =	stream.indirect.scatter.add.f32 [tilespmem:s19], [sflag:$0x4], $0x80, s11, s26, $0xb8;
	[tilespmem:$0x1E000] =	vst v63  }
0x218: {  	_ =	swait.ge [sflag:s20], $0x4000  }
0x219: {  	[sflag:s20] =	ssyncset.done $0x0  }
0x21a: {  	s0 =	simm.s32 @p0 $0x1C700;
	[sflag:s20] =	ssyncadd.s32 $0xFFFFC000  }
0x21b: {  	[tilespmem:s24], [sflag:$0x1] =	stream.indirect.gather @p0 [hbm4b:s5+s16], $0x80, s0, s16, $0xb8;
	[tilespmem:$0x1E000] =	vst v63  }
0x21c: {  	s0 =	simm.s32 @!p0 $0x1C700  }
0x21d: {  	[tilespmem:s12], [sflag:$0x1] =	stream.indirect.gather @!p0 [hbm4b:s6+s13], $0x80, s0, s13, $0xb8;
	[tilespmem:$0x1E000] =	vst v63  }
0x21e: {  	_ =	swait.ge [sflag:s31], $0x4000  }
0x21f: {  	[sflag:s31] =	ssyncset.done $0x0  }
0x220: {  	s14 =	simm.s32 $0x1D680;
	[sflag:s31] =	ssyncadd.s32 $0xFFFFC000  }
0x221: {  	[spmem:s2] =	stream.indirect.scatter.add.f32 [tilespmem:s29], [sflag:$0x4], $0x80, s14, s26, $0xb8;
	[tilespmem:$0x1E000] =	vst v63  }
0x222: {  	_ =	swait.ge [sflag:s20], $0x4000  }
0x223: {  	[sflag:s20] =	ssyncset.done $0x0  }
0x224: {  	s0 =	simm.s32 @p0 $0x1C780;
	[sflag:s20] =	ssyncadd.s32 $0xFFFFC000  }
0x225: {  	[tilespmem:s8], [sflag:$0x2] =	stream.indirect.gather @p0 [hbm4b:s5+s16], $0x80, s0, s16, $0xb8;
	[tilespmem:$0x1E000] =	vst v63  }
0x226: {  	s0 =	simm.s32 @!p0 $0x1C780  }
0x227: {  	[tilespmem:s28], [sflag:$0x2] =	stream.indirect.gather @!p0 [hbm4b:s6+s13], $0x80, s0, s13, $0xb8;
	[tilespmem:$0x1E000] =	vst v63  }
0x228: {  	_ =	swait.ge [sflag:s30], $0x4000  }
0x229: {  	[sflag:s30] =	ssyncset.done $0x0  }
0x22a: {  	s15 =	simm.s32 $0x1D700;
	[sflag:s30] =	ssyncadd.s32 $0xFFFFC000  }
0x22b: {  	[spmem:s2] =	stream.indirect.scatter.add.f32 [tilespmem:s19], [sflag:$0x4], $0x80, s15, s26, $0xb8;
	[tilespmem:$0x1E000] =	vst v63  }
0x22c: {  	_ =	swait.ge [sflag:s20], $0x4000  }
0x22d: {  	[sflag:s20] =	ssyncset.done $0x0  }
0x22e: {  	[sflag:s20] =	ssyncadd.s32 $0xFFFFC000  }
0x22f: {  	_ =	swait.ge [sflag:s31], $0x4000  }
0x230: {  	[sflag:s31] =	ssyncset.done $0x0  }
0x231: {  	s16 =	simm.s32 $0x1D780;
	[sflag:s31] =	ssyncadd.s32 $0xFFFFC000  }
0x232: {  	[spmem:s2] =	stream.indirect.scatter.add.f32 [tilespmem:s29], [sflag:$0x4], $0x80, s16, s26, $0xb8;
	[tilespmem:$0x1E000] =	vst v63  }
0x233: {  	_ =	swait.ge [sflag:s20], $0x4000  }
0x234: {  	[sflag:s20] =	ssyncset.done $0x0  }
0x235: {  	[sflag:s20] =	ssyncadd.s32 $0xFFFFC000  }
0x236: {  	s17 =	stileid.u32;
	[bflag:$0x0] =	sbarrier.arrive $0xFFFF  }
0x237: {  	s0 =	sshll.u32 s17, $0x6;
	s11 =	rddreg [dreg:$0x4]  }
0x238: {  	s0 =	sor.u32 $0x1C04, s0;
	s24 =	rddreg [dreg:$0xe];
	s21 =	sshrl.u32 s11, $0x3  }
0x239: {  	[hbm:s24], [sflag:s0] =	dma.local [spmem:s21], $0x2800  }
0x23a: {  	_ =	swait.ge [sflag:s20], $0x2800  }
0x23b: {  	s25 =	rddreg [dreg:$0xf]  }
0x23c: {  	s28 =	rddreg [dreg:$0xc];
	s1 =	sadd.s32 $0x1, s25  }
0x23d: {  	p2 =	sne.s32 s1, s28  }
.Ltmp2:
0x23e: {  	_ = 	snop;
	(pc) =	sbr.rel @p2 .LBB2_1-.Ltmp2, $3  }
0x23f: {  	_ =	sdelay $0x1  }
0x240: {  	[sflag:s20] =	ssyncset.done $0x0  }
0x241: {  	[sflag:s20] =	ssyncadd.s32 $0xFFFFD800  }
0x242: {  	_ =	sfence.sel $0x180000  }
0x243: {  	[bflag:$0x0] =	sbarrier.arrive $0xFFFF  }
0x244: {  	_ =	strace $0x90000047  }
0x245: {  	s0 =	stileid.u32;
	[bflag:$0x2] =	sbarrier.arrive $0xFFFF  }
0x246: {  	p0 =	sne.s32 s0, $0x0;
	s0 =	rddreg [dreg:$0x3]  }
0x247: {  	s0 =	sadd.s32 @!p0 $0x100000, s0  }
0x248: {  	[sflag:s0] =	ssyncadd.tile.s32 @!p0 $0x1;
	_ =	shalt  }
.Lfunc_end2:
_tile_overlayer_lowered:
.L_overlay_start_2:
0x249: {  	(tag) =	ssettag $0x2  }
0x24a: {  	s0 =	rddreg [dreg:$0x0];
	s2 =	stileid.u32  }
0x24b: {  	s1 =	rddreg [dreg:$0x1];
	p0 =	sne.s32 s2, $0x0  }
0x24c: {  	s3 =	rddreg [dreg:$0x2];
	[bflag:$0x3] =	sbarrier.arrive $0xFFFF;
	s2 =	simm.s32 @!p0 $0x1C04  }
0x24d: {  	[timem:s3], [sflag:s2] =	dma.local @!p0 [hbm:s0], s1  }
0x24e: {  	s0 =	simm.s32 @!p0 $0x4  }
0x24f: {  	_ =	swait.ge @!p0 [sflag:s0], s1  }
0x250: {  	s1 =	ssub.s32 @!p0 $0x0, s1;
	[sflag:s0] =	ssyncset.done @!p0 $0x0  }
0x251: {  	[sflag:s0] =	ssyncadd.s32 @!p0 s1  }
0x252: {  	[bflag:$0x3] =	sbarrier.arrive $0xFFFF  }
0x253: {  	_ =	shalt  }

</sc_bundles>
